<compile_context>
chip_gen: v7x
topology: tpu7x:2x2x1
jax: 0.10.2.dev20260603
libtpu: 0.0.44.dev20260713+nightly
codegen_flags: <defaults>
</compile_context>

<pallas_src>
import functools

import jax
import jax.numpy as jnp
from jax import lax
from jax.experimental import pallas as pl
from jax.experimental.pallas import tpu as pltpu
from jax.experimental.pallas import tpu_sc as plsc

N = 10000
E = 320000
D = 128
H = 128
OUT = 2
NB = 160000
NA = 150000
NPR = 100000
NI = 50000

NC = 2
NS = 16
L = 16

N_PAD = 10240
R_TC = 1024

E_PER_SC = E // NC
E_PER_TILE = E_PER_SC // NS
SEG_CH = 88
SEG_FULL = E_PER_TILE // SEG_CH
SEG_PAIRS = (SEG_FULL - 1) // 2
SEG_TAIL = E_PER_TILE - SEG_FULL * SEG_CH
N_SH_PER_TILE = N_PAD // NS

NB_P = 160256
NA_P = 150016
NPR_P = 100352
NI_P = 50176
POOL_MAX_W = 5008

_mesh = plsc.VectorSubcoreMesh(core_axis_name="c", subcore_axis_name="s")


@functools.partial(
    pl.kernel,
    out_type=jax.ShapeDtypeStruct((NC, N_PAD, D), jnp.float32),
    mesh=_mesh,
    scratch_types=[
        pltpu.VMEM((E_PER_TILE,), jnp.int32),
        pltpu.VMEM((E_PER_TILE,), jnp.int32),
        pltpu.VMEM((SEG_CH, D), jnp.float32),
        pltpu.VMEM((SEG_CH, D), jnp.float32),
        pltpu.VMEM_SHARED((N_PAD, D), jnp.float32),
        pltpu.SemaphoreType.DMA,
        pltpu.SemaphoreType.DMA,
    ],
    compiler_params=pltpu.CompilerParams(needs_layout_passes=False),
)
def _segment_sum_sc(x_hbm, src_hbm, dst_hbm, zeros_hbm, out_hbm, srcs_v,
                    dsts_v, rows_a, rows_b, agg_sh, sem_a, sem_b):
    c = lax.axis_index("c")
    s = lax.axis_index("s")

    pltpu.sync_copy(zeros_hbm, agg_sh.at[pl.ds(s * N_SH_PER_TILE,
                                               N_SH_PER_TILE)])

    tile_base = c * E_PER_SC + s * E_PER_TILE
    pltpu.sync_copy(src_hbm.at[pl.ds(tile_base, E_PER_TILE)], srcs_v)
    pltpu.sync_copy(dst_hbm.at[pl.ds(tile_base, E_PER_TILE)], dsts_v)
    plsc.subcore_barrier()

    def _gather(off, rows, sem):
        return pltpu.async_copy(
            x_hbm.at[srcs_v.at[pl.ds(off, SEG_CH)]], rows, sem)

    def _wait(off, rows, sem):
        pltpu.make_async_copy(
            x_hbm.at[srcs_v.at[pl.ds(off, SEG_CH)]], rows, sem).wait()

    def _scatter_add(off, rows):
        pltpu.sync_copy(rows, agg_sh.at[dsts_v.at[pl.ds(off, SEG_CH)]],
                        add=True)

    _gather(0, rows_a, sem_a)

    def _edge_body(k, _):
        offa = 2 * k * SEG_CH
        offb = offa + SEG_CH
        offn = offa + 2 * SEG_CH
        _gather(offb, rows_b, sem_b)
        _wait(offa, rows_a, sem_a)
        _scatter_add(offa, rows_a)
        _gather(offn, rows_a, sem_a)
        _wait(offb, rows_b, sem_b)
        _scatter_add(offb, rows_b)
        return 0

    lax.fori_loop(0, SEG_PAIRS, _edge_body, 0)
    offl = (SEG_FULL - 1) * SEG_CH
    offt = SEG_FULL * SEG_CH
    tail_rows = rows_b.at[pl.ds(0, SEG_TAIL)]
    pltpu.async_copy(x_hbm.at[srcs_v.at[pl.ds(offt, SEG_TAIL)]], tail_rows,
                     sem_b)
    _wait(offl, rows_a, sem_a)
    _scatter_add(offl, rows_a)
    pltpu.make_async_copy(x_hbm.at[srcs_v.at[pl.ds(offt, SEG_TAIL)]],
                          tail_rows, sem_b).wait()
    pltpu.sync_copy(tail_rows, agg_sh.at[dsts_v.at[pl.ds(offt, SEG_TAIL)]],
                    add=True)
    plsc.subcore_barrier()

    pltpu.sync_copy(agg_sh.at[pl.ds(s * N_SH_PER_TILE, N_SH_PER_TILE)],
                    out_hbm.at[c, pl.ds(s * N_SH_PER_TILE, N_SH_PER_TILE)])


def _encoder_body(x_ref, agg_ref, wmsg_ref, wself_ref, bg_ref, wcat_ref,
                  bcat_ref, t_ref):
    agg = agg_ref[0] + agg_ref[1]
    pre = (
        lax.dot_general(agg, wmsg_ref[...], (((1,), (0,)), ((), ())),
                        precision=lax.Precision.HIGHEST)
        + lax.dot_general(x_ref[...], wself_ref[...], (((1,), (0,)), ((), ())),
                          precision=lax.Precision.HIGHEST)
        + bg_ref[...]
    )
    nr = jnp.maximum(pre, 0.0)
    t = lax.dot_general(wcat_ref[...], nr, (((0,), (1,)), ((), ())),
                        precision=lax.Precision.HIGHEST)
    t_ref[...] = t + bcat_ref[...]


_encoder_tc = pl.pallas_call(
    _encoder_body,
    grid=(N_PAD // R_TC,),
    in_specs=[
        pl.BlockSpec((R_TC, D), lambda i: (i, 0)),
        pl.BlockSpec((NC, R_TC, D), lambda i: (0, i, 0)),
        pl.BlockSpec((D, H), lambda i: (0, 0)),
        pl.BlockSpec((D, H), lambda i: (0, 0)),
        pl.BlockSpec((1, H), lambda i: (0, 0)),
        pl.BlockSpec((H, 16), lambda i: (0, 0)),
        pl.BlockSpec((16, 1), lambda i: (0, 0)),
    ],
    out_specs=pl.BlockSpec((16, R_TC), lambda i: (0, i)),
    out_shape=jax.ShapeDtypeStruct((16, N_PAD), jnp.float32),
)

_POOL_PHASES = (
    (NB_P, 2, (0, 1), (0, 0), 2, 10016),
    (NA_P, 3, (2, 3, 4, 5), (0, 2, 0), 2, 9376),
    (NPR_P, 4, (6, 7, 8, 9), (0, 2, 2, 0), 1, 12544),
    (NI_P, 4, (10, 11, 12, 13), (0, 2, 2, 2), 1, 6272),
)
POOL_TPP = (NC * NS) // len(_POOL_PHASES)
POOL_IDX_MAX = 50176
POOL_OUT_MAX = 25088


@functools.partial(
    pl.kernel,
    out_type=tuple(
        jax.ShapeDtypeStruct((OUT * cnt,), jnp.float32)
        for (cnt, _, _, _, _, _) in _POOL_PHASES
    ),
    mesh=_mesh,
    scratch_types=[
        pltpu.VMEM((4 * N,), jnp.float32),
        pltpu.VMEM((POOL_IDX_MAX,), jnp.int32),
        pltpu.VMEM((POOL_OUT_MAX,), jnp.float32),
    ],
    compiler_params=pltpu.CompilerParams(needs_layout_passes=False),
)
def _pools_sc(t_hbm, bidx_hbm, aidx_hbm, pidx_hbm, iidx_hbm,
              bonds_hbm, angles_hbm, propers_hbm, impropers_hbm,
              tab_v, idx_v, out_v):
    c = lax.axis_index("c")
    s = lax.axis_index("s")
    wid = s * NC + c

    idx_refs = (bidx_hbm, aidx_hbm, pidx_hbm, iidx_hbm)
    out_refs = (bonds_hbm, angles_hbm, propers_hbm, impropers_hbm)

    for phase, (cnt, k, trows, tbase, nch, csz) in enumerate(_POOL_PHASES):
        w = cnt // POOL_TPP

        @pl.when((wid >= phase * POOL_TPP) & (wid < (phase + 1) * POOL_TPP))
        def _phase_body(phase=phase, cnt=cnt, k=k, trows=trows, tbase=tbase,
                        nch=nch, csz=csz, w=w):
            q = wid - phase * POOL_TPP
            for j, r in enumerate(trows):
                pltpu.sync_copy(t_hbm.at[pl.ds(r * N_PAD, N)],
                                tab_v.at[pl.ds(j * N, N)])
            for ci in range(nch):
                base = q * w + ci * csz
                for j in range(k):
                    pltpu.sync_copy(
                        idx_refs[phase].at[pl.ds(j * cnt + base, csz)],
                        idx_v.at[pl.ds(j * csz, csz)])

                def _group_body(g, _, k=k, tbase=tbase, csz=csz):
                    off = g * L
                    ivecs = [idx_v[pl.ds(j * csz + off, L)] for j in range(k)]
                    for col in range(OUT):
                        acc = plsc.load_gather(
                            tab_v, [ivecs[0] + (tbase[0] + col) * N])
                        for j in range(1, k):
                            acc = acc + plsc.load_gather(
                                tab_v, [ivecs[j] + (tbase[j] + col) * N])
                        out_v[pl.ds(col * csz + off, L)] = acc
                    return 0

                lax.fori_loop(0, csz // L, _group_body, 0)
                for col in range(OUT):
                    pltpu.sync_copy(
                        out_v.at[pl.ds(col * csz, csz)],
                        out_refs[phase].at[pl.ds(col * cnt + base, csz)])


def _pad_rows(a, rows):
    return jnp.pad(a, ((0, rows - a.shape[0]), (0, 0)))


def kernel(x, edge_index, bond_idx, angle_idx, proper_idx, improper_idx,
           W_msg, W_self, b_gnn, W_atoms, b_atoms, W_bonds, b_bonds,
           W_angles, b_angles, W_propers, b_propers, W_impropers, b_impropers):
    f32 = jnp.float32

    wb = W_bonds[:H] + W_bonds[H:]
    wa02 = W_angles[:H] + W_angles[2 * H:]
    wa1 = 2.0 * W_angles[H:2 * H]
    wp03 = W_propers[:H] + W_propers[3 * H:]
    wp12 = W_propers[H:2 * H] + W_propers[2 * H:3 * H]
    wi0 = 3.0 * W_impropers[:H]
    wi123 = (W_impropers[H:2 * H] + W_impropers[2 * H:3 * H]
             + W_impropers[3 * H:])
    wcat = jnp.concatenate(
        [wb, wa02, wa1, wp03, wp12, wi0, wi123, W_atoms], axis=1)
    z2 = jnp.zeros((OUT,), f32)
    bcat = jnp.concatenate(
        [b_bonds, z2, 2.0 * b_angles, b_propers, z2, 3.0 * b_impropers, z2,
         b_atoms]).reshape(16, 1)

    zeros_blk = jnp.zeros((N_SH_PER_TILE, D), f32)
    agg_pair = _segment_sum_sc(x, edge_index[0], edge_index[1], zeros_blk)

    x_pad = _pad_rows(x, N_PAD)
    t = _encoder_tc(x_pad, agg_pair, W_msg, W_self, b_gnn.reshape(1, H),
                    wcat, bcat)

    bidx = _pad_rows(bond_idx, NB_P).T.reshape(-1)
    aidx = _pad_rows(angle_idx, NA_P).T.reshape(-1)
    pidx = _pad_rows(proper_idx, NPR_P).T.reshape(-1)
    iidx = _pad_rows(improper_idx, NI_P).T.reshape(-1)
    bonds_f, angles_f, propers_f, impropers_f = _pools_sc(
        t.reshape(-1), bidx, aidx, pidx, iidx)

    atoms = t[14:16, :N].T
    bonds = bonds_f.reshape(OUT, NB_P)[:, :NB].T
    angles = angles_f.reshape(OUT, NA_P)[:, :NA].T
    propers = propers_f.reshape(OUT, NPR_P)[:, :NPR].T
    impropers = impropers_f.reshape(OUT, NI_P)[:, :NI].T
    return (atoms, bonds, angles, propers, impropers)

# --- scband reference (transcript-rebuilt; emitter-appended) ---
"""Pipeline reference for scband-valence-model-79053168050317 (READ-ONLY COPY).

The authoritative reference and input builder live on the scoring server;
editing this copy changes nothing except your own understanding.
"""

import jax, jax.numpy as jnp
import numpy as np

N = 10000
E = 320000
D = 128
H = 128
OUT = 2
NB = 160000
NA = 150000
NP = 100000
NI = 50000


def setup_inputs(seed: int = 0) -> dict:
    key = jax.random.key(seed)
    ks = jax.random.split(key, 24)
    x = jax.random.normal(ks[0], (N, D), dtype=jnp.float32)
    edge_index = jax.random.randint(ks[1], (2, E), 0, N, dtype=jnp.int32)
    bond_idx = jax.random.randint(ks[2], (NB, 2), 0, N, dtype=jnp.int32)
    angle_idx = jax.random.randint(ks[3], (NA, 3), 0, N, dtype=jnp.int32)
    proper_idx = jax.random.randint(ks[4], (NP, 4), 0, N, dtype=jnp.int32)
    improper_idx = jax.random.randint(ks[5], (NI, 4), 0, N, dtype=jnp.int32)
    s = 0.05
    W_msg = jax.random.normal(ks[6], (D, H), dtype=jnp.float32) * s
    W_self = jax.random.normal(ks[7], (D, H), dtype=jnp.float32) * s
    b_gnn = jnp.zeros((H,), dtype=jnp.float32)
    W_atoms = jax.random.normal(ks[8], (H, OUT), dtype=jnp.float32) * s
    b_atoms = jnp.zeros((OUT,), dtype=jnp.float32)
    W_bonds = jax.random.normal(ks[9], (2 * H, OUT), dtype=jnp.float32) * s
    b_bonds = jnp.zeros((OUT,), dtype=jnp.float32)
    W_angles = jax.random.normal(ks[10], (3 * H, OUT), dtype=jnp.float32) * s
    b_angles = jnp.zeros((OUT,), dtype=jnp.float32)
    W_propers = jax.random.normal(ks[11], (4 * H, OUT), dtype=jnp.float32) * s
    b_propers = jnp.zeros((OUT,), dtype=jnp.float32)
    W_impropers = jax.random.normal(ks[12], (4 * H, OUT), dtype=jnp.float32) * s
    b_impropers = jnp.zeros((OUT,), dtype=jnp.float32)
    return {
        "x": x, "edge_index": edge_index, "bond_idx": bond_idx,
        "angle_idx": angle_idx, "proper_idx": proper_idx, "improper_idx": improper_idx,
        "W_msg": W_msg, "W_self": W_self, "b_gnn": b_gnn,
        "W_atoms": W_atoms, "b_atoms": b_atoms,
        "W_bonds": W_bonds, "b_bonds": b_bonds,
        "W_angles": W_angles, "b_angles": b_angles,
        "W_propers": W_propers, "b_propers": b_propers,
        "W_impropers": W_impropers, "b_impropers": b_impropers,
    }


def reference(x, edge_index, bond_idx, angle_idx, proper_idx, improper_idx,
              W_msg, W_self, b_gnn,
              W_atoms, b_atoms, W_bonds, b_bonds, W_angles, b_angles,
              W_propers, b_propers, W_impropers, b_impropers):
    # node_representation: one message-passing layer (sum aggregation + linear + relu)
    src = edge_index[0]
    dst = edge_index[1]
    msgs = jnp.take(x, src, axis=0)
    agg = jax.ops.segment_sum(msgs, dst, num_segments=x.shape[0])
    node_reps = jax.nn.relu(agg @ W_msg + x @ W_self + b_gnn)

    def symmetry_pool(W, b, interactions, permutations):
        total = None
        for perm in permutations:
            feat = jnp.concatenate([jnp.take(node_reps, interactions[:, i], axis=0) for i in perm], axis=1)
            term = feat @ W + b
            total = term if total is None else total + term
        return total

    atoms = node_reps @ W_atoms + b_atoms
    bonds = symmetry_pool(W_bonds, b_bonds, bond_idx, [(0, 1), (1, 0)])
    angles = symmetry_pool(W_angles, b_angles, angle_idx, [(0, 1, 2), (2, 1, 0)])
    propers = symmetry_pool(W_propers, b_propers, proper_idx, [(0, 1, 2, 3), (3, 2, 1, 0)])
    impropers = symmetry_pool(W_impropers, b_impropers, improper_idx, [(0, 1, 2, 3), (0, 2, 3, 1), (0, 3, 1, 2)])
    return (atoms, bonds, angles, propers, impropers)

if __name__ == "__main__":
    import jax
    _d = setup_inputs()
    print(jax.jit(kernel)(*tuple(_d.values())))

</pallas_src>

<mosaic_0001>
#map = affine_map<(d0, d1) -> (0)>
module attributes {stable_mosaic.version = 14 : i64} {
  func.func @_pools_sc(%arg0: i32, %arg1: i32, %arg2: memref<163840xf32, #tpu.memory_space<hbm>>, %arg3: memref<320512xi32, #tpu.memory_space<hbm>>, %arg4: memref<450048xi32, #tpu.memory_space<hbm>>, %arg5: memref<401408xi32, #tpu.memory_space<hbm>>, %arg6: memref<200704xi32, #tpu.memory_space<hbm>>, %arg7: memref<320512xf32, #tpu.memory_space<hbm>>, %arg8: memref<300032xf32, #tpu.memory_space<hbm>>, %arg9: memref<200704xf32, #tpu.memory_space<hbm>>, %arg10: memref<100352xf32, #tpu.memory_space<hbm>>, %arg11: memref<40000xf32, #tpu.memory_space<vmem>>, %arg12: memref<50176xi32, #tpu.memory_space<vmem>>, %arg13: memref<25088xf32, #tpu.memory_space<vmem>>) attributes {dimension_semantics = [#tpu.dimension_semantics<core_parallel>, #tpu.dimension_semantics<subcore_parallel>], iteration_bounds = array<i64: 2, 16>, scalar_prefetch = 0 : i64, scratch_operands = 3 : i64, tpu.core_type = #tpu.core_type<sc_vector_subcore>, window_params = [{transform_indices = #map}, {transform_indices = #map}, {transform_indices = #map}, {transform_indices = #map}, {transform_indices = #map}, {transform_indices = #map}, {transform_indices = #map}, {transform_indices = #map}, {transform_indices = #map}]} {
    %mul3A = arith.constant 2 : i32
    %mul3A_0 = arith.muli %arg1, %mul3A : i32
    %add3A = arith.addi %mul3A_0, %arg0 : i32
    %ge3A = arith.constant 0 : i32
    %ge3A_1 = arith.cmpi sge, %add3A, %ge3A : i32
    %lt3A = arith.constant 8 : i32
    %lt3A_2 = arith.cmpi slt, %add3A, %lt3A : i32
    %and3A = arith.andi %ge3A_1, %lt3A_2 : i1
    %convert_element_type3A = arith.extui %and3A : i1 to i32
    %cond3A = arith.constant 0 : i32
    %cond3A_3 = arith.cmpi ne, %convert_element_type3A, %cond3A : i32
    scf.if %cond3A_3 {
      %sub3A = arith.constant 0 : i32
      %sub3A_28 = arith.subi %add3A, %sub3A : i32
      "tpu.region"() ({
        %run_scoped3A = tpu.sem_alloc : memref<!tpu.dma_semaphore, #tpu.memory_space<semaphore_mem>>
        %dma_start3A = arith.constant 0 : i32
        %dma_start3A_66 = tpu.memref_slice %arg11[%dma_start3A] : memref<40000xf32, #tpu.memory_space<vmem>> -> memref<10000xf32, #tpu.memory_space<vmem>>
        %dma_start3A_67 = arith.constant 0 : i32
        %dma_start3A_68 = tpu.memref_slice %arg2[%dma_start3A_67] : memref<163840xf32, #tpu.memory_space<hbm>> -> memref<10000xf32, #tpu.memory_space<hbm>>
        %dma_start3A_69 = arith.constant 0 : i32
        %dma_start3A_70 = tpu.memref_slice %arg11[%dma_start3A_69] : memref<40000xf32, #tpu.memory_space<vmem>> -> memref<10000xf32, #tpu.memory_space<vmem>>
        %dma_start3A_71 = arith.constant 0 : i32
        %dma_start3A_72 = tpu.memref_slice %arg2[%dma_start3A_71] : memref<163840xf32, #tpu.memory_space<hbm>> -> memref<10000xf32, #tpu.memory_space<hbm>>
        tpu.enqueue_dma source(%dma_start3A_72 : memref<10000xf32, #tpu.memory_space<hbm>>) target(%dma_start3A_70 : memref<10000xf32, #tpu.memory_space<vmem>>) target_semaphore(%run_scoped3A : memref<!tpu.dma_semaphore, #tpu.memory_space<semaphore_mem>>)
        %dma_wait3A = arith.constant 0 : i32
        %dma_wait3A_73 = tpu.memref_slice %arg11[%dma_wait3A] : memref<40000xf32, #tpu.memory_space<vmem>> -> memref<10000xf32, #tpu.memory_space<vmem>>
        %dma_wait3A_74 = arith.constant 0 : i32
        %dma_wait3A_75 = tpu.memref_slice %arg2[%dma_wait3A_74] : memref<163840xf32, #tpu.memory_space<hbm>> -> memref<10000xf32, #tpu.memory_space<hbm>>
        %dma_wait3A_76 = arith.constant 0 : i32
        %dma_wait3A_77 = tpu.memref_slice %arg11[%dma_wait3A_76] : memref<40000xf32, #tpu.memory_space<vmem>> -> memref<10000xf32, #tpu.memory_space<vmem>>
        %dma_wait3A_78 = arith.constant 0 : i32
        %dma_wait3A_79 = tpu.memref_slice %arg2[%dma_wait3A_78] : memref<163840xf32, #tpu.memory_space<hbm>> -> memref<10000xf32, #tpu.memory_space<hbm>>
        tpu.wait_dma2 semaphore(%run_scoped3A : memref<!tpu.dma_semaphore, #tpu.memory_space<semaphore_mem>>) src(%dma_wait3A_79 : memref<10000xf32, #tpu.memory_space<hbm>>) dst(%dma_wait3A_77 : memref<10000xf32, #tpu.memory_space<vmem>>)
        tpu.yield
      }) : () -> ()
      "tpu.region"() ({
        %run_scoped3A = tpu.sem_alloc : memref<!tpu.dma_semaphore, #tpu.memory_space<semaphore_mem>>
        %dma_start3A = arith.constant 10000 : i32
        %dma_start3A_66 = tpu.memref_slice %arg11[%dma_start3A] : memref<40000xf32, #tpu.memory_space<vmem>> -> memref<10000xf32, #tpu.memory_space<vmem>>
        %dma_start3A_67 = arith.constant 10240 : i32
        %dma_start3A_68 = tpu.memref_slice %arg2[%dma_start3A_67] : memref<163840xf32, #tpu.memory_space<hbm>> -> memref<10000xf32, #tpu.memory_space<hbm>>
        %dma_start3A_69 = arith.constant 10000 : i32
        %dma_start3A_70 = tpu.memref_slice %arg11[%dma_start3A_69] : memref<40000xf32, #tpu.memory_space<vmem>> -> memref<10000xf32, #tpu.memory_space<vmem>>
        %dma_start3A_71 = arith.constant 10240 : i32
        %dma_start3A_72 = tpu.memref_slice %arg2[%dma_start3A_71] : memref<163840xf32, #tpu.memory_space<hbm>> -> memref<10000xf32, #tpu.memory_space<hbm>>
        tpu.enqueue_dma source(%dma_start3A_72 : memref<10000xf32, #tpu.memory_space<hbm>>) target(%dma_start3A_70 : memref<10000xf32, #tpu.memory_space<vmem>>) target_semaphore(%run_scoped3A : memref<!tpu.dma_semaphore, #tpu.memory_space<semaphore_mem>>)
        %dma_wait3A = arith.constant 10000 : i32
        %dma_wait3A_73 = tpu.memref_slice %arg11[%dma_wait3A] : memref<40000xf32, #tpu.memory_space<vmem>> -> memref<10000xf32, #tpu.memory_space<vmem>>
        %dma_wait3A_74 = arith.constant 10240 : i32
        %dma_wait3A_75 = tpu.memref_slice %arg2[%dma_wait3A_74] : memref<163840xf32, #tpu.memory_space<hbm>> -> memref<10000xf32, #tpu.memory_space<hbm>>
        %dma_wait3A_76 = arith.constant 10000 : i32
        %dma_wait3A_77 = tpu.memref_slice %arg11[%dma_wait3A_76] : memref<40000xf32, #tpu.memory_space<vmem>> -> memref<10000xf32, #tpu.memory_space<vmem>>
        %dma_wait3A_78 = arith.constant 10240 : i32
        %dma_wait3A_79 = tpu.memref_slice %arg2[%dma_wait3A_78] : memref<163840xf32, #tpu.memory_space<hbm>> -> memref<10000xf32, #tpu.memory_space<hbm>>
        tpu.wait_dma2 semaphore(%run_scoped3A : memref<!tpu.dma_semaphore, #tpu.memory_space<semaphore_mem>>) src(%dma_wait3A_79 : memref<10000xf32, #tpu.memory_space<hbm>>) dst(%dma_wait3A_77 : memref<10000xf32, #tpu.memory_space<vmem>>)
        tpu.yield
      }) : () -> ()
      %mul3A_29 = arith.constant 20032 : i32
      %mul3A_30 = arith.muli %sub3A_28, %mul3A_29 : i32
      %add3A_31 = arith.constant 0 : i32
      %add3A_32 = arith.addi %mul3A_30, %add3A_31 : i32
      %add3A_33 = arith.constant 0 : i32
      %add3A_34 = arith.addi %add3A_33, %add3A_32 : i32
      "tpu.region"() ({
        %run_scoped3A = tpu.sem_alloc : memref<!tpu.dma_semaphore, #tpu.memory_space<semaphore_mem>>
        %dma_start3A = arith.constant 0 : i32
        %dma_start3A_66 = tpu.memref_slice %arg12[%dma_start3A] : memref<50176xi32, #tpu.memory_space<vmem>> -> memref<10016xi32, #tpu.memory_space<vmem>>
        %dma_start3A_67 = tpu.memref_slice %arg3[%add3A_34] : memref<320512xi32, #tpu.memory_space<hbm>> -> memref<10016xi32, #tpu.memory_space<hbm>>
        %dma_start3A_68 = arith.constant 0 : i32
        %dma_start3A_69 = tpu.memref_slice %arg12[%dma_start3A_68] : memref<50176xi32, #tpu.memory_space<vmem>> -> memref<10016xi32, #tpu.memory_space<vmem>>
        %dma_start3A_70 = tpu.memref_slice %arg3[%add3A_34] : memref<320512xi32, #tpu.memory_space<hbm>> -> memref<10016xi32, #tpu.memory_space<hbm>>
        tpu.enqueue_dma source(%dma_start3A_70 : memref<10016xi32, #tpu.memory_space<hbm>>) target(%dma_start3A_69 : memref<10016xi32, #tpu.memory_space<vmem>>) target_semaphore(%run_scoped3A : memref<!tpu.dma_semaphore, #tpu.memory_space<semaphore_mem>>)
        %dma_wait3A = arith.constant 0 : i32
        %dma_wait3A_71 = tpu.memref_slice %arg12[%dma_wait3A] : memref<50176xi32, #tpu.memory_space<vmem>> -> memref<10016xi32, #tpu.memory_space<vmem>>
        %dma_wait3A_72 = tpu.memref_slice %arg3[%add3A_34] : memref<320512xi32, #tpu.memory_space<hbm>> -> memref<10016xi32, #tpu.memory_space<hbm>>
        %dma_wait3A_73 = arith.constant 0 : i32
        %dma_wait3A_74 = tpu.memref_slice %arg12[%dma_wait3A_73] : memref<50176xi32, #tpu.memory_space<vmem>> -> memref<10016xi32, #tpu.memory_space<vmem>>
        %dma_wait3A_75 = tpu.memref_slice %arg3[%add3A_34] : memref<320512xi32, #tpu.memory_space<hbm>> -> memref<10016xi32, #tpu.memory_space<hbm>>
        tpu.wait_dma2 semaphore(%run_scoped3A : memref<!tpu.dma_semaphore, #tpu.memory_space<semaphore_mem>>) src(%dma_wait3A_75 : memref<10016xi32, #tpu.memory_space<hbm>>) dst(%dma_wait3A_74 : memref<10016xi32, #tpu.memory_space<vmem>>)
        tpu.yield
      }) : () -> ()
      %add3A_35 = arith.constant 160256 : i32
      %add3A_36 = arith.addi %add3A_35, %add3A_32 : i32
      "tpu.region"() ({
        %run_scoped3A = tpu.sem_alloc : memref<!tpu.dma_semaphore, #tpu.memory_space<semaphore_mem>>
        %dma_start3A = arith.constant 10016 : i32
        %dma_start3A_66 = tpu.memref_slice %arg12[%dma_start3A] : memref<50176xi32, #tpu.memory_space<vmem>> -> memref<10016xi32, #tpu.memory_space<vmem>>
        %dma_start3A_67 = tpu.memref_slice %arg3[%add3A_36] : memref<320512xi32, #tpu.memory_space<hbm>> -> memref<10016xi32, #tpu.memory_space<hbm>>
        %dma_start3A_68 = arith.constant 10016 : i32
        %dma_start3A_69 = tpu.memref_slice %arg12[%dma_start3A_68] : memref<50176xi32, #tpu.memory_space<vmem>> -> memref<10016xi32, #tpu.memory_space<vmem>>
        %dma_start3A_70 = tpu.memref_slice %arg3[%add3A_36] : memref<320512xi32, #tpu.memory_space<hbm>> -> memref<10016xi32, #tpu.memory_space<hbm>>
        tpu.enqueue_dma source(%dma_start3A_70 : memref<10016xi32, #tpu.memory_space<hbm>>) target(%dma_start3A_69 : memref<10016xi32, #tpu.memory_space<vmem>>) target_semaphore(%run_scoped3A : memref<!tpu.dma_semaphore, #tpu.memory_space<semaphore_mem>>)
        %dma_wait3A = arith.constant 10016 : i32
        %dma_wait3A_71 = tpu.memref_slice %arg12[%dma_wait3A] : memref<50176xi32, #tpu.memory_space<vmem>> -> memref<10016xi32, #tpu.memory_space<vmem>>
        %dma_wait3A_72 = tpu.memref_slice %arg3[%add3A_36] : memref<320512xi32, #tpu.memory_space<hbm>> -> memref<10016xi32, #tpu.memory_space<hbm>>
        %dma_wait3A_73 = arith.constant 10016 : i32
        %dma_wait3A_74 = tpu.memref_slice %arg12[%dma_wait3A_73] : memref<50176xi32, #tpu.memory_space<vmem>> -> memref<10016xi32, #tpu.memory_space<vmem>>
        %dma_wait3A_75 = tpu.memref_slice %arg3[%add3A_36] : memref<320512xi32, #tpu.memory_space<hbm>> -> memref<10016xi32, #tpu.memory_space<hbm>>
        tpu.wait_dma2 semaphore(%run_scoped3A : memref<!tpu.dma_semaphore, #tpu.memory_space<semaphore_mem>>) src(%dma_wait3A_75 : memref<10016xi32, #tpu.memory_space<hbm>>) dst(%dma_wait3A_74 : memref<10016xi32, #tpu.memory_space<vmem>>)
        tpu.yield
      }) : () -> ()
      %scan3A = arith.constant 0 : i32
      %scan3A_37 = arith.constant 0 : i32
      %scan3A_38 = arith.constant 626 : i32
      %scan3A_39 = arith.addi %scan3A_37, %scan3A_38 : i32
      %scan3A_40 = arith.constant 1 : i32
      %scan3A_41 = scf.for %scan3A_66 = %scan3A_37 to %scan3A_39 step %scan3A_40 iter_args(%scan3A_67 = %scan3A) -> (i32)  : i32 {
        %mul3A_68 = arith.constant 16 : i32
        %mul3A_69 = arith.muli %scan3A_66, %mul3A_68 : i32
        %add3A_70 = arith.constant 0 : i32
        %add3A_71 = arith.addi %add3A_70, %mul3A_69 : i32
        %get3A = arith.index_cast %add3A_71 : i32 to index
        %get3A_72 = tpu.vector_load %arg12[%get3A] {strides = array<i32>} : memref<50176xi32, #tpu.memory_space<vmem>>, vector<16xi32>,
        %add3A_73 = arith.constant 10016 : i32
        %add3A_74 = arith.addi %add3A_73, %mul3A_69 : i32
        %get3A_75 = arith.index_cast %add3A_74 : i32 to index
        %get3A_76 = tpu.vector_load %arg12[%get3A_75] {strides = array<i32>} : memref<50176xi32, #tpu.memory_space<vmem>>, vector<16xi32>,
        %add3A_77 = arith.constant 0 : i32
        %add3A_78 = vector.broadcast %add3A_77 : i32 to vector<16xi32>
        %add3A_79 = arith.addi %get3A_72, %add3A_78 : vector<16xi32>
        %gather3A = tpu.vector_load_idx %arg11[%add3A_79] : memref<40000xf32, #tpu.memory_space<vmem>>[vector<16xi32>], vector<16xf32>,
        %add3A_80 = arith.constant 0 : i32
        %add3A_81 = vector.broadcast %add3A_80 : i32 to vector<16xi32>
        %add3A_82 = arith.addi %get3A_76, %add3A_81 : vector<16xi32>
        %gather3A_83 = tpu.vector_load_idx %arg11[%add3A_82] : memref<40000xf32, #tpu.memory_space<vmem>>[vector<16xi32>], vector<16xf32>,
        %add3A_84 = arith.addf %gather3A, %gather3A_83 : vector<16xf32>
        %add3A_85 = arith.constant 0 : i32
        %add3A_86 = arith.addi %add3A_85, %mul3A_69 : i32
        %swap3A = arith.index_cast %add3A_86 : i32 to index
        %swap3A_87 = tpu.vector_load %arg13[%swap3A] {strides = array<i32>} : memref<25088xf32, #tpu.memory_space<vmem>>, vector<16xf32>,
        tpu.vector_store %arg13[%swap3A], %add3A_84 {strides = array<i32>} : memref<25088xf32, #tpu.memory_space<vmem>>, vector<16xf32>,
        %add3A_88 = arith.constant 10000 : i32
        %add3A_89 = vector.broadcast %add3A_88 : i32 to vector<16xi32>
        %add3A_90 = arith.addi %get3A_72, %add3A_89 : vector<16xi32>
        %gather3A_91 = tpu.vector_load_idx %arg11[%add3A_90] : memref<40000xf32, #tpu.memory_space<vmem>>[vector<16xi32>], vector<16xf32>,
        %add3A_92 = arith.constant 10000 : i32
        %add3A_93 = vector.broadcast %add3A_92 : i32 to vector<16xi32>
        %add3A_94 = arith.addi %get3A_76, %add3A_93 : vector<16xi32>
        %gather3A_95 = tpu.vector_load_idx %arg11[%add3A_94] : memref<40000xf32, #tpu.memory_space<vmem>>[vector<16xi32>], vector<16xf32>,
        %add3A_96 = arith.addf %gather3A_91, %gather3A_95 : vector<16xf32>
        %add3A_97 = arith.constant 10016 : i32
        %add3A_98 = arith.addi %add3A_97, %mul3A_69 : i32
        %swap3A_99 = arith.index_cast %add3A_98 : i32 to index
        %swap3A_100 = tpu.vector_load %arg13[%swap3A_99] {strides = array<i32>} : memref<25088xf32, #tpu.memory_space<vmem>>, vector<16xf32>,
        tpu.vector_store %arg13[%swap3A_99], %add3A_96 {strides = array<i32>} : memref<25088xf32, #tpu.memory_space<vmem>>, vector<16xf32>,
        %scan3A_101 = arith.constant 0 : i32
        scf.yield %scan3A_101 : i32
      }
      %scan3A_42 = arith.constant 626 : i32
      %add3A_43 = arith.constant 0 : i32
      %add3A_44 = arith.addi %add3A_43, %add3A_32 : i32
      "tpu.region"() ({
        %run_scoped3A = tpu.sem_alloc : memref<!tpu.dma_semaphore, #tpu.memory_space<semaphore_mem>>
        %dma_start3A = arith.constant 0 : i32
        %dma_start3A_66 = tpu.memref_slice %arg13[%dma_start3A] : memref<25088xf32, #tpu.memory_space<vmem>> -> memref<10016xf32, #tpu.memory_space<vmem>>
        %dma_start3A_67 = tpu.memref_slice %arg7[%add3A_44] : memref<320512xf32, #tpu.memory_space<hbm>> -> memref<10016xf32, #tpu.memory_space<hbm>>
        %dma_start3A_68 = tpu.memref_slice %arg7[%add3A_44] : memref<320512xf32, #tpu.memory_space<hbm>> -> memref<10016xf32, #tpu.memory_space<hbm>>
        %dma_start3A_69 = arith.constant 0 : i32
        %dma_start3A_70 = tpu.memref_slice %arg13[%dma_start3A_69] : memref<25088xf32, #tpu.memory_space<vmem>> -> memref<10016xf32, #tpu.memory_space<vmem>>
        tpu.enqueue_dma source(%dma_start3A_70 : memref<10016xf32, #tpu.memory_space<vmem>>) target(%dma_start3A_68 : memref<10016xf32, #tpu.memory_space<hbm>>) target_semaphore(%run_scoped3A : memref<!tpu.dma_semaphore, #tpu.memory_space<semaphore_mem>>)
        %dma_wait3A = arith.constant 0 : i32
        %dma_wait3A_71 = tpu.memref_slice %arg13[%dma_wait3A] : memref<25088xf32, #tpu.memory_space<vmem>> -> memref<10016xf32, #tpu.memory_space<vmem>>
        %dma_wait3A_72 = tpu.memref_slice %arg7[%add3A_44] : memref<320512xf32, #tpu.memory_space<hbm>> -> memref<10016xf32, #tpu.memory_space<hbm>>
        %dma_wait3A_73 = tpu.memref_slice %arg7[%add3A_44] : memref<320512xf32, #tpu.memory_space<hbm>> -> memref<10016xf32, #tpu.memory_space<hbm>>
        %dma_wait3A_74 = arith.constant 0 : i32
        %dma_wait3A_75 = tpu.memref_slice %arg13[%dma_wait3A_74] : memref<25088xf32, #tpu.memory_space<vmem>> -> memref<10016xf32, #tpu.memory_space<vmem>>
        tpu.wait_dma2 semaphore(%run_scoped3A : memref<!tpu.dma_semaphore, #tpu.memory_space<semaphore_mem>>) src(%dma_wait3A_75 : memref<10016xf32, #tpu.memory_space<vmem>>) dst(%dma_wait3A_73 : memref<10016xf32, #tpu.memory_space<hbm>>)
        tpu.yield
      }) : () -> ()
      %add3A_45 = arith.constant 160256 : i32
      %add3A_46 = arith.addi %add3A_45, %add3A_32 : i32
      "tpu.region"() ({
        %run_scoped3A = tpu.sem_alloc : memref<!tpu.dma_semaphore, #tpu.memory_space<semaphore_mem>>
        %dma_start3A = arith.constant 10016 : i32
        %dma_start3A_66 = tpu.memref_slice %arg13[%dma_start3A] : memref<25088xf32, #tpu.memory_space<vmem>> -> memref<10016xf32, #tpu.memory_space<vmem>>
        %dma_start3A_67 = tpu.memref_slice %arg7[%add3A_46] : memref<320512xf32, #tpu.memory_space<hbm>> -> memref<10016xf32, #tpu.memory_space<hbm>>
        %dma_start3A_68 = tpu.memref_slice %arg7[%add3A_46] : memref<320512xf32, #tpu.memory_space<hbm>> -> memref<10016xf32, #tpu.memory_space<hbm>>
        %dma_start3A_69 = arith.constant 10016 : i32
        %dma_start3A_70 = tpu.memref_slice %arg13[%dma_start3A_69] : memref<25088xf32, #tpu.memory_space<vmem>> -> memref<10016xf32, #tpu.memory_space<vmem>>
        tpu.enqueue_dma source(%dma_start3A_70 : memref<10016xf32, #tpu.memory_space<vmem>>) target(%dma_start3A_68 : memref<10016xf32, #tpu.memory_space<hbm>>) target_semaphore(%run_scoped3A : memref<!tpu.dma_semaphore, #tpu.memory_space<semaphore_mem>>)
        %dma_wait3A = arith.constant 10016 : i32
        %dma_wait3A_71 = tpu.memref_slice %arg13[%dma_wait3A] : memref<25088xf32, #tpu.memory_space<vmem>> -> memref<10016xf32, #tpu.memory_space<vmem>>
        %dma_wait3A_72 = tpu.memref_slice %arg7[%add3A_46] : memref<320512xf32, #tpu.memory_space<hbm>> -> memref<10016xf32, #tpu.memory_space<hbm>>
        %dma_wait3A_73 = tpu.memref_slice %arg7[%add3A_46] : memref<320512xf32, #tpu.memory_space<hbm>> -> memref<10016xf32, #tpu.memory_space<hbm>>
        %dma_wait3A_74 = arith.constant 10016 : i32
        %dma_wait3A_75 = tpu.memref_slice %arg13[%dma_wait3A_74] : memref<25088xf32, #tpu.memory_space<vmem>> -> memref<10016xf32, #tpu.memory_space<vmem>>
        tpu.wait_dma2 semaphore(%run_scoped3A : memref<!tpu.dma_semaphore, #tpu.memory_space<semaphore_mem>>) src(%dma_wait3A_75 : memref<10016xf32, #tpu.memory_space<vmem>>) dst(%dma_wait3A_73 : memref<10016xf32, #tpu.memory_space<hbm>>)
        tpu.yield
      }) : () -> ()
      %mul3A_47 = arith.constant 20032 : i32
      %mul3A_48 = arith.muli %sub3A_28, %mul3A_47 : i32
      %add3A_49 = arith.constant 10016 : i32
      %add3A_50 = arith.addi %mul3A_48, %add3A_49 : i32
      %add3A_51 = arith.constant 0 : i32
      %add3A_52 = arith.addi %add3A_51, %add3A_50 : i32
      "tpu.region"() ({
        %run_scoped3A = tpu.sem_alloc : memref<!tpu.dma_semaphore, #tpu.memory_space<semaphore_mem>>
        %dma_start3A = arith.constant 0 : i32
        %dma_start3A_66 = tpu.memref_slice %arg12[%dma_start3A] : memref<50176xi32, #tpu.memory_space<vmem>> -> memref<10016xi32, #tpu.memory_space<vmem>>
        %dma_start3A_67 = tpu.memref_slice %arg3[%add3A_52] : memref<320512xi32, #tpu.memory_space<hbm>> -> memref<10016xi32, #tpu.memory_space<hbm>>
        %dma_start3A_68 = arith.constant 0 : i32
        %dma_start3A_69 = tpu.memref_slice %arg12[%dma_start3A_68] : memref<50176xi32, #tpu.memory_space<vmem>> -> memref<10016xi32, #tpu.memory_space<vmem>>
        %dma_start3A_70 = tpu.memref_slice %arg3[%add3A_52] : memref<320512xi32, #tpu.memory_space<hbm>> -> memref<10016xi32, #tpu.memory_space<hbm>>
        tpu.enqueue_dma source(%dma_start3A_70 : memref<10016xi32, #tpu.memory_space<hbm>>) target(%dma_start3A_69 : memref<10016xi32, #tpu.memory_space<vmem>>) target_semaphore(%run_scoped3A : memref<!tpu.dma_semaphore, #tpu.memory_space<semaphore_mem>>)
        %dma_wait3A = arith.constant 0 : i32
        %dma_wait3A_71 = tpu.memref_slice %arg12[%dma_wait3A] : memref<50176xi32, #tpu.memory_space<vmem>> -> memref<10016xi32, #tpu.memory_space<vmem>>
        %dma_wait3A_72 = tpu.memref_slice %arg3[%add3A_52] : memref<320512xi32, #tpu.memory_space<hbm>> -> memref<10016xi32, #tpu.memory_space<hbm>>
        %dma_wait3A_73 = arith.constant 0 : i32
        %dma_wait3A_74 = tpu.memref_slice %arg12[%dma_wait3A_73] : memref<50176xi32, #tpu.memory_space<vmem>> -> memref<10016xi32, #tpu.memory_space<vmem>>
        %dma_wait3A_75 = tpu.memref_slice %arg3[%add3A_52] : memref<320512xi32, #tpu.memory_space<hbm>> -> memref<10016xi32, #tpu.memory_space<hbm>>
        tpu.wait_dma2 semaphore(%run_scoped3A : memref<!tpu.dma_semaphore, #tpu.memory_space<semaphore_mem>>) src(%dma_wait3A_75 : memref<10016xi32, #tpu.memory_space<hbm>>) dst(%dma_wait3A_74 : memref<10016xi32, #tpu.memory_space<vmem>>)
        tpu.yield
      }) : () -> ()
      %add3A_53 = arith.constant 160256 : i32
      %add3A_54 = arith.addi %add3A_53, %add3A_50 : i32
      "tpu.region"() ({
        %run_scoped3A = tpu.sem_alloc : memref<!tpu.dma_semaphore, #tpu.memory_space<semaphore_mem>>
        %dma_start3A = arith.constant 10016 : i32
        %dma_start3A_66 = tpu.memref_slice %arg12[%dma_start3A] : memref<50176xi32, #tpu.memory_space<vmem>> -> memref<10016xi32, #tpu.memory_space<vmem>>
        %dma_start3A_67 = tpu.memref_slice %arg3[%add3A_54] : memref<320512xi32, #tpu.memory_space<hbm>> -> memref<10016xi32, #tpu.memory_space<hbm>>
        %dma_start3A_68 = arith.constant 10016 : i32
        %dma_start3A_69 = tpu.memref_slice %arg12[%dma_start3A_68] : memref<50176xi32, #tpu.memory_space<vmem>> -> memref<10016xi32, #tpu.memory_space<vmem>>
        %dma_start3A_70 = tpu.memref_slice %arg3[%add3A_54] : memref<320512xi32, #tpu.memory_space<hbm>> -> memref<10016xi32, #tpu.memory_space<hbm>>
        tpu.enqueue_dma source(%dma_start3A_70 : memref<10016xi32, #tpu.memory_space<hbm>>) target(%dma_start3A_69 : memref<10016xi32, #tpu.memory_space<vmem>>) target_semaphore(%run_scoped3A : memref<!tpu.dma_semaphore, #tpu.memory_space<semaphore_mem>>)
        %dma_wait3A = arith.constant 10016 : i32
        %dma_wait3A_71 = tpu.memref_slice %arg12[%dma_wait3A] : memref<50176xi32, #tpu.memory_space<vmem>> -> memref<10016xi32, #tpu.memory_space<vmem>>
        %dma_wait3A_72 = tpu.memref_slice %arg3[%add3A_54] : memref<320512xi32, #tpu.memory_space<hbm>> -> memref<10016xi32, #tpu.memory_space<hbm>>
        %dma_wait3A_73 = arith.constant 10016 : i32
        %dma_wait3A_74 = tpu.memref_slice %arg12[%dma_wait3A_73] : memref<50176xi32, #tpu.memory_space<vmem>> -> memref<10016xi32, #tpu.memory_space<vmem>>
        %dma_wait3A_75 = tpu.memref_slice %arg3[%add3A_54] : memref<320512xi32, #tpu.memory_space<hbm>> -> memref<10016xi32, #tpu.memory_space<hbm>>
        tpu.wait_dma2 semaphore(%run_scoped3A : memref<!tpu.dma_semaphore, #tpu.memory_space<semaphore_mem>>) src(%dma_wait3A_75 : memref<10016xi32, #tpu.memory_space<hbm>>) dst(%dma_wait3A_74 : memref<10016xi32, #tpu.memory_space<vmem>>)
        tpu.yield
      }) : () -> ()
      %scan3A_55 = arith.constant 0 : i32
      %scan3A_56 = arith.constant 0 : i32
      %scan3A_57 = arith.constant 626 : i32
      %scan3A_58 = arith.addi %scan3A_56, %scan3A_57 : i32
      %scan3A_59 = arith.constant 1 : i32
      %scan3A_60 = scf.for %scan3A_66 = %scan3A_56 to %scan3A_58 step %scan3A_59 iter_args(%scan3A_67 = %scan3A_55) -> (i32)  : i32 {
        %mul3A_68 = arith.constant 16 : i32
        %mul3A_69 = arith.muli %scan3A_66, %mul3A_68 : i32
        %add3A_70 = arith.constant 0 : i32
        %add3A_71 = arith.addi %add3A_70, %mul3A_69 : i32
        %get3A = arith.index_cast %add3A_71 : i32 to index
        %get3A_72 = tpu.vector_load %arg12[%get3A] {strides = array<i32>} : memref<50176xi32, #tpu.memory_space<vmem>>, vector<16xi32>,
        %add3A_73 = arith.constant 10016 : i32
        %add3A_74 = arith.addi %add3A_73, %mul3A_69 : i32
        %get3A_75 = arith.index_cast %add3A_74 : i32 to index
        %get3A_76 = tpu.vector_load %arg12[%get3A_75] {strides = array<i32>} : memref<50176xi32, #tpu.memory_space<vmem>>, vector<16xi32>,
        %add3A_77 = arith.constant 0 : i32
        %add3A_78 = vector.broadcast %add3A_77 : i32 to vector<16xi32>
        %add3A_79 = arith.addi %get3A_72, %add3A_78 : vector<16xi32>
        %gather3A = tpu.vector_load_idx %arg11[%add3A_79] : memref<40000xf32, #tpu.memory_space<vmem>>[vector<16xi32>], vector<16xf32>,
        %add3A_80 = arith.constant 0 : i32
        %add3A_81 = vector.broadcast %add3A_80 : i32 to vector<16xi32>
        %add3A_82 = arith.addi %get3A_76, %add3A_81 : vector<16xi32>
        %gather3A_83 = tpu.vector_load_idx %arg11[%add3A_82] : memref<40000xf32, #tpu.memory_space<vmem>>[vector<16xi32>], vector<16xf32>,
        %add3A_84 = arith.addf %gather3A, %gather3A_83 : vector<16xf32>
        %add3A_85 = arith.constant 0 : i32
        %add3A_86 = arith.addi %add3A_85, %mul3A_69 : i32
        %swap3A = arith.index_cast %add3A_86 : i32 to index
        %swap3A_87 = tpu.vector_load %arg13[%swap3A] {strides = array<i32>} : memref<25088xf32, #tpu.memory_space<vmem>>, vector<16xf32>,
        tpu.vector_store %arg13[%swap3A], %add3A_84 {strides = array<i32>} : memref<25088xf32, #tpu.memory_space<vmem>>, vector<16xf32>,
        %add3A_88 = arith.constant 10000 : i32
        %add3A_89 = vector.broadcast %add3A_88 : i32 to vector<16xi32>
        %add3A_90 = arith.addi %get3A_72, %add3A_89 : vector<16xi32>
        %gather3A_91 = tpu.vector_load_idx %arg11[%add3A_90] : memref<40000xf32, #tpu.memory_space<vmem>>[vector<16xi32>], vector<16xf32>,
        %add3A_92 = arith.constant 10000 : i32
        %add3A_93 = vector.broadcast %add3A_92 : i32 to vector<16xi32>
        %add3A_94 = arith.addi %get3A_76, %add3A_93 : vector<16xi32>
        %gather3A_95 = tpu.vector_load_idx %arg11[%add3A_94] : memref<40000xf32, #tpu.memory_space<vmem>>[vector<16xi32>], vector<16xf32>,
        %add3A_96 = arith.addf %gather3A_91, %gather3A_95 : vector<16xf32>
        %add3A_97 = arith.constant 10016 : i32
        %add3A_98 = arith.addi %add3A_97, %mul3A_69 : i32
        %swap3A_99 = arith.index_cast %add3A_98 : i32 to index
        %swap3A_100 = tpu.vector_load %arg13[%swap3A_99] {strides = array<i32>} : memref<25088xf32, #tpu.memory_space<vmem>>, vector<16xf32>,
        tpu.vector_store %arg13[%swap3A_99], %add3A_96 {strides = array<i32>} : memref<25088xf32, #tpu.memory_space<vmem>>, vector<16xf32>,
        %scan3A_101 = arith.constant 0 : i32
        scf.yield %scan3A_101 : i32
      }
      %scan3A_61 = arith.constant 626 : i32
      %add3A_62 = arith.constant 0 : i32
      %add3A_63 = arith.addi %add3A_62, %add3A_50 : i32
      "tpu.region"() ({
        %run_scoped3A = tpu.sem_alloc : memref<!tpu.dma_semaphore, #tpu.memory_space<semaphore_mem>>
        %dma_start3A = arith.constant 0 : i32
        %dma_start3A_66 = tpu.memref_slice %arg13[%dma_start3A] : memref<25088xf32, #tpu.memory_space<vmem>> -> memref<10016xf32, #tpu.memory_space<vmem>>
        %dma_start3A_67 = tpu.memref_slice %arg7[%add3A_63] : memref<320512xf32, #tpu.memory_space<hbm>> -> memref<10016xf32, #tpu.memory_space<hbm>>
        %dma_start3A_68 = tpu.memref_slice %arg7[%add3A_63] : memref<320512xf32, #tpu.memory_space<hbm>> -> memref<10016xf32, #tpu.memory_space<hbm>>
        %dma_start3A_69 = arith.constant 0 : i32
        %dma_start3A_70 = tpu.memref_slice %arg13[%dma_start3A_69] : memref<25088xf32, #tpu.memory_space<vmem>> -> memref<10016xf32, #tpu.memory_space<vmem>>
        tpu.enqueue_dma source(%dma_start3A_70 : memref<10016xf32, #tpu.memory_space<vmem>>) target(%dma_start3A_68 : memref<10016xf32, #tpu.memory_space<hbm>>) target_semaphore(%run_scoped3A : memref<!tpu.dma_semaphore, #tpu.memory_space<semaphore_mem>>)
        %dma_wait3A = arith.constant 0 : i32
        %dma_wait3A_71 = tpu.memref_slice %arg13[%dma_wait3A] : memref<25088xf32, #tpu.memory_space<vmem>> -> memref<10016xf32, #tpu.memory_space<vmem>>
        %dma_wait3A_72 = tpu.memref_slice %arg7[%add3A_63] : memref<320512xf32, #tpu.memory_space<hbm>> -> memref<10016xf32, #tpu.memory_space<hbm>>
        %dma_wait3A_73 = tpu.memref_slice %arg7[%add3A_63] : memref<320512xf32, #tpu.memory_space<hbm>> -> memref<10016xf32, #tpu.memory_space<hbm>>
        %dma_wait3A_74 = arith.constant 0 : i32
        %dma_wait3A_75 = tpu.memref_slice %arg13[%dma_wait3A_74] : memref<25088xf32, #tpu.memory_space<vmem>> -> memref<10016xf32, #tpu.memory_space<vmem>>
        tpu.wait_dma2 semaphore(%run_scoped3A : memref<!tpu.dma_semaphore, #tpu.memory_space<semaphore_mem>>) src(%dma_wait3A_75 : memref<10016xf32, #tpu.memory_space<vmem>>) dst(%dma_wait3A_73 : memref<10016xf32, #tpu.memory_space<hbm>>)
        tpu.yield
      }) : () -> ()
      %add3A_64 = arith.constant 160256 : i32
      %add3A_65 = arith.addi %add3A_64, %add3A_50 : i32
      "tpu.region"() ({
        %run_scoped3A = tpu.sem_alloc : memref<!tpu.dma_semaphore, #tpu.memory_space<semaphore_mem>>
        %dma_start3A = arith.constant 10016 : i32
        %dma_start3A_66 = tpu.memref_slice %arg13[%dma_start3A] : memref<25088xf32, #tpu.memory_space<vmem>> -> memref<10016xf32, #tpu.memory_space<vmem>>
        %dma_start3A_67 = tpu.memref_slice %arg7[%add3A_65] : memref<320512xf32, #tpu.memory_space<hbm>> -> memref<10016xf32, #tpu.memory_space<hbm>>
        %dma_start3A_68 = tpu.memref_slice %arg7[%add3A_65] : memref<320512xf32, #tpu.memory_space<hbm>> -> memref<10016xf32, #tpu.memory_space<hbm>>
        %dma_start3A_69 = arith.constant 10016 : i32
        %dma_start3A_70 = tpu.memref_slice %arg13[%dma_start3A_69] : memref<25088xf32, #tpu.memory_space<vmem>> -> memref<10016xf32, #tpu.memory_space<vmem>>
        tpu.enqueue_dma source(%dma_start3A_70 : memref<10016xf32, #tpu.memory_space<vmem>>) target(%dma_start3A_68 : memref<10016xf32, #tpu.memory_space<hbm>>) target_semaphore(%run_scoped3A : memref<!tpu.dma_semaphore, #tpu.memory_space<semaphore_mem>>)
        %dma_wait3A = arith.constant 10016 : i32
        %dma_wait3A_71 = tpu.memref_slice %arg13[%dma_wait3A] : memref<25088xf32, #tpu.memory_space<vmem>> -> memref<10016xf32, #tpu.memory_space<vmem>>
        %dma_wait3A_72 = tpu.memref_slice %arg7[%add3A_65] : memref<320512xf32, #tpu.memory_space<hbm>> -> memref<10016xf32, #tpu.memory_space<hbm>>
        %dma_wait3A_73 = tpu.memref_slice %arg7[%add3A_65] : memref<320512xf32, #tpu.memory_space<hbm>> -> memref<10016xf32, #tpu.memory_space<hbm>>
        %dma_wait3A_74 = arith.constant 10016 : i32
        %dma_wait3A_75 = tpu.memref_slice %arg13[%dma_wait3A_74] : memref<25088xf32, #tpu.memory_space<vmem>> -> memref<10016xf32, #tpu.memory_space<vmem>>
        tpu.wait_dma2 semaphore(%run_scoped3A : memref<!tpu.dma_semaphore, #tpu.memory_space<semaphore_mem>>) src(%dma_wait3A_75 : memref<10016xf32, #tpu.memory_space<vmem>>) dst(%dma_wait3A_73 : memref<10016xf32, #tpu.memory_space<hbm>>)
        tpu.yield
      }) : () -> ()
    } else {
    }
    %ge3A_4 = arith.constant 8 : i32
    %ge3A_5 = arith.cmpi sge, %add3A, %ge3A_4 : i32
    %lt3A_6 = arith.constant 16 : i32
    %lt3A_7 = arith.cmpi slt, %add3A, %lt3A_6 : i32
    %and3A_8 = arith.andi %ge3A_5, %lt3A_7 : i1
    %convert_element_type3A_9 = arith.extui %and3A_8 : i1 to i32
    %cond3A_10 = arith.constant 0 : i32
    %cond3A_11 = arith.cmpi ne, %convert_element_type3A_9, %cond3A_10 : i32
    scf.if %cond3A_11 {
      %sub3A = arith.constant 8 : i32
      %sub3A_28 = arith.subi %add3A, %sub3A : i32
      "tpu.region"() ({
        %run_scoped3A = tpu.sem_alloc : memref<!tpu.dma_semaphore, #tpu.memory_space<semaphore_mem>>
        %dma_start3A = arith.constant 0 : i32
        %dma_start3A_70 = tpu.memref_slice %arg11[%dma_start3A] : memref<40000xf32, #tpu.memory_space<vmem>> -> memref<10000xf32, #tpu.memory_space<vmem>>
        %dma_start3A_71 = arith.constant 20480 : i32
        %dma_start3A_72 = tpu.memref_slice %arg2[%dma_start3A_71] : memref<163840xf32, #tpu.memory_space<hbm>> -> memref<10000xf32, #tpu.memory_space<hbm>>
        %dma_start3A_73 = arith.constant 0 : i32
        %dma_start3A_74 = tpu.memref_slice %arg11[%dma_start3A_73] : memref<40000xf32, #tpu.memory_space<vmem>> -> memref<10000xf32, #tpu.memory_space<vmem>>
        %dma_start3A_75 = arith.constant 20480 : i32
        %dma_start3A_76 = tpu.memref_slice %arg2[%dma_start3A_75] : memref<163840xf32, #tpu.memory_space<hbm>> -> memref<10000xf32, #tpu.memory_space<hbm>>
        tpu.enqueue_dma source(%dma_start3A_76 : memref<10000xf32, #tpu.memory_space<hbm>>) target(%dma_start3A_74 : memref<10000xf32, #tpu.memory_space<vmem>>) target_semaphore(%run_scoped3A : memref<!tpu.dma_semaphore, #tpu.memory_space<semaphore_mem>>)
        %dma_wait3A = arith.constant 0 : i32
        %dma_wait3A_77 = tpu.memref_slice %arg11[%dma_wait3A] : memref<40000xf32, #tpu.memory_space<vmem>> -> memref<10000xf32, #tpu.memory_space<vmem>>
        %dma_wait3A_78 = arith.constant 20480 : i32
        %dma_wait3A_79 = tpu.memref_slice %arg2[%dma_wait3A_78] : memref<163840xf32, #tpu.memory_space<hbm>> -> memref<10000xf32, #tpu.memory_space<hbm>>
        %dma_wait3A_80 = arith.constant 0 : i32
        %dma_wait3A_81 = tpu.memref_slice %arg11[%dma_wait3A_80] : memref<40000xf32, #tpu.memory_space<vmem>> -> memref<10000xf32, #tpu.memory_space<vmem>>
        %dma_wait3A_82 = arith.constant 20480 : i32
        %dma_wait3A_83 = tpu.memref_slice %arg2[%dma_wait3A_82] : memref<163840xf32, #tpu.memory_space<hbm>> -> memref<10000xf32, #tpu.memory_space<hbm>>
        tpu.wait_dma2 semaphore(%run_scoped3A : memref<!tpu.dma_semaphore, #tpu.memory_space<semaphore_mem>>) src(%dma_wait3A_83 : memref<10000xf32, #tpu.memory_space<hbm>>) dst(%dma_wait3A_81 : memref<10000xf32, #tpu.memory_space<vmem>>)
        tpu.yield
      }) : () -> ()
      "tpu.region"() ({
        %run_scoped3A = tpu.sem_alloc : memref<!tpu.dma_semaphore, #tpu.memory_space<semaphore_mem>>
        %dma_start3A = arith.constant 10000 : i32
        %dma_start3A_70 = tpu.memref_slice %arg11[%dma_start3A] : memref<40000xf32, #tpu.memory_space<vmem>> -> memref<10000xf32, #tpu.memory_space<vmem>>
        %dma_start3A_71 = arith.constant 30720 : i32
        %dma_start3A_72 = tpu.memref_slice %arg2[%dma_start3A_71] : memref<163840xf32, #tpu.memory_space<hbm>> -> memref<10000xf32, #tpu.memory_space<hbm>>
        %dma_start3A_73 = arith.constant 10000 : i32
        %dma_start3A_74 = tpu.memref_slice %arg11[%dma_start3A_73] : memref<40000xf32, #tpu.memory_space<vmem>> -> memref<10000xf32, #tpu.memory_space<vmem>>
        %dma_start3A_75 = arith.constant 30720 : i32
        %dma_start3A_76 = tpu.memref_slice %arg2[%dma_start3A_75] : memref<163840xf32, #tpu.memory_space<hbm>> -> memref<10000xf32, #tpu.memory_space<hbm>>
        tpu.enqueue_dma source(%dma_start3A_76 : memref<10000xf32, #tpu.memory_space<hbm>>) target(%dma_start3A_74 : memref<10000xf32, #tpu.memory_space<vmem>>) target_semaphore(%run_scoped3A : memref<!tpu.dma_semaphore, #tpu.memory_space<semaphore_mem>>)
        %dma_wait3A = arith.constant 10000 : i32
        %dma_wait3A_77 = tpu.memref_slice %arg11[%dma_wait3A] : memref<40000xf32, #tpu.memory_space<vmem>> -> memref<10000xf32, #tpu.memory_space<vmem>>
        %dma_wait3A_78 = arith.constant 30720 : i32
        %dma_wait3A_79 = tpu.memref_slice %arg2[%dma_wait3A_78] : memref<163840xf32, #tpu.memory_space<hbm>> -> memref<10000xf32, #tpu.memory_space<hbm>>
        %dma_wait3A_80 = arith.constant 10000 : i32
        %dma_wait3A_81 = tpu.memref_slice %arg11[%dma_wait3A_80] : memref<40000xf32, #tpu.memory_space<vmem>> -> memref<10000xf32, #tpu.memory_space<vmem>>
        %dma_wait3A_82 = arith.constant 30720 : i32
        %dma_wait3A_83 = tpu.memref_slice %arg2[%dma_wait3A_82] : memref<163840xf32, #tpu.memory_space<hbm>> -> memref<10000xf32, #tpu.memory_space<hbm>>
        tpu.wait_dma2 semaphore(%run_scoped3A : memref<!tpu.dma_semaphore, #tpu.memory_space<semaphore_mem>>) src(%dma_wait3A_83 : memref<10000xf32, #tpu.memory_space<hbm>>) dst(%dma_wait3A_81 : memref<10000xf32, #tpu.memory_space<vmem>>)
        tpu.yield
      }) : () -> ()
      "tpu.region"() ({
        %run_scoped3A = tpu.sem_alloc : memref<!tpu.dma_semaphore, #tpu.memory_space<semaphore_mem>>
        %dma_start3A = arith.constant 20000 : i32
        %dma_start3A_70 = tpu.memref_slice %arg11[%dma_start3A] : memref<40000xf32, #tpu.memory_space<vmem>> -> memref<10000xf32, #tpu.memory_space<vmem>>
        %dma_start3A_71 = arith.constant 40960 : i32
        %dma_start3A_72 = tpu.memref_slice %arg2[%dma_start3A_71] : memref<163840xf32, #tpu.memory_space<hbm>> -> memref<10000xf32, #tpu.memory_space<hbm>>
        %dma_start3A_73 = arith.constant 20000 : i32
        %dma_start3A_74 = tpu.memref_slice %arg11[%dma_start3A_73] : memref<40000xf32, #tpu.memory_space<vmem>> -> memref<10000xf32, #tpu.memory_space<vmem>>
        %dma_start3A_75 = arith.constant 40960 : i32
        %dma_start3A_76 = tpu.memref_slice %arg2[%dma_start3A_75] : memref<163840xf32, #tpu.memory_space<hbm>> -> memref<10000xf32, #tpu.memory_space<hbm>>
        tpu.enqueue_dma source(%dma_start3A_76 : memref<10000xf32, #tpu.memory_space<hbm>>) target(%dma_start3A_74 : memref<10000xf32, #tpu.memory_space<vmem>>) target_semaphore(%run_scoped3A : memref<!tpu.dma_semaphore, #tpu.memory_space<semaphore_mem>>)
        %dma_wait3A = arith.constant 20000 : i32
        %dma_wait3A_77 = tpu.memref_slice %arg11[%dma_wait3A] : memref<40000xf32, #tpu.memory_space<vmem>> -> memref<10000xf32, #tpu.memory_space<vmem>>
        %dma_wait3A_78 = arith.constant 40960 : i32
        %dma_wait3A_79 = tpu.memref_slice %arg2[%dma_wait3A_78] : memref<163840xf32, #tpu.memory_space<hbm>> -> memref<10000xf32, #tpu.memory_space<hbm>>
        %dma_wait3A_80 = arith.constant 20000 : i32
        %dma_wait3A_81 = tpu.memref_slice %arg11[%dma_wait3A_80] : memref<40000xf32, #tpu.memory_space<vmem>> -> memref<10000xf32, #tpu.memory_space<vmem>>
        %dma_wait3A_82 = arith.constant 40960 : i32
        %dma_wait3A_83 = tpu.memref_slice %arg2[%dma_wait3A_82] : memref<163840xf32, #tpu.memory_space<hbm>> -> memref<10000xf32, #tpu.memory_space<hbm>>
        tpu.wait_dma2 semaphore(%run_scoped3A : memref<!tpu.dma_semaphore, #tpu.memory_space<semaphore_mem>>) src(%dma_wait3A_83 : memref<10000xf32, #tpu.memory_space<hbm>>) dst(%dma_wait3A_81 : memref<10000xf32, #tpu.memory_space<vmem>>)
        tpu.yield
      }) : () -> ()
      "tpu.region"() ({
        %run_scoped3A = tpu.sem_alloc : memref<!tpu.dma_semaphore, #tpu.memory_space<semaphore_mem>>
        %dma_start3A = arith.constant 30000 : i32
        %dma_start3A_70 = tpu.memref_slice %arg11[%dma_start3A] : memref<40000xf32, #tpu.memory_space<vmem>> -> memref<10000xf32, #tpu.memory_space<vmem>>
        %dma_start3A_71 = arith.constant 51200 : i32
        %dma_start3A_72 = tpu.memref_slice %arg2[%dma_start3A_71] : memref<163840xf32, #tpu.memory_space<hbm>> -> memref<10000xf32, #tpu.memory_space<hbm>>
        %dma_start3A_73 = arith.constant 30000 : i32
        %dma_start3A_74 = tpu.memref_slice %arg11[%dma_start3A_73] : memref<40000xf32, #tpu.memory_space<vmem>> -> memref<10000xf32, #tpu.memory_space<vmem>>
        %dma_start3A_75 = arith.constant 51200 : i32
        %dma_start3A_76 = tpu.memref_slice %arg2[%dma_start3A_75] : memref<163840xf32, #tpu.memory_space<hbm>> -> memref<10000xf32, #tpu.memory_space<hbm>>
        tpu.enqueue_dma source(%dma_start3A_76 : memref<10000xf32, #tpu.memory_space<hbm>>) target(%dma_start3A_74 : memref<10000xf32, #tpu.memory_space<vmem>>) target_semaphore(%run_scoped3A : memref<!tpu.dma_semaphore, #tpu.memory_space<semaphore_mem>>)
        %dma_wait3A = arith.constant 30000 : i32
        %dma_wait3A_77 = tpu.memref_slice %arg11[%dma_wait3A] : memref<40000xf32, #tpu.memory_space<vmem>> -> memref<10000xf32, #tpu.memory_space<vmem>>
        %dma_wait3A_78 = arith.constant 51200 : i32
        %dma_wait3A_79 = tpu.memref_slice %arg2[%dma_wait3A_78] : memref<163840xf32, #tpu.memory_space<hbm>> -> memref<10000xf32, #tpu.memory_space<hbm>>
        %dma_wait3A_80 = arith.constant 30000 : i32
        %dma_wait3A_81 = tpu.memref_slice %arg11[%dma_wait3A_80] : memref<40000xf32, #tpu.memory_space<vmem>> -> memref<10000xf32, #tpu.memory_space<vmem>>
        %dma_wait3A_82 = arith.constant 51200 : i32
        %dma_wait3A_83 = tpu.memref_slice %arg2[%dma_wait3A_82] : memref<163840xf32, #tpu.memory_space<hbm>> -> memref<10000xf32, #tpu.memory_space<hbm>>
        tpu.wait_dma2 semaphore(%run_scoped3A : memref<!tpu.dma_semaphore, #tpu.memory_space<semaphore_mem>>) src(%dma_wait3A_83 : memref<10000xf32, #tpu.memory_space<hbm>>) dst(%dma_wait3A_81 : memref<10000xf32, #tpu.memory_space<vmem>>)
        tpu.yield
      }) : () -> ()
      %mul3A_29 = arith.constant 18752 : i32
      %mul3A_30 = arith.muli %sub3A_28, %mul3A_29 : i32
      %add3A_31 = arith.constant 0 : i32
      %add3A_32 = arith.addi %mul3A_30, %add3A_31 : i32
      %add3A_33 = arith.constant 0 : i32
      %add3A_34 = arith.addi %add3A_33, %add3A_32 : i32
      "tpu.region"() ({
        %run_scoped3A = tpu.sem_alloc : memref<!tpu.dma_semaphore, #tpu.memory_space<semaphore_mem>>
        %dma_start3A = arith.constant 0 : i32
        %dma_start3A_70 = tpu.memref_slice %arg12[%dma_start3A] : memref<50176xi32, #tpu.memory_space<vmem>> -> memref<9376xi32, #tpu.memory_space<vmem>>
        %dma_start3A_71 = tpu.memref_slice %arg4[%add3A_34] : memref<450048xi32, #tpu.memory_space<hbm>> -> memref<9376xi32, #tpu.memory_space<hbm>>
        %dma_start3A_72 = arith.constant 0 : i32
        %dma_start3A_73 = tpu.memref_slice %arg12[%dma_start3A_72] : memref<50176xi32, #tpu.memory_space<vmem>> -> memref<9376xi32, #tpu.memory_space<vmem>>
        %dma_start3A_74 = tpu.memref_slice %arg4[%add3A_34] : memref<450048xi32, #tpu.memory_space<hbm>> -> memref<9376xi32, #tpu.memory_space<hbm>>
        tpu.enqueue_dma source(%dma_start3A_74 : memref<9376xi32, #tpu.memory_space<hbm>>) target(%dma_start3A_73 : memref<9376xi32, #tpu.memory_space<vmem>>) target_semaphore(%run_scoped3A : memref<!tpu.dma_semaphore, #tpu.memory_space<semaphore_mem>>)
        %dma_wait3A = arith.constant 0 : i32
        %dma_wait3A_75 = tpu.memref_slice %arg12[%dma_wait3A] : memref<50176xi32, #tpu.memory_space<vmem>> -> memref<9376xi32, #tpu.memory_space<vmem>>
        %dma_wait3A_76 = tpu.memref_slice %arg4[%add3A_34] : memref<450048xi32, #tpu.memory_space<hbm>> -> memref<9376xi32, #tpu.memory_space<hbm>>
        %dma_wait3A_77 = arith.constant 0 : i32
        %dma_wait3A_78 = tpu.memref_slice %arg12[%dma_wait3A_77] : memref<50176xi32, #tpu.memory_space<vmem>> -> memref<9376xi32, #tpu.memory_space<vmem>>
        %dma_wait3A_79 = tpu.memref_slice %arg4[%add3A_34] : memref<450048xi32, #tpu.memory_space<hbm>> -> memref<9376xi32, #tpu.memory_space<hbm>>
        tpu.wait_dma2 semaphore(%run_scoped3A : memref<!tpu.dma_semaphore, #tpu.memory_space<semaphore_mem>>) src(%dma_wait3A_79 : memref<9376xi32, #tpu.memory_space<hbm>>) dst(%dma_wait3A_78 : memref<9376xi32, #tpu.memory_space<vmem>>)
        tpu.yield
      }) : () -> ()
      %add3A_35 = arith.constant 150016 : i32
      %add3A_36 = arith.addi %add3A_35, %add3A_32 : i32
      "tpu.region"() ({
        %run_scoped3A = tpu.sem_alloc : memref<!tpu.dma_semaphore, #tpu.memory_space<semaphore_mem>>
        %dma_start3A = arith.constant 9376 : i32
        %dma_start3A_70 = tpu.memref_slice %arg12[%dma_start3A] : memref<50176xi32, #tpu.memory_space<vmem>> -> memref<9376xi32, #tpu.memory_space<vmem>>
        %dma_start3A_71 = tpu.memref_slice %arg4[%add3A_36] : memref<450048xi32, #tpu.memory_space<hbm>> -> memref<9376xi32, #tpu.memory_space<hbm>>
        %dma_start3A_72 = arith.constant 9376 : i32
        %dma_start3A_73 = tpu.memref_slice %arg12[%dma_start3A_72] : memref<50176xi32, #tpu.memory_space<vmem>> -> memref<9376xi32, #tpu.memory_space<vmem>>
        %dma_start3A_74 = tpu.memref_slice %arg4[%add3A_36] : memref<450048xi32, #tpu.memory_space<hbm>> -> memref<9376xi32, #tpu.memory_space<hbm>>
        tpu.enqueue_dma source(%dma_start3A_74 : memref<9376xi32, #tpu.memory_space<hbm>>) target(%dma_start3A_73 : memref<9376xi32, #tpu.memory_space<vmem>>) target_semaphore(%run_scoped3A : memref<!tpu.dma_semaphore, #tpu.memory_space<semaphore_mem>>)
        %dma_wait3A = arith.constant 9376 : i32
        %dma_wait3A_75 = tpu.memref_slice %arg12[%dma_wait3A] : memref<50176xi32, #tpu.memory_space<vmem>> -> memref<9376xi32, #tpu.memory_space<vmem>>
        %dma_wait3A_76 = tpu.memref_slice %arg4[%add3A_36] : memref<450048xi32, #tpu.memory_space<hbm>> -> memref<9376xi32, #tpu.memory_space<hbm>>
        %dma_wait3A_77 = arith.constant 9376 : i32
        %dma_wait3A_78 = tpu.memref_slice %arg12[%dma_wait3A_77] : memref<50176xi32, #tpu.memory_space<vmem>> -> memref<9376xi32, #tpu.memory_space<vmem>>
        %dma_wait3A_79 = tpu.memref_slice %arg4[%add3A_36] : memref<450048xi32, #tpu.memory_space<hbm>> -> memref<9376xi32, #tpu.memory_space<hbm>>
        tpu.wait_dma2 semaphore(%run_scoped3A : memref<!tpu.dma_semaphore, #tpu.memory_space<semaphore_mem>>) src(%dma_wait3A_79 : memref<9376xi32, #tpu.memory_space<hbm>>) dst(%dma_wait3A_78 : memref<9376xi32, #tpu.memory_space<vmem>>)
        tpu.yield
      }) : () -> ()
      %add3A_37 = arith.constant 300032 : i32
      %add3A_38 = arith.addi %add3A_37, %add3A_32 : i32
      "tpu.region"() ({
        %run_scoped3A = tpu.sem_alloc : memref<!tpu.dma_semaphore, #tpu.memory_space<semaphore_mem>>
        %dma_start3A = arith.constant 18752 : i32
        %dma_start3A_70 = tpu.memref_slice %arg12[%dma_start3A] : memref<50176xi32, #tpu.memory_space<vmem>> -> memref<9376xi32, #tpu.memory_space<vmem>>
        %dma_start3A_71 = tpu.memref_slice %arg4[%add3A_38] : memref<450048xi32, #tpu.memory_space<hbm>> -> memref<9376xi32, #tpu.memory_space<hbm>>
        %dma_start3A_72 = arith.constant 18752 : i32
        %dma_start3A_73 = tpu.memref_slice %arg12[%dma_start3A_72] : memref<50176xi32, #tpu.memory_space<vmem>> -> memref<9376xi32, #tpu.memory_space<vmem>>
        %dma_start3A_74 = tpu.memref_slice %arg4[%add3A_38] : memref<450048xi32, #tpu.memory_space<hbm>> -> memref<9376xi32, #tpu.memory_space<hbm>>
        tpu.enqueue_dma source(%dma_start3A_74 : memref<9376xi32, #tpu.memory_space<hbm>>) target(%dma_start3A_73 : memref<9376xi32, #tpu.memory_space<vmem>>) target_semaphore(%run_scoped3A : memref<!tpu.dma_semaphore, #tpu.memory_space<semaphore_mem>>)
        %dma_wait3A = arith.constant 18752 : i32
        %dma_wait3A_75 = tpu.memref_slice %arg12[%dma_wait3A] : memref<50176xi32, #tpu.memory_space<vmem>> -> memref<9376xi32, #tpu.memory_space<vmem>>
        %dma_wait3A_76 = tpu.memref_slice %arg4[%add3A_38] : memref<450048xi32, #tpu.memory_space<hbm>> -> memref<9376xi32, #tpu.memory_space<hbm>>
        %dma_wait3A_77 = arith.constant 18752 : i32
        %dma_wait3A_78 = tpu.memref_slice %arg12[%dma_wait3A_77] : memref<50176xi32, #tpu.memory_space<vmem>> -> memref<9376xi32, #tpu.memory_space<vmem>>
        %dma_wait3A_79 = tpu.memref_slice %arg4[%add3A_38] : memref<450048xi32, #tpu.memory_space<hbm>> -> memref<9376xi32, #tpu.memory_space<hbm>>
        tpu.wait_dma2 semaphore(%run_scoped3A : memref<!tpu.dma_semaphore, #tpu.memory_space<semaphore_mem>>) src(%dma_wait3A_79 : memref<9376xi32, #tpu.memory_space<hbm>>) dst(%dma_wait3A_78 : memref<9376xi32, #tpu.memory_space<vmem>>)
        tpu.yield
      }) : () -> ()
      %scan3A = arith.constant 0 : i32
      %scan3A_39 = arith.constant 0 : i32
      %scan3A_40 = arith.constant 586 : i32
      %scan3A_41 = arith.addi %scan3A_39, %scan3A_40 : i32
      %scan3A_42 = arith.constant 1 : i32
      %scan3A_43 = scf.for %scan3A_70 = %scan3A_39 to %scan3A_41 step %scan3A_42 iter_args(%scan3A_71 = %scan3A) -> (i32)  : i32 {
        %mul3A_72 = arith.constant 16 : i32
        %mul3A_73 = arith.muli %scan3A_70, %mul3A_72 : i32
        %add3A_74 = arith.constant 0 : i32
        %add3A_75 = arith.addi %add3A_74, %mul3A_73 : i32
        %get3A = arith.index_cast %add3A_75 : i32 to index
        %get3A_76 = tpu.vector_load %arg12[%get3A] {strides = array<i32>} : memref<50176xi32, #tpu.memory_space<vmem>>, vector<16xi32>,
        %add3A_77 = arith.constant 9376 : i32
        %add3A_78 = arith.addi %add3A_77, %mul3A_73 : i32
        %get3A_79 = arith.index_cast %add3A_78 : i32 to index
        %get3A_80 = tpu.vector_load %arg12[%get3A_79] {strides = array<i32>} : memref<50176xi32, #tpu.memory_space<vmem>>, vector<16xi32>,
        %add3A_81 = arith.constant 18752 : i32
        %add3A_82 = arith.addi %add3A_81, %mul3A_73 : i32
        %get3A_83 = arith.index_cast %add3A_82 : i32 to index
        %get3A_84 = tpu.vector_load %arg12[%get3A_83] {strides = array<i32>} : memref<50176xi32, #tpu.memory_space<vmem>>, vector<16xi32>,
        %add3A_85 = arith.constant 0 : i32
        %add3A_86 = vector.broadcast %add3A_85 : i32 to vector<16xi32>
        %add3A_87 = arith.addi %get3A_76, %add3A_86 : vector<16xi32>
        %gather3A = tpu.vector_load_idx %arg11[%add3A_87] : memref<40000xf32, #tpu.memory_space<vmem>>[vector<16xi32>], vector<16xf32>,
        %add3A_88 = arith.constant 20000 : i32
        %add3A_89 = vector.broadcast %add3A_88 : i32 to vector<16xi32>
        %add3A_90 = arith.addi %get3A_80, %add3A_89 : vector<16xi32>
        %gather3A_91 = tpu.vector_load_idx %arg11[%add3A_90] : memref<40000xf32, #tpu.memory_space<vmem>>[vector<16xi32>], vector<16xf32>,
        %add3A_92 = arith.addf %gather3A, %gather3A_91 : vector<16xf32>
        %add3A_93 = arith.constant 0 : i32
        %add3A_94 = vector.broadcast %add3A_93 : i32 to vector<16xi32>
        %add3A_95 = arith.addi %get3A_84, %add3A_94 : vector<16xi32>
        %gather3A_96 = tpu.vector_load_idx %arg11[%add3A_95] : memref<40000xf32, #tpu.memory_space<vmem>>[vector<16xi32>], vector<16xf32>,
        %add3A_97 = arith.addf %add3A_92, %gather3A_96 : vector<16xf32>
        %add3A_98 = arith.constant 0 : i32
        %add3A_99 = arith.addi %add3A_98, %mul3A_73 : i32
        %swap3A = arith.index_cast %add3A_99 : i32 to index
        %swap3A_100 = tpu.vector_load %arg13[%swap3A] {strides = array<i32>} : memref<25088xf32, #tpu.memory_space<vmem>>, vector<16xf32>,
        tpu.vector_store %arg13[%swap3A], %add3A_97 {strides = array<i32>} : memref<25088xf32, #tpu.memory_space<vmem>>, vector<16xf32>,
        %add3A_101 = arith.constant 10000 : i32
        %add3A_102 = vector.broadcast %add3A_101 : i32 to vector<16xi32>
        %add3A_103 = arith.addi %get3A_76, %add3A_102 : vector<16xi32>
        %gather3A_104 = tpu.vector_load_idx %arg11[%add3A_103] : memref<40000xf32, #tpu.memory_space<vmem>>[vector<16xi32>], vector<16xf32>,
        %add3A_105 = arith.constant 30000 : i32
        %add3A_106 = vector.broadcast %add3A_105 : i32 to vector<16xi32>
        %add3A_107 = arith.addi %get3A_80, %add3A_106 : vector<16xi32>
        %gather3A_108 = tpu.vector_load_idx %arg11[%add3A_107] : memref<40000xf32, #tpu.memory_space<vmem>>[vector<16xi32>], vector<16xf32>,
        %add3A_109 = arith.addf %gather3A_104, %gather3A_108 : vector<16xf32>
        %add3A_110 = arith.constant 10000 : i32
        %add3A_111 = vector.broadcast %add3A_110 : i32 to vector<16xi32>
        %add3A_112 = arith.addi %get3A_84, %add3A_111 : vector<16xi32>
        %gather3A_113 = tpu.vector_load_idx %arg11[%add3A_112] : memref<40000xf32, #tpu.memory_space<vmem>>[vector<16xi32>], vector<16xf32>,
        %add3A_114 = arith.addf %add3A_109, %gather3A_113 : vector<16xf32>
        %add3A_115 = arith.constant 9376 : i32
        %add3A_116 = arith.addi %add3A_115, %mul3A_73 : i32
        %swap3A_117 = arith.index_cast %add3A_116 : i32 to index
        %swap3A_118 = tpu.vector_load %arg13[%swap3A_117] {strides = array<i32>} : memref<25088xf32, #tpu.memory_space<vmem>>, vector<16xf32>,
        tpu.vector_store %arg13[%swap3A_117], %add3A_114 {strides = array<i32>} : memref<25088xf32, #tpu.memory_space<vmem>>, vector<16xf32>,
        %scan3A_119 = arith.constant 0 : i32
        scf.yield %scan3A_119 : i32
      }
      %scan3A_44 = arith.constant 586 : i32
      %add3A_45 = arith.constant 0 : i32
      %add3A_46 = arith.addi %add3A_45, %add3A_32 : i32
      "tpu.region"() ({
        %run_scoped3A = tpu.sem_alloc : memref<!tpu.dma_semaphore, #tpu.memory_space<semaphore_mem>>
        %dma_start3A = arith.constant 0 : i32
        %dma_start3A_70 = tpu.memref_slice %arg13[%dma_start3A] : memref<25088xf32, #tpu.memory_space<vmem>> -> memref<9376xf32, #tpu.memory_space<vmem>>
        %dma_start3A_71 = tpu.memref_slice %arg8[%add3A_46] : memref<300032xf32, #tpu.memory_space<hbm>> -> memref<9376xf32, #tpu.memory_space<hbm>>
        %dma_start3A_72 = tpu.memref_slice %arg8[%add3A_46] : memref<300032xf32, #tpu.memory_space<hbm>> -> memref<9376xf32, #tpu.memory_space<hbm>>
        %dma_start3A_73 = arith.constant 0 : i32
        %dma_start3A_74 = tpu.memref_slice %arg13[%dma_start3A_73] : memref<25088xf32, #tpu.memory_space<vmem>> -> memref<9376xf32, #tpu.memory_space<vmem>>
        tpu.enqueue_dma source(%dma_start3A_74 : memref<9376xf32, #tpu.memory_space<vmem>>) target(%dma_start3A_72 : memref<9376xf32, #tpu.memory_space<hbm>>) target_semaphore(%run_scoped3A : memref<!tpu.dma_semaphore, #tpu.memory_space<semaphore_mem>>)
        %dma_wait3A = arith.constant 0 : i32
        %dma_wait3A_75 = tpu.memref_slice %arg13[%dma_wait3A] : memref<25088xf32, #tpu.memory_space<vmem>> -> memref<9376xf32, #tpu.memory_space<vmem>>
        %dma_wait3A_76 = tpu.memref_slice %arg8[%add3A_46] : memref<300032xf32, #tpu.memory_space<hbm>> -> memref<9376xf32, #tpu.memory_space<hbm>>
        %dma_wait3A_77 = tpu.memref_slice %arg8[%add3A_46] : memref<300032xf32, #tpu.memory_space<hbm>> -> memref<9376xf32, #tpu.memory_space<hbm>>
        %dma_wait3A_78 = arith.constant 0 : i32
        %dma_wait3A_79 = tpu.memref_slice %arg13[%dma_wait3A_78] : memref<25088xf32, #tpu.memory_space<vmem>> -> memref<9376xf32, #tpu.memory_space<vmem>>
        tpu.wait_dma2 semaphore(%run_scoped3A : memref<!tpu.dma_semaphore, #tpu.memory_space<semaphore_mem>>) src(%dma_wait3A_79 : memref<9376xf32, #tpu.memory_space<vmem>>) dst(%dma_wait3A_77 : memref<9376xf32, #tpu.memory_space<hbm>>)
        tpu.yield
      }) : () -> ()
      %add3A_47 = arith.constant 150016 : i32
      %add3A_48 = arith.addi %add3A_47, %add3A_32 : i32
      "tpu.region"() ({
        %run_scoped3A = tpu.sem_alloc : memref<!tpu.dma_semaphore, #tpu.memory_space<semaphore_mem>>
        %dma_start3A = arith.constant 9376 : i32
        %dma_start3A_70 = tpu.memref_slice %arg13[%dma_start3A] : memref<25088xf32, #tpu.memory_space<vmem>> -> memref<9376xf32, #tpu.memory_space<vmem>>
        %dma_start3A_71 = tpu.memref_slice %arg8[%add3A_48] : memref<300032xf32, #tpu.memory_space<hbm>> -> memref<9376xf32, #tpu.memory_space<hbm>>
        %dma_start3A_72 = tpu.memref_slice %arg8[%add3A_48] : memref<300032xf32, #tpu.memory_space<hbm>> -> memref<9376xf32, #tpu.memory_space<hbm>>
        %dma_start3A_73 = arith.constant 9376 : i32
        %dma_start3A_74 = tpu.memref_slice %arg13[%dma_start3A_73] : memref<25088xf32, #tpu.memory_space<vmem>> -> memref<9376xf32, #tpu.memory_space<vmem>>
        tpu.enqueue_dma source(%dma_start3A_74 : memref<9376xf32, #tpu.memory_space<vmem>>) target(%dma_start3A_72 : memref<9376xf32, #tpu.memory_space<hbm>>) target_semaphore(%run_scoped3A : memref<!tpu.dma_semaphore, #tpu.memory_space<semaphore_mem>>)
        %dma_wait3A = arith.constant 9376 : i32
        %dma_wait3A_75 = tpu.memref_slice %arg13[%dma_wait3A] : memref<25088xf32, #tpu.memory_space<vmem>> -> memref<9376xf32, #tpu.memory_space<vmem>>
        %dma_wait3A_76 = tpu.memref_slice %arg8[%add3A_48] : memref<300032xf32, #tpu.memory_space<hbm>> -> memref<9376xf32, #tpu.memory_space<hbm>>
        %dma_wait3A_77 = tpu.memref_slice %arg8[%add3A_48] : memref<300032xf32, #tpu.memory_space<hbm>> -> memref<9376xf32, #tpu.memory_space<hbm>>
        %dma_wait3A_78 = arith.constant 9376 : i32
        %dma_wait3A_79 = tpu.memref_slice %arg13[%dma_wait3A_78] : memref<25088xf32, #tpu.memory_space<vmem>> -> memref<9376xf32, #tpu.memory_space<vmem>>
        tpu.wait_dma2 semaphore(%run_scoped3A : memref<!tpu.dma_semaphore, #tpu.memory_space<semaphore_mem>>) src(%dma_wait3A_79 : memref<9376xf32, #tpu.memory_space<vmem>>) dst(%dma_wait3A_77 : memref<9376xf32, #tpu.memory_space<hbm>>)
        tpu.yield
      }) : () -> ()
      %mul3A_49 = arith.constant 18752 : i32
      %mul3A_50 = arith.muli %sub3A_28, %mul3A_49 : i32
      %add3A_51 = arith.constant 9376 : i32
      %add3A_52 = arith.addi %mul3A_50, %add3A_51 : i32
      %add3A_53 = arith.constant 0 : i32
      %add3A_54 = arith.addi %add3A_53, %add3A_52 : i32
      "tpu.region"() ({
        %run_scoped3A = tpu.sem_alloc : memref<!tpu.dma_semaphore, #tpu.memory_space<semaphore_mem>>
        %dma_start3A = arith.constant 0 : i32
        %dma_start3A_70 = tpu.memref_slice %arg12[%dma_start3A] : memref<50176xi32, #tpu.memory_space<vmem>> -> memref<9376xi32, #tpu.memory_space<vmem>>
        %dma_start3A_71 = tpu.memref_slice %arg4[%add3A_54] : memref<450048xi32, #tpu.memory_space<hbm>> -> memref<9376xi32, #tpu.memory_space<hbm>>
        %dma_start3A_72 = arith.constant 0 : i32
        %dma_start3A_73 = tpu.memref_slice %arg12[%dma_start3A_72] : memref<50176xi32, #tpu.memory_space<vmem>> -> memref<9376xi32, #tpu.memory_space<vmem>>
        %dma_start3A_74 = tpu.memref_slice %arg4[%add3A_54] : memref<450048xi32, #tpu.memory_space<hbm>> -> memref<9376xi32, #tpu.memory_space<hbm>>
        tpu.enqueue_dma source(%dma_start3A_74 : memref<9376xi32, #tpu.memory_space<hbm>>) target(%dma_start3A_73 : memref<9376xi32, #tpu.memory_space<vmem>>) target_semaphore(%run_scoped3A : memref<!tpu.dma_semaphore, #tpu.memory_space<semaphore_mem>>)
        %dma_wait3A = arith.constant 0 : i32
        %dma_wait3A_75 = tpu.memref_slice %arg12[%dma_wait3A] : memref<50176xi32, #tpu.memory_space<vmem>> -> memref<9376xi32, #tpu.memory_space<vmem>>
        %dma_wait3A_76 = tpu.memref_slice %arg4[%add3A_54] : memref<450048xi32, #tpu.memory_space<hbm>> -> memref<9376xi32, #tpu.memory_space<hbm>>
        %dma_wait3A_77 = arith.constant 0 : i32
        %dma_wait3A_78 = tpu.memref_slice %arg12[%dma_wait3A_77] : memref<50176xi32, #tpu.memory_space<vmem>> -> memref<9376xi32, #tpu.memory_space<vmem>>
        %dma_wait3A_79 = tpu.memref_slice %arg4[%add3A_54] : memref<450048xi32, #tpu.memory_space<hbm>> -> memref<9376xi32, #tpu.memory_space<hbm>>
        tpu.wait_dma2 semaphore(%run_scoped3A : memref<!tpu.dma_semaphore, #tpu.memory_space<semaphore_mem>>) src(%dma_wait3A_79 : memref<9376xi32, #tpu.memory_space<hbm>>) dst(%dma_wait3A_78 : memref<9376xi32, #tpu.memory_space<vmem>>)
        tpu.yield
      }) : () -> ()
      %add3A_55 = arith.constant 150016 : i32
      %add3A_56 = arith.addi %add3A_55, %add3A_52 : i32
      "tpu.region"() ({
        %run_scoped3A = tpu.sem_alloc : memref<!tpu.dma_semaphore, #tpu.memory_space<semaphore_mem>>
        %dma_start3A = arith.constant 9376 : i32
        %dma_start3A_70 = tpu.memref_slice %arg12[%dma_start3A] : memref<50176xi32, #tpu.memory_space<vmem>> -> memref<9376xi32, #tpu.memory_space<vmem>>
        %dma_start3A_71 = tpu.memref_slice %arg4[%add3A_56] : memref<450048xi32, #tpu.memory_space<hbm>> -> memref<9376xi32, #tpu.memory_space<hbm>>
        %dma_start3A_72 = arith.constant 9376 : i32
        %dma_start3A_73 = tpu.memref_slice %arg12[%dma_start3A_72] : memref<50176xi32, #tpu.memory_space<vmem>> -> memref<9376xi32, #tpu.memory_space<vmem>>
        %dma_start3A_74 = tpu.memref_slice %arg4[%add3A_56] : memref<450048xi32, #tpu.memory_space<hbm>> -> memref<9376xi32, #tpu.memory_space<hbm>>
        tpu.enqueue_dma source(%dma_start3A_74 : memref<9376xi32, #tpu.memory_space<hbm>>) target(%dma_start3A_73 : memref<9376xi32, #tpu.memory_space<vmem>>) target_semaphore(%run_scoped3A : memref<!tpu.dma_semaphore, #tpu.memory_space<semaphore_mem>>)
        %dma_wait3A = arith.constant 9376 : i32
        %dma_wait3A_75 = tpu.memref_slice %arg12[%dma_wait3A] : memref<50176xi32, #tpu.memory_space<vmem>> -> memref<9376xi32, #tpu.memory_space<vmem>>
        %dma_wait3A_76 = tpu.memref_slice %arg4[%add3A_56] : memref<450048xi32, #tpu.memory_space<hbm>> -> memref<9376xi32, #tpu.memory_space<hbm>>
        %dma_wait3A_77 = arith.constant 9376 : i32
        %dma_wait3A_78 = tpu.memref_slice %arg12[%dma_wait3A_77] : memref<50176xi32, #tpu.memory_space<vmem>> -> memref<9376xi32, #tpu.memory_space<vmem>>
        %dma_wait3A_79 = tpu.memref_slice %arg4[%add3A_56] : memref<450048xi32, #tpu.memory_space<hbm>> -> memref<9376xi32, #tpu.memory_space<hbm>>
        tpu.wait_dma2 semaphore(%run_scoped3A : memref<!tpu.dma_semaphore, #tpu.memory_space<semaphore_mem>>) src(%dma_wait3A_79 : memref<9376xi32, #tpu.memory_space<hbm>>) dst(%dma_wait3A_78 : memref<9376xi32, #tpu.memory_space<vmem>>)
        tpu.yield
      }) : () -> ()
      %add3A_57 = arith.constant 300032 : i32
      %add3A_58 = arith.addi %add3A_57, %add3A_52 : i32
      "tpu.region"() ({
        %run_scoped3A = tpu.sem_alloc : memref<!tpu.dma_semaphore, #tpu.memory_space<semaphore_mem>>
        %dma_start3A = arith.constant 18752 : i32
        %dma_start3A_70 = tpu.memref_slice %arg12[%dma_start3A] : memref<50176xi32, #tpu.memory_space<vmem>> -> memref<9376xi32, #tpu.memory_space<vmem>>
        %dma_start3A_71 = tpu.memref_slice %arg4[%add3A_58] : memref<450048xi32, #tpu.memory_space<hbm>> -> memref<9376xi32, #tpu.memory_space<hbm>>
        %dma_start3A_72 = arith.constant 18752 : i32
        %dma_start3A_73 = tpu.memref_slice %arg12[%dma_start3A_72] : memref<50176xi32, #tpu.memory_space<vmem>> -> memref<9376xi32, #tpu.memory_space<vmem>>
        %dma_start3A_74 = tpu.memref_slice %arg4[%add3A_58] : memref<450048xi32, #tpu.memory_space<hbm>> -> memref<9376xi32, #tpu.memory_space<hbm>>
        tpu.enqueue_dma source(%dma_start3A_74 : memref<9376xi32, #tpu.memory_space<hbm>>) target(%dma_start3A_73 : memref<9376xi32, #tpu.memory_space<vmem>>) target_semaphore(%run_scoped3A : memref<!tpu.dma_semaphore, #tpu.memory_space<semaphore_mem>>)
        %dma_wait3A = arith.constant 18752 : i32
        %dma_wait3A_75 = tpu.memref_slice %arg12[%dma_wait3A] : memref<50176xi32, #tpu.memory_space<vmem>> -> memref<9376xi32, #tpu.memory_space<vmem>>
        %dma_wait3A_76 = tpu.memref_slice %arg4[%add3A_58] : memref<450048xi32, #tpu.memory_space<hbm>> -> memref<9376xi32, #tpu.memory_space<hbm>>
        %dma_wait3A_77 = arith.constant 18752 : i32
        %dma_wait3A_78 = tpu.memref_slice %arg12[%dma_wait3A_77] : memref<50176xi32, #tpu.memory_space<vmem>> -> memref<9376xi32, #tpu.memory_space<vmem>>
        %dma_wait3A_79 = tpu.memref_slice %arg4[%add3A_58] : memref<450048xi32, #tpu.memory_space<hbm>> -> memref<9376xi32, #tpu.memory_space<hbm>>
        tpu.wait_dma2 semaphore(%run_scoped3A : memref<!tpu.dma_semaphore, #tpu.memory_space<semaphore_mem>>) src(%dma_wait3A_79 : memref<9376xi32, #tpu.memory_space<hbm>>) dst(%dma_wait3A_78 : memref<9376xi32, #tpu.memory_space<vmem>>)
        tpu.yield
      }) : () -> ()
      %scan3A_59 = arith.constant 0 : i32
      %scan3A_60 = arith.constant 0 : i32
      %scan3A_61 = arith.constant 586 : i32
      %scan3A_62 = arith.addi %scan3A_60, %scan3A_61 : i32
      %scan3A_63 = arith.constant 1 : i32
      %scan3A_64 = scf.for %scan3A_70 = %scan3A_60 to %scan3A_62 step %scan3A_63 iter_args(%scan3A_71 = %scan3A_59) -> (i32)  : i32 {
        %mul3A_72 = arith.constant 16 : i32
        %mul3A_73 = arith.muli %scan3A_70, %mul3A_72 : i32
        %add3A_74 = arith.constant 0 : i32
        %add3A_75 = arith.addi %add3A_74, %mul3A_73 : i32
        %get3A = arith.index_cast %add3A_75 : i32 to index
        %get3A_76 = tpu.vector_load %arg12[%get3A] {strides = array<i32>} : memref<50176xi32, #tpu.memory_space<vmem>>, vector<16xi32>,
        %add3A_77 = arith.constant 9376 : i32
        %add3A_78 = arith.addi %add3A_77, %mul3A_73 : i32
        %get3A_79 = arith.index_cast %add3A_78 : i32 to index
        %get3A_80 = tpu.vector_load %arg12[%get3A_79] {strides = array<i32>} : memref<50176xi32, #tpu.memory_space<vmem>>, vector<16xi32>,
        %add3A_81 = arith.constant 18752 : i32
        %add3A_82 = arith.addi %add3A_81, %mul3A_73 : i32
        %get3A_83 = arith.index_cast %add3A_82 : i32 to index
        %get3A_84 = tpu.vector_load %arg12[%get3A_83] {strides = array<i32>} : memref<50176xi32, #tpu.memory_space<vmem>>, vector<16xi32>,
        %add3A_85 = arith.constant 0 : i32
        %add3A_86 = vector.broadcast %add3A_85 : i32 to vector<16xi32>
        %add3A_87 = arith.addi %get3A_76, %add3A_86 : vector<16xi32>
        %gather3A = tpu.vector_load_idx %arg11[%add3A_87] : memref<40000xf32, #tpu.memory_space<vmem>>[vector<16xi32>], vector<16xf32>,
        %add3A_88 = arith.constant 20000 : i32
        %add3A_89 = vector.broadcast %add3A_88 : i32 to vector<16xi32>
        %add3A_90 = arith.addi %get3A_80, %add3A_89 : vector<16xi32>
        %gather3A_91 = tpu.vector_load_idx %arg11[%add3A_90] : memref<40000xf32, #tpu.memory_space<vmem>>[vector<16xi32>], vector<16xf32>,
        %add3A_92 = arith.addf %gather3A, %gather3A_91 : vector<16xf32>
        %add3A_93 = arith.constant 0 : i32
        %add3A_94 = vector.broadcast %add3A_93 : i32 to vector<16xi32>
        %add3A_95 = arith.addi %get3A_84, %add3A_94 : vector<16xi32>
        %gather3A_96 = tpu.vector_load_idx %arg11[%add3A_95] : memref<40000xf32, #tpu.memory_space<vmem>>[vector<16xi32>], vector<16xf32>,
        %add3A_97 = arith.addf %add3A_92, %gather3A_96 : vector<16xf32>
        %add3A_98 = arith.constant 0 : i32
        %add3A_99 = arith.addi %add3A_98, %mul3A_73 : i32
        %swap3A = arith.index_cast %add3A_99 : i32 to index
        %swap3A_100 = tpu.vector_load %arg13[%swap3A] {strides = array<i32>} : memref<25088xf32, #tpu.memory_space<vmem>>, vector<16xf32>,
        tpu.vector_store %arg13[%swap3A], %add3A_97 {strides = array<i32>} : memref<25088xf32, #tpu.memory_space<vmem>>, vector<16xf32>,
        %add3A_101 = arith.constant 10000 : i32
        %add3A_102 = vector.broadcast %add3A_101 : i32 to vector<16xi32>
        %add3A_103 = arith.addi %get3A_76, %add3A_102 : vector<16xi32>
        %gather3A_104 = tpu.vector_load_idx %arg11[%add3A_103] : memref<40000xf32, #tpu.memory_space<vmem>>[vector<16xi32>], vector<16xf32>,
        %add3A_105 = arith.constant 30000 : i32
        %add3A_106 = vector.broadcast %add3A_105 : i32 to vector<16xi32>
        %add3A_107 = arith.addi %get3A_80, %add3A_106 : vector<16xi32>
        %gather3A_108 = tpu.vector_load_idx %arg11[%add3A_107] : memref<40000xf32, #tpu.memory_space<vmem>>[vector<16xi32>], vector<16xf32>,
        %add3A_109 = arith.addf %gather3A_104, %gather3A_108 : vector<16xf32>
        %add3A_110 = arith.constant 10000 : i32
        %add3A_111 = vector.broadcast %add3A_110 : i32 to vector<16xi32>
        %add3A_112 = arith.addi %get3A_84, %add3A_111 : vector<16xi32>
        %gather3A_113 = tpu.vector_load_idx %arg11[%add3A_112] : memref<40000xf32, #tpu.memory_space<vmem>>[vector<16xi32>], vector<16xf32>,
        %add3A_114 = arith.addf %add3A_109, %gather3A_113 : vector<16xf32>
        %add3A_115 = arith.constant 9376 : i32
        %add3A_116 = arith.addi %add3A_115, %mul3A_73 : i32
        %swap3A_117 = arith.index_cast %add3A_116 : i32 to index
        %swap3A_118 = tpu.vector_load %arg13[%swap3A_117] {strides = array<i32>} : memref<25088xf32, #tpu.memory_space<vmem>>, vector<16xf32>,
        tpu.vector_store %arg13[%swap3A_117], %add3A_114 {strides = array<i32>} : memref<25088xf32, #tpu.memory_space<vmem>>, vector<16xf32>,
        %scan3A_119 = arith.constant 0 : i32
        scf.yield %scan3A_119 : i32
      }
      %scan3A_65 = arith.constant 586 : i32
      %add3A_66 = arith.constant 0 : i32
      %add3A_67 = arith.addi %add3A_66, %add3A_52 : i32
      "tpu.region"() ({
        %run_scoped3A = tpu.sem_alloc : memref<!tpu.dma_semaphore, #tpu.memory_space<semaphore_mem>>
        %dma_start3A = arith.constant 0 : i32
        %dma_start3A_70 = tpu.memref_slice %arg13[%dma_start3A] : memref<25088xf32, #tpu.memory_space<vmem>> -> memref<9376xf32, #tpu.memory_space<vmem>>
        %dma_start3A_71 = tpu.memref_slice %arg8[%add3A_67] : memref<300032xf32, #tpu.memory_space<hbm>> -> memref<9376xf32, #tpu.memory_space<hbm>>
        %dma_start3A_72 = tpu.memref_slice %arg8[%add3A_67] : memref<300032xf32, #tpu.memory_space<hbm>> -> memref<9376xf32, #tpu.memory_space<hbm>>
        %dma_start3A_73 = arith.constant 0 : i32
        %dma_start3A_74 = tpu.memref_slice %arg13[%dma_start3A_73] : memref<25088xf32, #tpu.memory_space<vmem>> -> memref<9376xf32, #tpu.memory_space<vmem>>
        tpu.enqueue_dma source(%dma_start3A_74 : memref<9376xf32, #tpu.memory_space<vmem>>) target(%dma_start3A_72 : memref<9376xf32, #tpu.memory_space<hbm>>) target_semaphore(%run_scoped3A : memref<!tpu.dma_semaphore, #tpu.memory_space<semaphore_mem>>)
        %dma_wait3A = arith.constant 0 : i32
        %dma_wait3A_75 = tpu.memref_slice %arg13[%dma_wait3A] : memref<25088xf32, #tpu.memory_space<vmem>> -> memref<9376xf32, #tpu.memory_space<vmem>>
        %dma_wait3A_76 = tpu.memref_slice %arg8[%add3A_67] : memref<300032xf32, #tpu.memory_space<hbm>> -> memref<9376xf32, #tpu.memory_space<hbm>>
        %dma_wait3A_77 = tpu.memref_slice %arg8[%add3A_67] : memref<300032xf32, #tpu.memory_space<hbm>> -> memref<9376xf32, #tpu.memory_space<hbm>>
        %dma_wait3A_78 = arith.constant 0 : i32
        %dma_wait3A_79 = tpu.memref_slice %arg13[%dma_wait3A_78] : memref<25088xf32, #tpu.memory_space<vmem>> -> memref<9376xf32, #tpu.memory_space<vmem>>
        tpu.wait_dma2 semaphore(%run_scoped3A : memref<!tpu.dma_semaphore, #tpu.memory_space<semaphore_mem>>) src(%dma_wait3A_79 : memref<9376xf32, #tpu.memory_space<vmem>>) dst(%dma_wait3A_77 : memref<9376xf32, #tpu.memory_space<hbm>>)
        tpu.yield
      }) : () -> ()
      %add3A_68 = arith.constant 150016 : i32
      %add3A_69 = arith.addi %add3A_68, %add3A_52 : i32
      "tpu.region"() ({
        %run_scoped3A = tpu.sem_alloc : memref<!tpu.dma_semaphore, #tpu.memory_space<semaphore_mem>>
        %dma_start3A = arith.constant 9376 : i32
        %dma_start3A_70 = tpu.memref_slice %arg13[%dma_start3A] : memref<25088xf32, #tpu.memory_space<vmem>> -> memref<9376xf32, #tpu.memory_space<vmem>>
        %dma_start3A_71 = tpu.memref_slice %arg8[%add3A_69] : memref<300032xf32, #tpu.memory_space<hbm>> -> memref<9376xf32, #tpu.memory_space<hbm>>
        %dma_start3A_72 = tpu.memref_slice %arg8[%add3A_69] : memref<300032xf32, #tpu.memory_space<hbm>> -> memref<9376xf32, #tpu.memory_space<hbm>>
        %dma_start3A_73 = arith.constant 9376 : i32
        %dma_start3A_74 = tpu.memref_slice %arg13[%dma_start3A_73] : memref<25088xf32, #tpu.memory_space<vmem>> -> memref<9376xf32, #tpu.memory_space<vmem>>
        tpu.enqueue_dma source(%dma_start3A_74 : memref<9376xf32, #tpu.memory_space<vmem>>) target(%dma_start3A_72 : memref<9376xf32, #tpu.memory_space<hbm>>) target_semaphore(%run_scoped3A : memref<!tpu.dma_semaphore, #tpu.memory_space<semaphore_mem>>)
        %dma_wait3A = arith.constant 9376 : i32
        %dma_wait3A_75 = tpu.memref_slice %arg13[%dma_wait3A] : memref<25088xf32, #tpu.memory_space<vmem>> -> memref<9376xf32, #tpu.memory_space<vmem>>
        %dma_wait3A_76 = tpu.memref_slice %arg8[%add3A_69] : memref<300032xf32, #tpu.memory_space<hbm>> -> memref<9376xf32, #tpu.memory_space<hbm>>
        %dma_wait3A_77 = tpu.memref_slice %arg8[%add3A_69] : memref<300032xf32, #tpu.memory_space<hbm>> -> memref<9376xf32, #tpu.memory_space<hbm>>
        %dma_wait3A_78 = arith.constant 9376 : i32
        %dma_wait3A_79 = tpu.memref_slice %arg13[%dma_wait3A_78] : memref<25088xf32, #tpu.memory_space<vmem>> -> memref<9376xf32, #tpu.memory_space<vmem>>
        tpu.wait_dma2 semaphore(%run_scoped3A : memref<!tpu.dma_semaphore, #tpu.memory_space<semaphore_mem>>) src(%dma_wait3A_79 : memref<9376xf32, #tpu.memory_space<vmem>>) dst(%dma_wait3A_77 : memref<9376xf32, #tpu.memory_space<hbm>>)
        tpu.yield
      }) : () -> ()
    } else {
    }
    %ge3A_12 = arith.constant 16 : i32
    %ge3A_13 = arith.cmpi sge, %add3A, %ge3A_12 : i32
    %lt3A_14 = arith.constant 24 : i32
    %lt3A_15 = arith.cmpi slt, %add3A, %lt3A_14 : i32
    %and3A_16 = arith.andi %ge3A_13, %lt3A_15 : i1
    %convert_element_type3A_17 = arith.extui %and3A_16 : i1 to i32
    %cond3A_18 = arith.constant 0 : i32
    %cond3A_19 = arith.cmpi ne, %convert_element_type3A_17, %cond3A_18 : i32
    scf.if %cond3A_19 {
      %sub3A = arith.constant 16 : i32
      %sub3A_28 = arith.subi %add3A, %sub3A : i32
      "tpu.region"() ({
        %run_scoped3A = tpu.sem_alloc : memref<!tpu.dma_semaphore, #tpu.memory_space<semaphore_mem>>
        %dma_start3A = arith.constant 0 : i32
        %dma_start3A_51 = tpu.memref_slice %arg11[%dma_start3A] : memref<40000xf32, #tpu.memory_space<vmem>> -> memref<10000xf32, #tpu.memory_space<vmem>>
        %dma_start3A_52 = arith.constant 61440 : i32
        %dma_start3A_53 = tpu.memref_slice %arg2[%dma_start3A_52] : memref<163840xf32, #tpu.memory_space<hbm>> -> memref<10000xf32, #tpu.memory_space<hbm>>
        %dma_start3A_54 = arith.constant 0 : i32
        %dma_start3A_55 = tpu.memref_slice %arg11[%dma_start3A_54] : memref<40000xf32, #tpu.memory_space<vmem>> -> memref<10000xf32, #tpu.memory_space<vmem>>
        %dma_start3A_56 = arith.constant 61440 : i32
        %dma_start3A_57 = tpu.memref_slice %arg2[%dma_start3A_56] : memref<163840xf32, #tpu.memory_space<hbm>> -> memref<10000xf32, #tpu.memory_space<hbm>>
        tpu.enqueue_dma source(%dma_start3A_57 : memref<10000xf32, #tpu.memory_space<hbm>>) target(%dma_start3A_55 : memref<10000xf32, #tpu.memory_space<vmem>>) target_semaphore(%run_scoped3A : memref<!tpu.dma_semaphore, #tpu.memory_space<semaphore_mem>>)
        %dma_wait3A = arith.constant 0 : i32
        %dma_wait3A_58 = tpu.memref_slice %arg11[%dma_wait3A] : memref<40000xf32, #tpu.memory_space<vmem>> -> memref<10000xf32, #tpu.memory_space<vmem>>
        %dma_wait3A_59 = arith.constant 61440 : i32
        %dma_wait3A_60 = tpu.memref_slice %arg2[%dma_wait3A_59] : memref<163840xf32, #tpu.memory_space<hbm>> -> memref<10000xf32, #tpu.memory_space<hbm>>
        %dma_wait3A_61 = arith.constant 0 : i32
        %dma_wait3A_62 = tpu.memref_slice %arg11[%dma_wait3A_61] : memref<40000xf32, #tpu.memory_space<vmem>> -> memref<10000xf32, #tpu.memory_space<vmem>>
        %dma_wait3A_63 = arith.constant 61440 : i32
        %dma_wait3A_64 = tpu.memref_slice %arg2[%dma_wait3A_63] : memref<163840xf32, #tpu.memory_space<hbm>> -> memref<10000xf32, #tpu.memory_space<hbm>>
        tpu.wait_dma2 semaphore(%run_scoped3A : memref<!tpu.dma_semaphore, #tpu.memory_space<semaphore_mem>>) src(%dma_wait3A_64 : memref<10000xf32, #tpu.memory_space<hbm>>) dst(%dma_wait3A_62 : memref<10000xf32, #tpu.memory_space<vmem>>)
        tpu.yield
      }) : () -> ()
      "tpu.region"() ({
        %run_scoped3A = tpu.sem_alloc : memref<!tpu.dma_semaphore, #tpu.memory_space<semaphore_mem>>
        %dma_start3A = arith.constant 10000 : i32
        %dma_start3A_51 = tpu.memref_slice %arg11[%dma_start3A] : memref<40000xf32, #tpu.memory_space<vmem>> -> memref<10000xf32, #tpu.memory_space<vmem>>
        %dma_start3A_52 = arith.constant 71680 : i32
        %dma_start3A_53 = tpu.memref_slice %arg2[%dma_start3A_52] : memref<163840xf32, #tpu.memory_space<hbm>> -> memref<10000xf32, #tpu.memory_space<hbm>>
        %dma_start3A_54 = arith.constant 10000 : i32
        %dma_start3A_55 = tpu.memref_slice %arg11[%dma_start3A_54] : memref<40000xf32, #tpu.memory_space<vmem>> -> memref<10000xf32, #tpu.memory_space<vmem>>
        %dma_start3A_56 = arith.constant 71680 : i32
        %dma_start3A_57 = tpu.memref_slice %arg2[%dma_start3A_56] : memref<163840xf32, #tpu.memory_space<hbm>> -> memref<10000xf32, #tpu.memory_space<hbm>>
        tpu.enqueue_dma source(%dma_start3A_57 : memref<10000xf32, #tpu.memory_space<hbm>>) target(%dma_start3A_55 : memref<10000xf32, #tpu.memory_space<vmem>>) target_semaphore(%run_scoped3A : memref<!tpu.dma_semaphore, #tpu.memory_space<semaphore_mem>>)
        %dma_wait3A = arith.constant 10000 : i32
        %dma_wait3A_58 = tpu.memref_slice %arg11[%dma_wait3A] : memref<40000xf32, #tpu.memory_space<vmem>> -> memref<10000xf32, #tpu.memory_space<vmem>>
        %dma_wait3A_59 = arith.constant 71680 : i32
        %dma_wait3A_60 = tpu.memref_slice %arg2[%dma_wait3A_59] : memref<163840xf32, #tpu.memory_space<hbm>> -> memref<10000xf32, #tpu.memory_space<hbm>>
        %dma_wait3A_61 = arith.constant 10000 : i32
        %dma_wait3A_62 = tpu.memref_slice %arg11[%dma_wait3A_61] : memref<40000xf32, #tpu.memory_space<vmem>> -> memref<10000xf32, #tpu.memory_space<vmem>>
        %dma_wait3A_63 = arith.constant 71680 : i32
        %dma_wait3A_64 = tpu.memref_slice %arg2[%dma_wait3A_63] : memref<163840xf32, #tpu.memory_space<hbm>> -> memref<10000xf32, #tpu.memory_space<hbm>>
        tpu.wait_dma2 semaphore(%run_scoped3A : memref<!tpu.dma_semaphore, #tpu.memory_space<semaphore_mem>>) src(%dma_wait3A_64 : memref<10000xf32, #tpu.memory_space<hbm>>) dst(%dma_wait3A_62 : memref<10000xf32, #tpu.memory_space<vmem>>)
        tpu.yield
      }) : () -> ()
      "tpu.region"() ({
        %run_scoped3A = tpu.sem_alloc : memref<!tpu.dma_semaphore, #tpu.memory_space<semaphore_mem>>
        %dma_start3A = arith.constant 20000 : i32
        %dma_start3A_51 = tpu.memref_slice %arg11[%dma_start3A] : memref<40000xf32, #tpu.memory_space<vmem>> -> memref<10000xf32, #tpu.memory_space<vmem>>
        %dma_start3A_52 = arith.constant 81920 : i32
        %dma_start3A_53 = tpu.memref_slice %arg2[%dma_start3A_52] : memref<163840xf32, #tpu.memory_space<hbm>> -> memref<10000xf32, #tpu.memory_space<hbm>>
        %dma_start3A_54 = arith.constant 20000 : i32
        %dma_start3A_55 = tpu.memref_slice %arg11[%dma_start3A_54] : memref<40000xf32, #tpu.memory_space<vmem>> -> memref<10000xf32, #tpu.memory_space<vmem>>
        %dma_start3A_56 = arith.constant 81920 : i32
        %dma_start3A_57 = tpu.memref_slice %arg2[%dma_start3A_56] : memref<163840xf32, #tpu.memory_space<hbm>> -> memref<10000xf32, #tpu.memory_space<hbm>>
        tpu.enqueue_dma source(%dma_start3A_57 : memref<10000xf32, #tpu.memory_space<hbm>>) target(%dma_start3A_55 : memref<10000xf32, #tpu.memory_space<vmem>>) target_semaphore(%run_scoped3A : memref<!tpu.dma_semaphore, #tpu.memory_space<semaphore_mem>>)
        %dma_wait3A = arith.constant 20000 : i32
        %dma_wait3A_58 = tpu.memref_slice %arg11[%dma_wait3A] : memref<40000xf32, #tpu.memory_space<vmem>> -> memref<10000xf32, #tpu.memory_space<vmem>>
        %dma_wait3A_59 = arith.constant 81920 : i32
        %dma_wait3A_60 = tpu.memref_slice %arg2[%dma_wait3A_59] : memref<163840xf32, #tpu.memory_space<hbm>> -> memref<10000xf32, #tpu.memory_space<hbm>>
        %dma_wait3A_61 = arith.constant 20000 : i32
        %dma_wait3A_62 = tpu.memref_slice %arg11[%dma_wait3A_61] : memref<40000xf32, #tpu.memory_space<vmem>> -> memref<10000xf32, #tpu.memory_space<vmem>>
        %dma_wait3A_63 = arith.constant 81920 : i32
        %dma_wait3A_64 = tpu.memref_slice %arg2[%dma_wait3A_63] : memref<163840xf32, #tpu.memory_space<hbm>> -> memref<10000xf32, #tpu.memory_space<hbm>>
        tpu.wait_dma2 semaphore(%run_scoped3A : memref<!tpu.dma_semaphore, #tpu.memory_space<semaphore_mem>>) src(%dma_wait3A_64 : memref<10000xf32, #tpu.memory_space<hbm>>) dst(%dma_wait3A_62 : memref<10000xf32, #tpu.memory_space<vmem>>)
        tpu.yield
      }) : () -> ()
      "tpu.region"() ({
        %run_scoped3A = tpu.sem_alloc : memref<!tpu.dma_semaphore, #tpu.memory_space<semaphore_mem>>
        %dma_start3A = arith.constant 30000 : i32
        %dma_start3A_51 = tpu.memref_slice %arg11[%dma_start3A] : memref<40000xf32, #tpu.memory_space<vmem>> -> memref<10000xf32, #tpu.memory_space<vmem>>
        %dma_start3A_52 = arith.constant 92160 : i32
        %dma_start3A_53 = tpu.memref_slice %arg2[%dma_start3A_52] : memref<163840xf32, #tpu.memory_space<hbm>> -> memref<10000xf32, #tpu.memory_space<hbm>>
        %dma_start3A_54 = arith.constant 30000 : i32
        %dma_start3A_55 = tpu.memref_slice %arg11[%dma_start3A_54] : memref<40000xf32, #tpu.memory_space<vmem>> -> memref<10000xf32, #tpu.memory_space<vmem>>
        %dma_start3A_56 = arith.constant 92160 : i32
        %dma_start3A_57 = tpu.memref_slice %arg2[%dma_start3A_56] : memref<163840xf32, #tpu.memory_space<hbm>> -> memref<10000xf32, #tpu.memory_space<hbm>>
        tpu.enqueue_dma source(%dma_start3A_57 : memref<10000xf32, #tpu.memory_space<hbm>>) target(%dma_start3A_55 : memref<10000xf32, #tpu.memory_space<vmem>>) target_semaphore(%run_scoped3A : memref<!tpu.dma_semaphore, #tpu.memory_space<semaphore_mem>>)
        %dma_wait3A = arith.constant 30000 : i32
        %dma_wait3A_58 = tpu.memref_slice %arg11[%dma_wait3A] : memref<40000xf32, #tpu.memory_space<vmem>> -> memref<10000xf32, #tpu.memory_space<vmem>>
        %dma_wait3A_59 = arith.constant 92160 : i32
        %dma_wait3A_60 = tpu.memref_slice %arg2[%dma_wait3A_59] : memref<163840xf32, #tpu.memory_space<hbm>> -> memref<10000xf32, #tpu.memory_space<hbm>>
        %dma_wait3A_61 = arith.constant 30000 : i32
        %dma_wait3A_62 = tpu.memref_slice %arg11[%dma_wait3A_61] : memref<40000xf32, #tpu.memory_space<vmem>> -> memref<10000xf32, #tpu.memory_space<vmem>>
        %dma_wait3A_63 = arith.constant 92160 : i32
        %dma_wait3A_64 = tpu.memref_slice %arg2[%dma_wait3A_63] : memref<163840xf32, #tpu.memory_space<hbm>> -> memref<10000xf32, #tpu.memory_space<hbm>>
        tpu.wait_dma2 semaphore(%run_scoped3A : memref<!tpu.dma_semaphore, #tpu.memory_space<semaphore_mem>>) src(%dma_wait3A_64 : memref<10000xf32, #tpu.memory_space<hbm>>) dst(%dma_wait3A_62 : memref<10000xf32, #tpu.memory_space<vmem>>)
        tpu.yield
      }) : () -> ()
      %mul3A_29 = arith.constant 12544 : i32
      %mul3A_30 = arith.muli %sub3A_28, %mul3A_29 : i32
      %add3A_31 = arith.constant 0 : i32
      %add3A_32 = arith.addi %mul3A_30, %add3A_31 : i32
      %add3A_33 = arith.constant 0 : i32
      %add3A_34 = arith.addi %add3A_33, %add3A_32 : i32
      "tpu.region"() ({
        %run_scoped3A = tpu.sem_alloc : memref<!tpu.dma_semaphore, #tpu.memory_space<semaphore_mem>>
        %dma_start3A = arith.constant 0 : i32
        %dma_start3A_51 = tpu.memref_slice %arg12[%dma_start3A] : memref<50176xi32, #tpu.memory_space<vmem>> -> memref<12544xi32, #tpu.memory_space<vmem>>
        %dma_start3A_52 = tpu.memref_slice %arg5[%add3A_34] : memref<401408xi32, #tpu.memory_space<hbm>> -> memref<12544xi32, #tpu.memory_space<hbm>>
        %dma_start3A_53 = arith.constant 0 : i32
        %dma_start3A_54 = tpu.memref_slice %arg12[%dma_start3A_53] : memref<50176xi32, #tpu.memory_space<vmem>> -> memref<12544xi32, #tpu.memory_space<vmem>>
        %dma_start3A_55 = tpu.memref_slice %arg5[%add3A_34] : memref<401408xi32, #tpu.memory_space<hbm>> -> memref<12544xi32, #tpu.memory_space<hbm>>
        tpu.enqueue_dma source(%dma_start3A_55 : memref<12544xi32, #tpu.memory_space<hbm>>) target(%dma_start3A_54 : memref<12544xi32, #tpu.memory_space<vmem>>) target_semaphore(%run_scoped3A : memref<!tpu.dma_semaphore, #tpu.memory_space<semaphore_mem>>)
        %dma_wait3A = arith.constant 0 : i32
        %dma_wait3A_56 = tpu.memref_slice %arg12[%dma_wait3A] : memref<50176xi32, #tpu.memory_space<vmem>> -> memref<12544xi32, #tpu.memory_space<vmem>>
        %dma_wait3A_57 = tpu.memref_slice %arg5[%add3A_34] : memref<401408xi32, #tpu.memory_space<hbm>> -> memref<12544xi32, #tpu.memory_space<hbm>>
        %dma_wait3A_58 = arith.constant 0 : i32
        %dma_wait3A_59 = tpu.memref_slice %arg12[%dma_wait3A_58] : memref<50176xi32, #tpu.memory_space<vmem>> -> memref<12544xi32, #tpu.memory_space<vmem>>
        %dma_wait3A_60 = tpu.memref_slice %arg5[%add3A_34] : memref<401408xi32, #tpu.memory_space<hbm>> -> memref<12544xi32, #tpu.memory_space<hbm>>
        tpu.wait_dma2 semaphore(%run_scoped3A : memref<!tpu.dma_semaphore, #tpu.memory_space<semaphore_mem>>) src(%dma_wait3A_60 : memref<12544xi32, #tpu.memory_space<hbm>>) dst(%dma_wait3A_59 : memref<12544xi32, #tpu.memory_space<vmem>>)
        tpu.yield
      }) : () -> ()
      %add3A_35 = arith.constant 100352 : i32
      %add3A_36 = arith.addi %add3A_35, %add3A_32 : i32
      "tpu.region"() ({
        %run_scoped3A = tpu.sem_alloc : memref<!tpu.dma_semaphore, #tpu.memory_space<semaphore_mem>>
        %dma_start3A = arith.constant 12544 : i32
        %dma_start3A_51 = tpu.memref_slice %arg12[%dma_start3A] : memref<50176xi32, #tpu.memory_space<vmem>> -> memref<12544xi32, #tpu.memory_space<vmem>>
        %dma_start3A_52 = tpu.memref_slice %arg5[%add3A_36] : memref<401408xi32, #tpu.memory_space<hbm>> -> memref<12544xi32, #tpu.memory_space<hbm>>
        %dma_start3A_53 = arith.constant 12544 : i32
        %dma_start3A_54 = tpu.memref_slice %arg12[%dma_start3A_53] : memref<50176xi32, #tpu.memory_space<vmem>> -> memref<12544xi32, #tpu.memory_space<vmem>>
        %dma_start3A_55 = tpu.memref_slice %arg5[%add3A_36] : memref<401408xi32, #tpu.memory_space<hbm>> -> memref<12544xi32, #tpu.memory_space<hbm>>
        tpu.enqueue_dma source(%dma_start3A_55 : memref<12544xi32, #tpu.memory_space<hbm>>) target(%dma_start3A_54 : memref<12544xi32, #tpu.memory_space<vmem>>) target_semaphore(%run_scoped3A : memref<!tpu.dma_semaphore, #tpu.memory_space<semaphore_mem>>)
        %dma_wait3A = arith.constant 12544 : i32
        %dma_wait3A_56 = tpu.memref_slice %arg12[%dma_wait3A] : memref<50176xi32, #tpu.memory_space<vmem>> -> memref<12544xi32, #tpu.memory_space<vmem>>
        %dma_wait3A_57 = tpu.memref_slice %arg5[%add3A_36] : memref<401408xi32, #tpu.memory_space<hbm>> -> memref<12544xi32, #tpu.memory_space<hbm>>
        %dma_wait3A_58 = arith.constant 12544 : i32
        %dma_wait3A_59 = tpu.memref_slice %arg12[%dma_wait3A_58] : memref<50176xi32, #tpu.memory_space<vmem>> -> memref<12544xi32, #tpu.memory_space<vmem>>
        %dma_wait3A_60 = tpu.memref_slice %arg5[%add3A_36] : memref<401408xi32, #tpu.memory_space<hbm>> -> memref<12544xi32, #tpu.memory_space<hbm>>
        tpu.wait_dma2 semaphore(%run_scoped3A : memref<!tpu.dma_semaphore, #tpu.memory_space<semaphore_mem>>) src(%dma_wait3A_60 : memref<12544xi32, #tpu.memory_space<hbm>>) dst(%dma_wait3A_59 : memref<12544xi32, #tpu.memory_space<vmem>>)
        tpu.yield
      }) : () -> ()
      %add3A_37 = arith.constant 200704 : i32
      %add3A_38 = arith.addi %add3A_37, %add3A_32 : i32
      "tpu.region"() ({
        %run_scoped3A = tpu.sem_alloc : memref<!tpu.dma_semaphore, #tpu.memory_space<semaphore_mem>>
        %dma_start3A = arith.constant 25088 : i32
        %dma_start3A_51 = tpu.memref_slice %arg12[%dma_start3A] : memref<50176xi32, #tpu.memory_space<vmem>> -> memref<12544xi32, #tpu.memory_space<vmem>>
        %dma_start3A_52 = tpu.memref_slice %arg5[%add3A_38] : memref<401408xi32, #tpu.memory_space<hbm>> -> memref<12544xi32, #tpu.memory_space<hbm>>
        %dma_start3A_53 = arith.constant 25088 : i32
        %dma_start3A_54 = tpu.memref_slice %arg12[%dma_start3A_53] : memref<50176xi32, #tpu.memory_space<vmem>> -> memref<12544xi32, #tpu.memory_space<vmem>>
        %dma_start3A_55 = tpu.memref_slice %arg5[%add3A_38] : memref<401408xi32, #tpu.memory_space<hbm>> -> memref<12544xi32, #tpu.memory_space<hbm>>
        tpu.enqueue_dma source(%dma_start3A_55 : memref<12544xi32, #tpu.memory_space<hbm>>) target(%dma_start3A_54 : memref<12544xi32, #tpu.memory_space<vmem>>) target_semaphore(%run_scoped3A : memref<!tpu.dma_semaphore, #tpu.memory_space<semaphore_mem>>)
        %dma_wait3A = arith.constant 25088 : i32
        %dma_wait3A_56 = tpu.memref_slice %arg12[%dma_wait3A] : memref<50176xi32, #tpu.memory_space<vmem>> -> memref<12544xi32, #tpu.memory_space<vmem>>
        %dma_wait3A_57 = tpu.memref_slice %arg5[%add3A_38] : memref<401408xi32, #tpu.memory_space<hbm>> -> memref<12544xi32, #tpu.memory_space<hbm>>
        %dma_wait3A_58 = arith.constant 25088 : i32
        %dma_wait3A_59 = tpu.memref_slice %arg12[%dma_wait3A_58] : memref<50176xi32, #tpu.memory_space<vmem>> -> memref<12544xi32, #tpu.memory_space<vmem>>
        %dma_wait3A_60 = tpu.memref_slice %arg5[%add3A_38] : memref<401408xi32, #tpu.memory_space<hbm>> -> memref<12544xi32, #tpu.memory_space<hbm>>
        tpu.wait_dma2 semaphore(%run_scoped3A : memref<!tpu.dma_semaphore, #tpu.memory_space<semaphore_mem>>) src(%dma_wait3A_60 : memref<12544xi32, #tpu.memory_space<hbm>>) dst(%dma_wait3A_59 : memref<12544xi32, #tpu.memory_space<vmem>>)
        tpu.yield
      }) : () -> ()
      %add3A_39 = arith.constant 301056 : i32
      %add3A_40 = arith.addi %add3A_39, %add3A_32 : i32
      "tpu.region"() ({
        %run_scoped3A = tpu.sem_alloc : memref<!tpu.dma_semaphore, #tpu.memory_space<semaphore_mem>>
        %dma_start3A = arith.constant 37632 : i32
        %dma_start3A_51 = tpu.memref_slice %arg12[%dma_start3A] : memref<50176xi32, #tpu.memory_space<vmem>> -> memref<12544xi32, #tpu.memory_space<vmem>>
        %dma_start3A_52 = tpu.memref_slice %arg5[%add3A_40] : memref<401408xi32, #tpu.memory_space<hbm>> -> memref<12544xi32, #tpu.memory_space<hbm>>
        %dma_start3A_53 = arith.constant 37632 : i32
        %dma_start3A_54 = tpu.memref_slice %arg12[%dma_start3A_53] : memref<50176xi32, #tpu.memory_space<vmem>> -> memref<12544xi32, #tpu.memory_space<vmem>>
        %dma_start3A_55 = tpu.memref_slice %arg5[%add3A_40] : memref<401408xi32, #tpu.memory_space<hbm>> -> memref<12544xi32, #tpu.memory_space<hbm>>
        tpu.enqueue_dma source(%dma_start3A_55 : memref<12544xi32, #tpu.memory_space<hbm>>) target(%dma_start3A_54 : memref<12544xi32, #tpu.memory_space<vmem>>) target_semaphore(%run_scoped3A : memref<!tpu.dma_semaphore, #tpu.memory_space<semaphore_mem>>)
        %dma_wait3A = arith.constant 37632 : i32
        %dma_wait3A_56 = tpu.memref_slice %arg12[%dma_wait3A] : memref<50176xi32, #tpu.memory_space<vmem>> -> memref<12544xi32, #tpu.memory_space<vmem>>
        %dma_wait3A_57 = tpu.memref_slice %arg5[%add3A_40] : memref<401408xi32, #tpu.memory_space<hbm>> -> memref<12544xi32, #tpu.memory_space<hbm>>
        %dma_wait3A_58 = arith.constant 37632 : i32
        %dma_wait3A_59 = tpu.memref_slice %arg12[%dma_wait3A_58] : memref<50176xi32, #tpu.memory_space<vmem>> -> memref<12544xi32, #tpu.memory_space<vmem>>
        %dma_wait3A_60 = tpu.memref_slice %arg5[%add3A_40] : memref<401408xi32, #tpu.memory_space<hbm>> -> memref<12544xi32, #tpu.memory_space<hbm>>
        tpu.wait_dma2 semaphore(%run_scoped3A : memref<!tpu.dma_semaphore, #tpu.memory_space<semaphore_mem>>) src(%dma_wait3A_60 : memref<12544xi32, #tpu.memory_space<hbm>>) dst(%dma_wait3A_59 : memref<12544xi32, #tpu.memory_space<vmem>>)
        tpu.yield
      }) : () -> ()
      %scan3A = arith.constant 0 : i32
      %scan3A_41 = arith.constant 0 : i32
      %scan3A_42 = arith.constant 784 : i32
      %scan3A_43 = arith.addi %scan3A_41, %scan3A_42 : i32
      %scan3A_44 = arith.constant 1 : i32
      %scan3A_45 = scf.for %scan3A_51 = %scan3A_41 to %scan3A_43 step %scan3A_44 iter_args(%scan3A_52 = %scan3A) -> (i32)  : i32 {
        %mul3A_53 = arith.constant 16 : i32
        %mul3A_54 = arith.muli %scan3A_51, %mul3A_53 : i32
        %add3A_55 = arith.constant 0 : i32
        %add3A_56 = arith.addi %add3A_55, %mul3A_54 : i32
        %get3A = arith.index_cast %add3A_56 : i32 to index
        %get3A_57 = tpu.vector_load %arg12[%get3A] {strides = array<i32>} : memref<50176xi32, #tpu.memory_space<vmem>>, vector<16xi32>,
        %add3A_58 = arith.constant 12544 : i32
        %add3A_59 = arith.addi %add3A_58, %mul3A_54 : i32
        %get3A_60 = arith.index_cast %add3A_59 : i32 to index
        %get3A_61 = tpu.vector_load %arg12[%get3A_60] {strides = array<i32>} : memref<50176xi32, #tpu.memory_space<vmem>>, vector<16xi32>,
        %add3A_62 = arith.constant 25088 : i32
        %add3A_63 = arith.addi %add3A_62, %mul3A_54 : i32
        %get3A_64 = arith.index_cast %add3A_63 : i32 to index
        %get3A_65 = tpu.vector_load %arg12[%get3A_64] {strides = array<i32>} : memref<50176xi32, #tpu.memory_space<vmem>>, vector<16xi32>,
        %add3A_66 = arith.constant 37632 : i32
        %add3A_67 = arith.addi %add3A_66, %mul3A_54 : i32
        %get3A_68 = arith.index_cast %add3A_67 : i32 to index
        %get3A_69 = tpu.vector_load %arg12[%get3A_68] {strides = array<i32>} : memref<50176xi32, #tpu.memory_space<vmem>>, vector<16xi32>,
        %add3A_70 = arith.constant 0 : i32
        %add3A_71 = vector.broadcast %add3A_70 : i32 to vector<16xi32>
        %add3A_72 = arith.addi %get3A_57, %add3A_71 : vector<16xi32>
        %gather3A = tpu.vector_load_idx %arg11[%add3A_72] : memref<40000xf32, #tpu.memory_space<vmem>>[vector<16xi32>], vector<16xf32>,
        %add3A_73 = arith.constant 20000 : i32
        %add3A_74 = vector.broadcast %add3A_73 : i32 to vector<16xi32>
        %add3A_75 = arith.addi %get3A_61, %add3A_74 : vector<16xi32>
        %gather3A_76 = tpu.vector_load_idx %arg11[%add3A_75] : memref<40000xf32, #tpu.memory_space<vmem>>[vector<16xi32>], vector<16xf32>,
        %add3A_77 = arith.addf %gather3A, %gather3A_76 : vector<16xf32>
        %add3A_78 = arith.constant 20000 : i32
        %add3A_79 = vector.broadcast %add3A_78 : i32 to vector<16xi32>
        %add3A_80 = arith.addi %get3A_65, %add3A_79 : vector<16xi32>
        %gather3A_81 = tpu.vector_load_idx %arg11[%add3A_80] : memref<40000xf32, #tpu.memory_space<vmem>>[vector<16xi32>], vector<16xf32>,
        %add3A_82 = arith.addf %add3A_77, %gather3A_81 : vector<16xf32>
        %add3A_83 = arith.constant 0 : i32
        %add3A_84 = vector.broadcast %add3A_83 : i32 to vector<16xi32>
        %add3A_85 = arith.addi %get3A_69, %add3A_84 : vector<16xi32>
        %gather3A_86 = tpu.vector_load_idx %arg11[%add3A_85] : memref<40000xf32, #tpu.memory_space<vmem>>[vector<16xi32>], vector<16xf32>,
        %add3A_87 = arith.addf %add3A_82, %gather3A_86 : vector<16xf32>
        %add3A_88 = arith.constant 0 : i32
        %add3A_89 = arith.addi %add3A_88, %mul3A_54 : i32
        %swap3A = arith.index_cast %add3A_89 : i32 to index
        %swap3A_90 = tpu.vector_load %arg13[%swap3A] {strides = array<i32>} : memref<25088xf32, #tpu.memory_space<vmem>>, vector<16xf32>,
        tpu.vector_store %arg13[%swap3A], %add3A_87 {strides = array<i32>} : memref<25088xf32, #tpu.memory_space<vmem>>, vector<16xf32>,
        %add3A_91 = arith.constant 10000 : i32
        %add3A_92 = vector.broadcast %add3A_91 : i32 to vector<16xi32>
        %add3A_93 = arith.addi %get3A_57, %add3A_92 : vector<16xi32>
        %gather3A_94 = tpu.vector_load_idx %arg11[%add3A_93] : memref<40000xf32, #tpu.memory_space<vmem>>[vector<16xi32>], vector<16xf32>,
        %add3A_95 = arith.constant 30000 : i32
        %add3A_96 = vector.broadcast %add3A_95 : i32 to vector<16xi32>
        %add3A_97 = arith.addi %get3A_61, %add3A_96 : vector<16xi32>
        %gather3A_98 = tpu.vector_load_idx %arg11[%add3A_97] : memref<40000xf32, #tpu.memory_space<vmem>>[vector<16xi32>], vector<16xf32>,
        %add3A_99 = arith.addf %gather3A_94, %gather3A_98 : vector<16xf32>
        %add3A_100 = arith.constant 30000 : i32
        %add3A_101 = vector.broadcast %add3A_100 : i32 to vector<16xi32>
        %add3A_102 = arith.addi %get3A_65, %add3A_101 : vector<16xi32>
        %gather3A_103 = tpu.vector_load_idx %arg11[%add3A_102] : memref<40000xf32, #tpu.memory_space<vmem>>[vector<16xi32>], vector<16xf32>,
        %add3A_104 = arith.addf %add3A_99, %gather3A_103 : vector<16xf32>
        %add3A_105 = arith.constant 10000 : i32
        %add3A_106 = vector.broadcast %add3A_105 : i32 to vector<16xi32>
        %add3A_107 = arith.addi %get3A_69, %add3A_106 : vector<16xi32>
        %gather3A_108 = tpu.vector_load_idx %arg11[%add3A_107] : memref<40000xf32, #tpu.memory_space<vmem>>[vector<16xi32>], vector<16xf32>,
        %add3A_109 = arith.addf %add3A_104, %gather3A_108 : vector<16xf32>
        %add3A_110 = arith.constant 12544 : i32
        %add3A_111 = arith.addi %add3A_110, %mul3A_54 : i32
        %swap3A_112 = arith.index_cast %add3A_111 : i32 to index
        %swap3A_113 = tpu.vector_load %arg13[%swap3A_112] {strides = array<i32>} : memref<25088xf32, #tpu.memory_space<vmem>>, vector<16xf32>,
        tpu.vector_store %arg13[%swap3A_112], %add3A_109 {strides = array<i32>} : memref<25088xf32, #tpu.memory_space<vmem>>, vector<16xf32>,
        %scan3A_114 = arith.constant 0 : i32
        scf.yield %scan3A_114 : i32
      }
      %scan3A_46 = arith.constant 784 : i32
      %add3A_47 = arith.constant 0 : i32
      %add3A_48 = arith.addi %add3A_47, %add3A_32 : i32
      "tpu.region"() ({
        %run_scoped3A = tpu.sem_alloc : memref<!tpu.dma_semaphore, #tpu.memory_space<semaphore_mem>>
        %dma_start3A = arith.constant 0 : i32
        %dma_start3A_51 = tpu.memref_slice %arg13[%dma_start3A] : memref<25088xf32, #tpu.memory_space<vmem>> -> memref<12544xf32, #tpu.memory_space<vmem>>
        %dma_start3A_52 = tpu.memref_slice %arg9[%add3A_48] : memref<200704xf32, #tpu.memory_space<hbm>> -> memref<12544xf32, #tpu.memory_space<hbm>>
        %dma_start3A_53 = tpu.memref_slice %arg9[%add3A_48] : memref<200704xf32, #tpu.memory_space<hbm>> -> memref<12544xf32, #tpu.memory_space<hbm>>
        %dma_start3A_54 = arith.constant 0 : i32
        %dma_start3A_55 = tpu.memref_slice %arg13[%dma_start3A_54] : memref<25088xf32, #tpu.memory_space<vmem>> -> memref<12544xf32, #tpu.memory_space<vmem>>
        tpu.enqueue_dma source(%dma_start3A_55 : memref<12544xf32, #tpu.memory_space<vmem>>) target(%dma_start3A_53 : memref<12544xf32, #tpu.memory_space<hbm>>) target_semaphore(%run_scoped3A : memref<!tpu.dma_semaphore, #tpu.memory_space<semaphore_mem>>)
        %dma_wait3A = arith.constant 0 : i32
        %dma_wait3A_56 = tpu.memref_slice %arg13[%dma_wait3A] : memref<25088xf32, #tpu.memory_space<vmem>> -> memref<12544xf32, #tpu.memory_space<vmem>>
        %dma_wait3A_57 = tpu.memref_slice %arg9[%add3A_48] : memref<200704xf32, #tpu.memory_space<hbm>> -> memref<12544xf32, #tpu.memory_space<hbm>>
        %dma_wait3A_58 = tpu.memref_slice %arg9[%add3A_48] : memref<200704xf32, #tpu.memory_space<hbm>> -> memref<12544xf32, #tpu.memory_space<hbm>>
        %dma_wait3A_59 = arith.constant 0 : i32
        %dma_wait3A_60 = tpu.memref_slice %arg13[%dma_wait3A_59] : memref<25088xf32, #tpu.memory_space<vmem>> -> memref<12544xf32, #tpu.memory_space<vmem>>
        tpu.wait_dma2 semaphore(%run_scoped3A : memref<!tpu.dma_semaphore, #tpu.memory_space<semaphore_mem>>) src(%dma_wait3A_60 : memref<12544xf32, #tpu.memory_space<vmem>>) dst(%dma_wait3A_58 : memref<12544xf32, #tpu.memory_space<hbm>>)
        tpu.yield
      }) : () -> ()
      %add3A_49 = arith.constant 100352 : i32
      %add3A_50 = arith.addi %add3A_49, %add3A_32 : i32
      "tpu.region"() ({
        %run_scoped3A = tpu.sem_alloc : memref<!tpu.dma_semaphore, #tpu.memory_space<semaphore_mem>>
        %dma_start3A = arith.constant 12544 : i32
        %dma_start3A_51 = tpu.memref_slice %arg13[%dma_start3A] : memref<25088xf32, #tpu.memory_space<vmem>> -> memref<12544xf32, #tpu.memory_space<vmem>>
        %dma_start3A_52 = tpu.memref_slice %arg9[%add3A_50] : memref<200704xf32, #tpu.memory_space<hbm>> -> memref<12544xf32, #tpu.memory_space<hbm>>
        %dma_start3A_53 = tpu.memref_slice %arg9[%add3A_50] : memref<200704xf32, #tpu.memory_space<hbm>> -> memref<12544xf32, #tpu.memory_space<hbm>>
        %dma_start3A_54 = arith.constant 12544 : i32
        %dma_start3A_55 = tpu.memref_slice %arg13[%dma_start3A_54] : memref<25088xf32, #tpu.memory_space<vmem>> -> memref<12544xf32, #tpu.memory_space<vmem>>
        tpu.enqueue_dma source(%dma_start3A_55 : memref<12544xf32, #tpu.memory_space<vmem>>) target(%dma_start3A_53 : memref<12544xf32, #tpu.memory_space<hbm>>) target_semaphore(%run_scoped3A : memref<!tpu.dma_semaphore, #tpu.memory_space<semaphore_mem>>)
        %dma_wait3A = arith.constant 12544 : i32
        %dma_wait3A_56 = tpu.memref_slice %arg13[%dma_wait3A] : memref<25088xf32, #tpu.memory_space<vmem>> -> memref<12544xf32, #tpu.memory_space<vmem>>
        %dma_wait3A_57 = tpu.memref_slice %arg9[%add3A_50] : memref<200704xf32, #tpu.memory_space<hbm>> -> memref<12544xf32, #tpu.memory_space<hbm>>
        %dma_wait3A_58 = tpu.memref_slice %arg9[%add3A_50] : memref<200704xf32, #tpu.memory_space<hbm>> -> memref<12544xf32, #tpu.memory_space<hbm>>
        %dma_wait3A_59 = arith.constant 12544 : i32
        %dma_wait3A_60 = tpu.memref_slice %arg13[%dma_wait3A_59] : memref<25088xf32, #tpu.memory_space<vmem>> -> memref<12544xf32, #tpu.memory_space<vmem>>
        tpu.wait_dma2 semaphore(%run_scoped3A : memref<!tpu.dma_semaphore, #tpu.memory_space<semaphore_mem>>) src(%dma_wait3A_60 : memref<12544xf32, #tpu.memory_space<vmem>>) dst(%dma_wait3A_58 : memref<12544xf32, #tpu.memory_space<hbm>>)
        tpu.yield
      }) : () -> ()
    } else {
    }
    %ge3A_20 = arith.constant 24 : i32
    %ge3A_21 = arith.cmpi sge, %add3A, %ge3A_20 : i32
    %lt3A_22 = arith.constant 32 : i32
    %lt3A_23 = arith.cmpi slt, %add3A, %lt3A_22 : i32
    %and3A_24 = arith.andi %ge3A_21, %lt3A_23 : i1
    %convert_element_type3A_25 = arith.extui %and3A_24 : i1 to i32
    %cond3A_26 = arith.constant 0 : i32
    %cond3A_27 = arith.cmpi ne, %convert_element_type3A_25, %cond3A_26 : i32
    scf.if %cond3A_27 {
      %sub3A = arith.constant 24 : i32
      %sub3A_28 = arith.subi %add3A, %sub3A : i32
      "tpu.region"() ({
        %run_scoped3A = tpu.sem_alloc : memref<!tpu.dma_semaphore, #tpu.memory_space<semaphore_mem>>
        %dma_start3A = arith.constant 0 : i32
        %dma_start3A_51 = tpu.memref_slice %arg11[%dma_start3A] : memref<40000xf32, #tpu.memory_space<vmem>> -> memref<10000xf32, #tpu.memory_space<vmem>>
        %dma_start3A_52 = arith.constant 102400 : i32
        %dma_start3A_53 = tpu.memref_slice %arg2[%dma_start3A_52] : memref<163840xf32, #tpu.memory_space<hbm>> -> memref<10000xf32, #tpu.memory_space<hbm>>
        %dma_start3A_54 = arith.constant 0 : i32
        %dma_start3A_55 = tpu.memref_slice %arg11[%dma_start3A_54] : memref<40000xf32, #tpu.memory_space<vmem>> -> memref<10000xf32, #tpu.memory_space<vmem>>
        %dma_start3A_56 = arith.constant 102400 : i32
        %dma_start3A_57 = tpu.memref_slice %arg2[%dma_start3A_56] : memref<163840xf32, #tpu.memory_space<hbm>> -> memref<10000xf32, #tpu.memory_space<hbm>>
        tpu.enqueue_dma source(%dma_start3A_57 : memref<10000xf32, #tpu.memory_space<hbm>>) target(%dma_start3A_55 : memref<10000xf32, #tpu.memory_space<vmem>>) target_semaphore(%run_scoped3A : memref<!tpu.dma_semaphore, #tpu.memory_space<semaphore_mem>>)
        %dma_wait3A = arith.constant 0 : i32
        %dma_wait3A_58 = tpu.memref_slice %arg11[%dma_wait3A] : memref<40000xf32, #tpu.memory_space<vmem>> -> memref<10000xf32, #tpu.memory_space<vmem>>
        %dma_wait3A_59 = arith.constant 102400 : i32
        %dma_wait3A_60 = tpu.memref_slice %arg2[%dma_wait3A_59] : memref<163840xf32, #tpu.memory_space<hbm>> -> memref<10000xf32, #tpu.memory_space<hbm>>
        %dma_wait3A_61 = arith.constant 0 : i32
        %dma_wait3A_62 = tpu.memref_slice %arg11[%dma_wait3A_61] : memref<40000xf32, #tpu.memory_space<vmem>> -> memref<10000xf32, #tpu.memory_space<vmem>>
        %dma_wait3A_63 = arith.constant 102400 : i32
        %dma_wait3A_64 = tpu.memref_slice %arg2[%dma_wait3A_63] : memref<163840xf32, #tpu.memory_space<hbm>> -> memref<10000xf32, #tpu.memory_space<hbm>>
        tpu.wait_dma2 semaphore(%run_scoped3A : memref<!tpu.dma_semaphore, #tpu.memory_space<semaphore_mem>>) src(%dma_wait3A_64 : memref<10000xf32, #tpu.memory_space<hbm>>) dst(%dma_wait3A_62 : memref<10000xf32, #tpu.memory_space<vmem>>)
        tpu.yield
      }) : () -> ()
      "tpu.region"() ({
        %run_scoped3A = tpu.sem_alloc : memref<!tpu.dma_semaphore, #tpu.memory_space<semaphore_mem>>
        %dma_start3A = arith.constant 10000 : i32
        %dma_start3A_51 = tpu.memref_slice %arg11[%dma_start3A] : memref<40000xf32, #tpu.memory_space<vmem>> -> memref<10000xf32, #tpu.memory_space<vmem>>
        %dma_start3A_52 = arith.constant 112640 : i32
        %dma_start3A_53 = tpu.memref_slice %arg2[%dma_start3A_52] : memref<163840xf32, #tpu.memory_space<hbm>> -> memref<10000xf32, #tpu.memory_space<hbm>>
        %dma_start3A_54 = arith.constant 10000 : i32
        %dma_start3A_55 = tpu.memref_slice %arg11[%dma_start3A_54] : memref<40000xf32, #tpu.memory_space<vmem>> -> memref<10000xf32, #tpu.memory_space<vmem>>
        %dma_start3A_56 = arith.constant 112640 : i32
        %dma_start3A_57 = tpu.memref_slice %arg2[%dma_start3A_56] : memref<163840xf32, #tpu.memory_space<hbm>> -> memref<10000xf32, #tpu.memory_space<hbm>>
        tpu.enqueue_dma source(%dma_start3A_57 : memref<10000xf32, #tpu.memory_space<hbm>>) target(%dma_start3A_55 : memref<10000xf32, #tpu.memory_space<vmem>>) target_semaphore(%run_scoped3A : memref<!tpu.dma_semaphore, #tpu.memory_space<semaphore_mem>>)
        %dma_wait3A = arith.constant 10000 : i32
        %dma_wait3A_58 = tpu.memref_slice %arg11[%dma_wait3A] : memref<40000xf32, #tpu.memory_space<vmem>> -> memref<10000xf32, #tpu.memory_space<vmem>>
        %dma_wait3A_59 = arith.constant 112640 : i32
        %dma_wait3A_60 = tpu.memref_slice %arg2[%dma_wait3A_59] : memref<163840xf32, #tpu.memory_space<hbm>> -> memref<10000xf32, #tpu.memory_space<hbm>>
        %dma_wait3A_61 = arith.constant 10000 : i32
        %dma_wait3A_62 = tpu.memref_slice %arg11[%dma_wait3A_61] : memref<40000xf32, #tpu.memory_space<vmem>> -> memref<10000xf32, #tpu.memory_space<vmem>>
        %dma_wait3A_63 = arith.constant 112640 : i32
        %dma_wait3A_64 = tpu.memref_slice %arg2[%dma_wait3A_63] : memref<163840xf32, #tpu.memory_space<hbm>> -> memref<10000xf32, #tpu.memory_space<hbm>>
        tpu.wait_dma2 semaphore(%run_scoped3A : memref<!tpu.dma_semaphore, #tpu.memory_space<semaphore_mem>>) src(%dma_wait3A_64 : memref<10000xf32, #tpu.memory_space<hbm>>) dst(%dma_wait3A_62 : memref<10000xf32, #tpu.memory_space<vmem>>)
        tpu.yield
      }) : () -> ()
      "tpu.region"() ({
        %run_scoped3A = tpu.sem_alloc : memref<!tpu.dma_semaphore, #tpu.memory_space<semaphore_mem>>
        %dma_start3A = arith.constant 20000 : i32
        %dma_start3A_51 = tpu.memref_slice %arg11[%dma_start3A] : memref<40000xf32, #tpu.memory_space<vmem>> -> memref<10000xf32, #tpu.memory_space<vmem>>
        %dma_start3A_52 = arith.constant 122880 : i32
        %dma_start3A_53 = tpu.memref_slice %arg2[%dma_start3A_52] : memref<163840xf32, #tpu.memory_space<hbm>> -> memref<10000xf32, #tpu.memory_space<hbm>>
        %dma_start3A_54 = arith.constant 20000 : i32
        %dma_start3A_55 = tpu.memref_slice %arg11[%dma_start3A_54] : memref<40000xf32, #tpu.memory_space<vmem>> -> memref<10000xf32, #tpu.memory_space<vmem>>
        %dma_start3A_56 = arith.constant 122880 : i32
        %dma_start3A_57 = tpu.memref_slice %arg2[%dma_start3A_56] : memref<163840xf32, #tpu.memory_space<hbm>> -> memref<10000xf32, #tpu.memory_space<hbm>>
        tpu.enqueue_dma source(%dma_start3A_57 : memref<10000xf32, #tpu.memory_space<hbm>>) target(%dma_start3A_55 : memref<10000xf32, #tpu.memory_space<vmem>>) target_semaphore(%run_scoped3A : memref<!tpu.dma_semaphore, #tpu.memory_space<semaphore_mem>>)
        %dma_wait3A = arith.constant 20000 : i32
        %dma_wait3A_58 = tpu.memref_slice %arg11[%dma_wait3A] : memref<40000xf32, #tpu.memory_space<vmem>> -> memref<10000xf32, #tpu.memory_space<vmem>>
        %dma_wait3A_59 = arith.constant 122880 : i32
        %dma_wait3A_60 = tpu.memref_slice %arg2[%dma_wait3A_59] : memref<163840xf32, #tpu.memory_space<hbm>> -> memref<10000xf32, #tpu.memory_space<hbm>>
        %dma_wait3A_61 = arith.constant 20000 : i32
        %dma_wait3A_62 = tpu.memref_slice %arg11[%dma_wait3A_61] : memref<40000xf32, #tpu.memory_space<vmem>> -> memref<10000xf32, #tpu.memory_space<vmem>>
        %dma_wait3A_63 = arith.constant 122880 : i32
        %dma_wait3A_64 = tpu.memref_slice %arg2[%dma_wait3A_63] : memref<163840xf32, #tpu.memory_space<hbm>> -> memref<10000xf32, #tpu.memory_space<hbm>>
        tpu.wait_dma2 semaphore(%run_scoped3A : memref<!tpu.dma_semaphore, #tpu.memory_space<semaphore_mem>>) src(%dma_wait3A_64 : memref<10000xf32, #tpu.memory_space<hbm>>) dst(%dma_wait3A_62 : memref<10000xf32, #tpu.memory_space<vmem>>)
        tpu.yield
      }) : () -> ()
      "tpu.region"() ({
        %run_scoped3A = tpu.sem_alloc : memref<!tpu.dma_semaphore, #tpu.memory_space<semaphore_mem>>
        %dma_start3A = arith.constant 30000 : i32
        %dma_start3A_51 = tpu.memref_slice %arg11[%dma_start3A] : memref<40000xf32, #tpu.memory_space<vmem>> -> memref<10000xf32, #tpu.memory_space<vmem>>
        %dma_start3A_52 = arith.constant 133120 : i32
        %dma_start3A_53 = tpu.memref_slice %arg2[%dma_start3A_52] : memref<163840xf32, #tpu.memory_space<hbm>> -> memref<10000xf32, #tpu.memory_space<hbm>>
        %dma_start3A_54 = arith.constant 30000 : i32
        %dma_start3A_55 = tpu.memref_slice %arg11[%dma_start3A_54] : memref<40000xf32, #tpu.memory_space<vmem>> -> memref<10000xf32, #tpu.memory_space<vmem>>
        %dma_start3A_56 = arith.constant 133120 : i32
        %dma_start3A_57 = tpu.memref_slice %arg2[%dma_start3A_56] : memref<163840xf32, #tpu.memory_space<hbm>> -> memref<10000xf32, #tpu.memory_space<hbm>>
        tpu.enqueue_dma source(%dma_start3A_57 : memref<10000xf32, #tpu.memory_space<hbm>>) target(%dma_start3A_55 : memref<10000xf32, #tpu.memory_space<vmem>>) target_semaphore(%run_scoped3A : memref<!tpu.dma_semaphore, #tpu.memory_space<semaphore_mem>>)
        %dma_wait3A = arith.constant 30000 : i32
        %dma_wait3A_58 = tpu.memref_slice %arg11[%dma_wait3A] : memref<40000xf32, #tpu.memory_space<vmem>> -> memref<10000xf32, #tpu.memory_space<vmem>>
        %dma_wait3A_59 = arith.constant 133120 : i32
        %dma_wait3A_60 = tpu.memref_slice %arg2[%dma_wait3A_59] : memref<163840xf32, #tpu.memory_space<hbm>> -> memref<10000xf32, #tpu.memory_space<hbm>>
        %dma_wait3A_61 = arith.constant 30000 : i32
        %dma_wait3A_62 = tpu.memref_slice %arg11[%dma_wait3A_61] : memref<40000xf32, #tpu.memory_space<vmem>> -> memref<10000xf32, #tpu.memory_space<vmem>>
        %dma_wait3A_63 = arith.constant 133120 : i32
        %dma_wait3A_64 = tpu.memref_slice %arg2[%dma_wait3A_63] : memref<163840xf32, #tpu.memory_space<hbm>> -> memref<10000xf32, #tpu.memory_space<hbm>>
        tpu.wait_dma2 semaphore(%run_scoped3A : memref<!tpu.dma_semaphore, #tpu.memory_space<semaphore_mem>>) src(%dma_wait3A_64 : memref<10000xf32, #tpu.memory_space<hbm>>) dst(%dma_wait3A_62 : memref<10000xf32, #tpu.memory_space<vmem>>)
        tpu.yield
      }) : () -> ()
      %mul3A_29 = arith.constant 6272 : i32
      %mul3A_30 = arith.muli %sub3A_28, %mul3A_29 : i32
      %add3A_31 = arith.constant 0 : i32
      %add3A_32 = arith.addi %mul3A_30, %add3A_31 : i32
      %add3A_33 = arith.constant 0 : i32
      %add3A_34 = arith.addi %add3A_33, %add3A_32 : i32
      "tpu.region"() ({
        %run_scoped3A = tpu.sem_alloc : memref<!tpu.dma_semaphore, #tpu.memory_space<semaphore_mem>>
        %dma_start3A = arith.constant 0 : i32
        %dma_start3A_51 = tpu.memref_slice %arg12[%dma_start3A] : memref<50176xi32, #tpu.memory_space<vmem>> -> memref<6272xi32, #tpu.memory_space<vmem>>
        %dma_start3A_52 = tpu.memref_slice %arg6[%add3A_34] : memref<200704xi32, #tpu.memory_space<hbm>> -> memref<6272xi32, #tpu.memory_space<hbm>>
        %dma_start3A_53 = arith.constant 0 : i32
        %dma_start3A_54 = tpu.memref_slice %arg12[%dma_start3A_53] : memref<50176xi32, #tpu.memory_space<vmem>> -> memref<6272xi32, #tpu.memory_space<vmem>>
        %dma_start3A_55 = tpu.memref_slice %arg6[%add3A_34] : memref<200704xi32, #tpu.memory_space<hbm>> -> memref<6272xi32, #tpu.memory_space<hbm>>
        tpu.enqueue_dma source(%dma_start3A_55 : memref<6272xi32, #tpu.memory_space<hbm>>) target(%dma_start3A_54 : memref<6272xi32, #tpu.memory_space<vmem>>) target_semaphore(%run_scoped3A : memref<!tpu.dma_semaphore, #tpu.memory_space<semaphore_mem>>)
        %dma_wait3A = arith.constant 0 : i32
        %dma_wait3A_56 = tpu.memref_slice %arg12[%dma_wait3A] : memref<50176xi32, #tpu.memory_space<vmem>> -> memref<6272xi32, #tpu.memory_space<vmem>>
        %dma_wait3A_57 = tpu.memref_slice %arg6[%add3A_34] : memref<200704xi32, #tpu.memory_space<hbm>> -> memref<6272xi32, #tpu.memory_space<hbm>>
        %dma_wait3A_58 = arith.constant 0 : i32
        %dma_wait3A_59 = tpu.memref_slice %arg12[%dma_wait3A_58] : memref<50176xi32, #tpu.memory_space<vmem>> -> memref<6272xi32, #tpu.memory_space<vmem>>
        %dma_wait3A_60 = tpu.memref_slice %arg6[%add3A_34] : memref<200704xi32, #tpu.memory_space<hbm>> -> memref<6272xi32, #tpu.memory_space<hbm>>
        tpu.wait_dma2 semaphore(%run_scoped3A : memref<!tpu.dma_semaphore, #tpu.memory_space<semaphore_mem>>) src(%dma_wait3A_60 : memref<6272xi32, #tpu.memory_space<hbm>>) dst(%dma_wait3A_59 : memref<6272xi32, #tpu.memory_space<vmem>>)
        tpu.yield
      }) : () -> ()
      %add3A_35 = arith.constant 50176 : i32
      %add3A_36 = arith.addi %add3A_35, %add3A_32 : i32
      "tpu.region"() ({
        %run_scoped3A = tpu.sem_alloc : memref<!tpu.dma_semaphore, #tpu.memory_space<semaphore_mem>>
        %dma_start3A = arith.constant 6272 : i32
        %dma_start3A_51 = tpu.memref_slice %arg12[%dma_start3A] : memref<50176xi32, #tpu.memory_space<vmem>> -> memref<6272xi32, #tpu.memory_space<vmem>>
        %dma_start3A_52 = tpu.memref_slice %arg6[%add3A_36] : memref<200704xi32, #tpu.memory_space<hbm>> -> memref<6272xi32, #tpu.memory_space<hbm>>
        %dma_start3A_53 = arith.constant 6272 : i32
        %dma_start3A_54 = tpu.memref_slice %arg12[%dma_start3A_53] : memref<50176xi32, #tpu.memory_space<vmem>> -> memref<6272xi32, #tpu.memory_space<vmem>>
        %dma_start3A_55 = tpu.memref_slice %arg6[%add3A_36] : memref<200704xi32, #tpu.memory_space<hbm>> -> memref<6272xi32, #tpu.memory_space<hbm>>
        tpu.enqueue_dma source(%dma_start3A_55 : memref<6272xi32, #tpu.memory_space<hbm>>) target(%dma_start3A_54 : memref<6272xi32, #tpu.memory_space<vmem>>) target_semaphore(%run_scoped3A : memref<!tpu.dma_semaphore, #tpu.memory_space<semaphore_mem>>)
        %dma_wait3A = arith.constant 6272 : i32
        %dma_wait3A_56 = tpu.memref_slice %arg12[%dma_wait3A] : memref<50176xi32, #tpu.memory_space<vmem>> -> memref<6272xi32, #tpu.memory_space<vmem>>
        %dma_wait3A_57 = tpu.memref_slice %arg6[%add3A_36] : memref<200704xi32, #tpu.memory_space<hbm>> -> memref<6272xi32, #tpu.memory_space<hbm>>
        %dma_wait3A_58 = arith.constant 6272 : i32
        %dma_wait3A_59 = tpu.memref_slice %arg12[%dma_wait3A_58] : memref<50176xi32, #tpu.memory_space<vmem>> -> memref<6272xi32, #tpu.memory_space<vmem>>
        %dma_wait3A_60 = tpu.memref_slice %arg6[%add3A_36] : memref<200704xi32, #tpu.memory_space<hbm>> -> memref<6272xi32, #tpu.memory_space<hbm>>
        tpu.wait_dma2 semaphore(%run_scoped3A : memref<!tpu.dma_semaphore, #tpu.memory_space<semaphore_mem>>) src(%dma_wait3A_60 : memref<6272xi32, #tpu.memory_space<hbm>>) dst(%dma_wait3A_59 : memref<6272xi32, #tpu.memory_space<vmem>>)
        tpu.yield
      }) : () -> ()
      %add3A_37 = arith.constant 100352 : i32
      %add3A_38 = arith.addi %add3A_37, %add3A_32 : i32
      "tpu.region"() ({
        %run_scoped3A = tpu.sem_alloc : memref<!tpu.dma_semaphore, #tpu.memory_space<semaphore_mem>>
        %dma_start3A = arith.constant 12544 : i32
        %dma_start3A_51 = tpu.memref_slice %arg12[%dma_start3A] : memref<50176xi32, #tpu.memory_space<vmem>> -> memref<6272xi32, #tpu.memory_space<vmem>>
        %dma_start3A_52 = tpu.memref_slice %arg6[%add3A_38] : memref<200704xi32, #tpu.memory_space<hbm>> -> memref<6272xi32, #tpu.memory_space<hbm>>
        %dma_start3A_53 = arith.constant 12544 : i32
        %dma_start3A_54 = tpu.memref_slice %arg12[%dma_start3A_53] : memref<50176xi32, #tpu.memory_space<vmem>> -> memref<6272xi32, #tpu.memory_space<vmem>>
        %dma_start3A_55 = tpu.memref_slice %arg6[%add3A_38] : memref<200704xi32, #tpu.memory_space<hbm>> -> memref<6272xi32, #tpu.memory_space<hbm>>
        tpu.enqueue_dma source(%dma_start3A_55 : memref<6272xi32, #tpu.memory_space<hbm>>) target(%dma_start3A_54 : memref<6272xi32, #tpu.memory_space<vmem>>) target_semaphore(%run_scoped3A : memref<!tpu.dma_semaphore, #tpu.memory_space<semaphore_mem>>)
        %dma_wait3A = arith.constant 12544 : i32
        %dma_wait3A_56 = tpu.memref_slice %arg12[%dma_wait3A] : memref<50176xi32, #tpu.memory_space<vmem>> -> memref<6272xi32, #tpu.memory_space<vmem>>
        %dma_wait3A_57 = tpu.memref_slice %arg6[%add3A_38] : memref<200704xi32, #tpu.memory_space<hbm>> -> memref<6272xi32, #tpu.memory_space<hbm>>
        %dma_wait3A_58 = arith.constant 12544 : i32
        %dma_wait3A_59 = tpu.memref_slice %arg12[%dma_wait3A_58] : memref<50176xi32, #tpu.memory_space<vmem>> -> memref<6272xi32, #tpu.memory_space<vmem>>
        %dma_wait3A_60 = tpu.memref_slice %arg6[%add3A_38] : memref<200704xi32, #tpu.memory_space<hbm>> -> memref<6272xi32, #tpu.memory_space<hbm>>
        tpu.wait_dma2 semaphore(%run_scoped3A : memref<!tpu.dma_semaphore, #tpu.memory_space<semaphore_mem>>) src(%dma_wait3A_60 : memref<6272xi32, #tpu.memory_space<hbm>>) dst(%dma_wait3A_59 : memref<6272xi32, #tpu.memory_space<vmem>>)
        tpu.yield
      }) : () -> ()
      %add3A_39 = arith.constant 150528 : i32
      %add3A_40 = arith.addi %add3A_39, %add3A_32 : i32
      "tpu.region"() ({
        %run_scoped3A = tpu.sem_alloc : memref<!tpu.dma_semaphore, #tpu.memory_space<semaphore_mem>>
        %dma_start3A = arith.constant 18816 : i32
        %dma_start3A_51 = tpu.memref_slice %arg12[%dma_start3A] : memref<50176xi32, #tpu.memory_space<vmem>> -> memref<6272xi32, #tpu.memory_space<vmem>>
        %dma_start3A_52 = tpu.memref_slice %arg6[%add3A_40] : memref<200704xi32, #tpu.memory_space<hbm>> -> memref<6272xi32, #tpu.memory_space<hbm>>
        %dma_start3A_53 = arith.constant 18816 : i32
        %dma_start3A_54 = tpu.memref_slice %arg12[%dma_start3A_53] : memref<50176xi32, #tpu.memory_space<vmem>> -> memref<6272xi32, #tpu.memory_space<vmem>>
        %dma_start3A_55 = tpu.memref_slice %arg6[%add3A_40] : memref<200704xi32, #tpu.memory_space<hbm>> -> memref<6272xi32, #tpu.memory_space<hbm>>
        tpu.enqueue_dma source(%dma_start3A_55 : memref<6272xi32, #tpu.memory_space<hbm>>) target(%dma_start3A_54 : memref<6272xi32, #tpu.memory_space<vmem>>) target_semaphore(%run_scoped3A : memref<!tpu.dma_semaphore, #tpu.memory_space<semaphore_mem>>)
        %dma_wait3A = arith.constant 18816 : i32
        %dma_wait3A_56 = tpu.memref_slice %arg12[%dma_wait3A] : memref<50176xi32, #tpu.memory_space<vmem>> -> memref<6272xi32, #tpu.memory_space<vmem>>
        %dma_wait3A_57 = tpu.memref_slice %arg6[%add3A_40] : memref<200704xi32, #tpu.memory_space<hbm>> -> memref<6272xi32, #tpu.memory_space<hbm>>
        %dma_wait3A_58 = arith.constant 18816 : i32
        %dma_wait3A_59 = tpu.memref_slice %arg12[%dma_wait3A_58] : memref<50176xi32, #tpu.memory_space<vmem>> -> memref<6272xi32, #tpu.memory_space<vmem>>
        %dma_wait3A_60 = tpu.memref_slice %arg6[%add3A_40] : memref<200704xi32, #tpu.memory_space<hbm>> -> memref<6272xi32, #tpu.memory_space<hbm>>
        tpu.wait_dma2 semaphore(%run_scoped3A : memref<!tpu.dma_semaphore, #tpu.memory_space<semaphore_mem>>) src(%dma_wait3A_60 : memref<6272xi32, #tpu.memory_space<hbm>>) dst(%dma_wait3A_59 : memref<6272xi32, #tpu.memory_space<vmem>>)
        tpu.yield
      }) : () -> ()
      %scan3A = arith.constant 0 : i32
      %scan3A_41 = arith.constant 0 : i32
      %scan3A_42 = arith.constant 392 : i32
      %scan3A_43 = arith.addi %scan3A_41, %scan3A_42 : i32
      %scan3A_44 = arith.constant 1 : i32
      %scan3A_45 = scf.for %scan3A_51 = %scan3A_41 to %scan3A_43 step %scan3A_44 iter_args(%scan3A_52 = %scan3A) -> (i32)  : i32 {
        %mul3A_53 = arith.constant 16 : i32
        %mul3A_54 = arith.muli %scan3A_51, %mul3A_53 : i32
        %add3A_55 = arith.constant 0 : i32
        %add3A_56 = arith.addi %add3A_55, %mul3A_54 : i32
        %get3A = arith.index_cast %add3A_56 : i32 to index
        %get3A_57 = tpu.vector_load %arg12[%get3A] {strides = array<i32>} : memref<50176xi32, #tpu.memory_space<vmem>>, vector<16xi32>,
        %add3A_58 = arith.constant 6272 : i32
        %add3A_59 = arith.addi %add3A_58, %mul3A_54 : i32
        %get3A_60 = arith.index_cast %add3A_59 : i32 to index
        %get3A_61 = tpu.vector_load %arg12[%get3A_60] {strides = array<i32>} : memref<50176xi32, #tpu.memory_space<vmem>>, vector<16xi32>,
        %add3A_62 = arith.constant 12544 : i32
        %add3A_63 = arith.addi %add3A_62, %mul3A_54 : i32
        %get3A_64 = arith.index_cast %add3A_63 : i32 to index
        %get3A_65 = tpu.vector_load %arg12[%get3A_64] {strides = array<i32>} : memref<50176xi32, #tpu.memory_space<vmem>>, vector<16xi32>,
        %add3A_66 = arith.constant 18816 : i32
        %add3A_67 = arith.addi %add3A_66, %mul3A_54 : i32
        %get3A_68 = arith.index_cast %add3A_67 : i32 to index
        %get3A_69 = tpu.vector_load %arg12[%get3A_68] {strides = array<i32>} : memref<50176xi32, #tpu.memory_space<vmem>>, vector<16xi32>,
        %add3A_70 = arith.constant 0 : i32
        %add3A_71 = vector.broadcast %add3A_70 : i32 to vector<16xi32>
        %add3A_72 = arith.addi %get3A_57, %add3A_71 : vector<16xi32>
        %gather3A = tpu.vector_load_idx %arg11[%add3A_72] : memref<40000xf32, #tpu.memory_space<vmem>>[vector<16xi32>], vector<16xf32>,
        %add3A_73 = arith.constant 20000 : i32
        %add3A_74 = vector.broadcast %add3A_73 : i32 to vector<16xi32>
        %add3A_75 = arith.addi %get3A_61, %add3A_74 : vector<16xi32>
        %gather3A_76 = tpu.vector_load_idx %arg11[%add3A_75] : memref<40000xf32, #tpu.memory_space<vmem>>[vector<16xi32>], vector<16xf32>,
        %add3A_77 = arith.addf %gather3A, %gather3A_76 : vector<16xf32>
        %add3A_78 = arith.constant 20000 : i32
        %add3A_79 = vector.broadcast %add3A_78 : i32 to vector<16xi32>
        %add3A_80 = arith.addi %get3A_65, %add3A_79 : vector<16xi32>
        %gather3A_81 = tpu.vector_load_idx %arg11[%add3A_80] : memref<40000xf32, #tpu.memory_space<vmem>>[vector<16xi32>], vector<16xf32>,
        %add3A_82 = arith.addf %add3A_77, %gather3A_81 : vector<16xf32>
        %add3A_83 = arith.constant 20000 : i32
        %add3A_84 = vector.broadcast %add3A_83 : i32 to vector<16xi32>
        %add3A_85 = arith.addi %get3A_69, %add3A_84 : vector<16xi32>
        %gather3A_86 = tpu.vector_load_idx %arg11[%add3A_85] : memref<40000xf32, #tpu.memory_space<vmem>>[vector<16xi32>], vector<16xf32>,
        %add3A_87 = arith.addf %add3A_82, %gather3A_86 : vector<16xf32>
        %add3A_88 = arith.constant 0 : i32
        %add3A_89 = arith.addi %add3A_88, %mul3A_54 : i32
        %swap3A = arith.index_cast %add3A_89 : i32 to index
        %swap3A_90 = tpu.vector_load %arg13[%swap3A] {strides = array<i32>} : memref<25088xf32, #tpu.memory_space<vmem>>, vector<16xf32>,
        tpu.vector_store %arg13[%swap3A], %add3A_87 {strides = array<i32>} : memref<25088xf32, #tpu.memory_space<vmem>>, vector<16xf32>,
        %add3A_91 = arith.constant 10000 : i32
        %add3A_92 = vector.broadcast %add3A_91 : i32 to vector<16xi32>
        %add3A_93 = arith.addi %get3A_57, %add3A_92 : vector<16xi32>
        %gather3A_94 = tpu.vector_load_idx %arg11[%add3A_93] : memref<40000xf32, #tpu.memory_space<vmem>>[vector<16xi32>], vector<16xf32>,
        %add3A_95 = arith.constant 30000 : i32
        %add3A_96 = vector.broadcast %add3A_95 : i32 to vector<16xi32>
        %add3A_97 = arith.addi %get3A_61, %add3A_96 : vector<16xi32>
        %gather3A_98 = tpu.vector_load_idx %arg11[%add3A_97] : memref<40000xf32, #tpu.memory_space<vmem>>[vector<16xi32>], vector<16xf32>,
        %add3A_99 = arith.addf %gather3A_94, %gather3A_98 : vector<16xf32>
        %add3A_100 = arith.constant 30000 : i32
        %add3A_101 = vector.broadcast %add3A_100 : i32 to vector<16xi32>
        %add3A_102 = arith.addi %get3A_65, %add3A_101 : vector<16xi32>
        %gather3A_103 = tpu.vector_load_idx %arg11[%add3A_102] : memref<40000xf32, #tpu.memory_space<vmem>>[vector<16xi32>], vector<16xf32>,
        %add3A_104 = arith.addf %add3A_99, %gather3A_103 : vector<16xf32>
        %add3A_105 = arith.constant 30000 : i32
        %add3A_106 = vector.broadcast %add3A_105 : i32 to vector<16xi32>
        %add3A_107 = arith.addi %get3A_69, %add3A_106 : vector<16xi32>
        %gather3A_108 = tpu.vector_load_idx %arg11[%add3A_107] : memref<40000xf32, #tpu.memory_space<vmem>>[vector<16xi32>], vector<16xf32>,
        %add3A_109 = arith.addf %add3A_104, %gather3A_108 : vector<16xf32>
        %add3A_110 = arith.constant 6272 : i32
        %add3A_111 = arith.addi %add3A_110, %mul3A_54 : i32
        %swap3A_112 = arith.index_cast %add3A_111 : i32 to index
        %swap3A_113 = tpu.vector_load %arg13[%swap3A_112] {strides = array<i32>} : memref<25088xf32, #tpu.memory_space<vmem>>, vector<16xf32>,
        tpu.vector_store %arg13[%swap3A_112], %add3A_109 {strides = array<i32>} : memref<25088xf32, #tpu.memory_space<vmem>>, vector<16xf32>,
        %scan3A_114 = arith.constant 0 : i32
        scf.yield %scan3A_114 : i32
      }
      %scan3A_46 = arith.constant 392 : i32
      %add3A_47 = arith.constant 0 : i32
      %add3A_48 = arith.addi %add3A_47, %add3A_32 : i32
      "tpu.region"() ({
        %run_scoped3A = tpu.sem_alloc : memref<!tpu.dma_semaphore, #tpu.memory_space<semaphore_mem>>
        %dma_start3A = arith.constant 0 : i32
        %dma_start3A_51 = tpu.memref_slice %arg13[%dma_start3A] : memref<25088xf32, #tpu.memory_space<vmem>> -> memref<6272xf32, #tpu.memory_space<vmem>>
        %dma_start3A_52 = tpu.memref_slice %arg10[%add3A_48] : memref<100352xf32, #tpu.memory_space<hbm>> -> memref<6272xf32, #tpu.memory_space<hbm>>
        %dma_start3A_53 = tpu.memref_slice %arg10[%add3A_48] : memref<100352xf32, #tpu.memory_space<hbm>> -> memref<6272xf32, #tpu.memory_space<hbm>>
        %dma_start3A_54 = arith.constant 0 : i32
        %dma_start3A_55 = tpu.memref_slice %arg13[%dma_start3A_54] : memref<25088xf32, #tpu.memory_space<vmem>> -> memref<6272xf32, #tpu.memory_space<vmem>>
        tpu.enqueue_dma source(%dma_start3A_55 : memref<6272xf32, #tpu.memory_space<vmem>>) target(%dma_start3A_53 : memref<6272xf32, #tpu.memory_space<hbm>>) target_semaphore(%run_scoped3A : memref<!tpu.dma_semaphore, #tpu.memory_space<semaphore_mem>>)
        %dma_wait3A = arith.constant 0 : i32
        %dma_wait3A_56 = tpu.memref_slice %arg13[%dma_wait3A] : memref<25088xf32, #tpu.memory_space<vmem>> -> memref<6272xf32, #tpu.memory_space<vmem>>
        %dma_wait3A_57 = tpu.memref_slice %arg10[%add3A_48] : memref<100352xf32, #tpu.memory_space<hbm>> -> memref<6272xf32, #tpu.memory_space<hbm>>
        %dma_wait3A_58 = tpu.memref_slice %arg10[%add3A_48] : memref<100352xf32, #tpu.memory_space<hbm>> -> memref<6272xf32, #tpu.memory_space<hbm>>
        %dma_wait3A_59 = arith.constant 0 : i32
        %dma_wait3A_60 = tpu.memref_slice %arg13[%dma_wait3A_59] : memref<25088xf32, #tpu.memory_space<vmem>> -> memref<6272xf32, #tpu.memory_space<vmem>>
        tpu.wait_dma2 semaphore(%run_scoped3A : memref<!tpu.dma_semaphore, #tpu.memory_space<semaphore_mem>>) src(%dma_wait3A_60 : memref<6272xf32, #tpu.memory_space<vmem>>) dst(%dma_wait3A_58 : memref<6272xf32, #tpu.memory_space<hbm>>)
        tpu.yield
      }) : () -> ()
      %add3A_49 = arith.constant 50176 : i32
      %add3A_50 = arith.addi %add3A_49, %add3A_32 : i32
      "tpu.region"() ({
        %run_scoped3A = tpu.sem_alloc : memref<!tpu.dma_semaphore, #tpu.memory_space<semaphore_mem>>
        %dma_start3A = arith.constant 6272 : i32
        %dma_start3A_51 = tpu.memref_slice %arg13[%dma_start3A] : memref<25088xf32, #tpu.memory_space<vmem>> -> memref<6272xf32, #tpu.memory_space<vmem>>
        %dma_start3A_52 = tpu.memref_slice %arg10[%add3A_50] : memref<100352xf32, #tpu.memory_space<hbm>> -> memref<6272xf32, #tpu.memory_space<hbm>>
        %dma_start3A_53 = tpu.memref_slice %arg10[%add3A_50] : memref<100352xf32, #tpu.memory_space<hbm>> -> memref<6272xf32, #tpu.memory_space<hbm>>
        %dma_start3A_54 = arith.constant 6272 : i32
        %dma_start3A_55 = tpu.memref_slice %arg13[%dma_start3A_54] : memref<25088xf32, #tpu.memory_space<vmem>> -> memref<6272xf32, #tpu.memory_space<vmem>>
        tpu.enqueue_dma source(%dma_start3A_55 : memref<6272xf32, #tpu.memory_space<vmem>>) target(%dma_start3A_53 : memref<6272xf32, #tpu.memory_space<hbm>>) target_semaphore(%run_scoped3A : memref<!tpu.dma_semaphore, #tpu.memory_space<semaphore_mem>>)
        %dma_wait3A = arith.constant 6272 : i32
        %dma_wait3A_56 = tpu.memref_slice %arg13[%dma_wait3A] : memref<25088xf32, #tpu.memory_space<vmem>> -> memref<6272xf32, #tpu.memory_space<vmem>>
        %dma_wait3A_57 = tpu.memref_slice %arg10[%add3A_50] : memref<100352xf32, #tpu.memory_space<hbm>> -> memref<6272xf32, #tpu.memory_space<hbm>>
        %dma_wait3A_58 = tpu.memref_slice %arg10[%add3A_50] : memref<100352xf32, #tpu.memory_space<hbm>> -> memref<6272xf32, #tpu.memory_space<hbm>>
        %dma_wait3A_59 = arith.constant 6272 : i32
        %dma_wait3A_60 = tpu.memref_slice %arg13[%dma_wait3A_59] : memref<25088xf32, #tpu.memory_space<vmem>> -> memref<6272xf32, #tpu.memory_space<vmem>>
        tpu.wait_dma2 semaphore(%run_scoped3A : memref<!tpu.dma_semaphore, #tpu.memory_space<semaphore_mem>>) src(%dma_wait3A_60 : memref<6272xf32, #tpu.memory_space<vmem>>) dst(%dma_wait3A_58 : memref<6272xf32, #tpu.memory_space<hbm>>)
        tpu.yield
      }) : () -> ()
    } else {
    }
    return
  }
}

#map = affine_map<(d0, d1) -> (0, 0)>
#map1 = affine_map<(d0, d1) -> (0)>
#map2 = affine_map<(d0, d1) -> (0, 0, 0)>
module attributes {stable_mosaic.version = 14 : i64} {
  func.func @_segment_sum_sc(%arg0: i32, %arg1: i32, %arg2: memref<10000x128xf32, #tpu.memory_space<hbm>>, %arg3: memref<320000xi32, #tpu.memory_space<hbm>>, %arg4: memref<320000xi32, #tpu.memory_space<hbm>>, %arg5: memref<640x128xf32, #tpu.memory_space<hbm>>, %arg6: memref<2x10240x128xf32, #tpu.memory_space<hbm>>, %arg7: memref<10000xi32, #tpu.memory_space<vmem>>, %arg8: memref<10000xi32, #tpu.memory_space<vmem>>, %arg9: memref<88x128xf32, #tpu.memory_space<vmem>>, %arg10: memref<88x128xf32, #tpu.memory_space<vmem>>, %arg11: memref<10240x128xf32, #tpu.memory_space<vmem_shared>>, %arg12: memref<!tpu.dma_semaphore, #tpu.memory_space<semaphore_mem>>, %arg13: memref<!tpu.dma_semaphore, #tpu.memory_space<semaphore_mem>>) attributes {dimension_semantics = [#tpu.dimension_semantics<core_parallel>, #tpu.dimension_semantics<subcore_parallel>], iteration_bounds = array<i64: 2, 16>, scalar_prefetch = 0 : i64, scratch_operands = 7 : i64, tpu.core_type = #tpu.core_type<sc_vector_subcore>, window_params = [{transform_indices = #map}, {transform_indices = #map1}, {transform_indices = #map1}, {transform_indices = #map}, {transform_indices = #map2}]} {
    %mul3A = arith.constant 640 : i32
    %mul3A_0 = arith.muli %arg1, %mul3A : i32
    "tpu.region"() ({
      %run_scoped3A = tpu.sem_alloc : memref<!tpu.dma_semaphore, #tpu.memory_space<semaphore_mem>>
      %dma_start3A_40 = arith.constant 0 : i32
      %dma_start3A_41 = tpu.memref_slice %arg11[%mul3A_0, %dma_start3A_40] : memref<10240x128xf32, #tpu.memory_space<vmem_shared>> -> memref<640x128xf32, #tpu.memory_space<vmem_shared>>
      tpu.enqueue_dma source(%arg5 : memref<640x128xf32, #tpu.memory_space<hbm>>) target(%dma_start3A_41 : memref<640x128xf32, #tpu.memory_space<vmem_shared>>) target_semaphore(%run_scoped3A : memref<!tpu.dma_semaphore, #tpu.memory_space<semaphore_mem>>)
      %dma_wait3A_42 = arith.constant 0 : i32
      %dma_wait3A_43 = tpu.memref_slice %arg11[%mul3A_0, %dma_wait3A_42] : memref<10240x128xf32, #tpu.memory_space<vmem_shared>> -> memref<640x128xf32, #tpu.memory_space<vmem_shared>>
      tpu.wait_dma2 semaphore(%run_scoped3A : memref<!tpu.dma_semaphore, #tpu.memory_space<semaphore_mem>>) src(%arg5 : memref<640x128xf32, #tpu.memory_space<hbm>>) dst(%dma_wait3A_43 : memref<640x128xf32, #tpu.memory_space<vmem_shared>>)
      tpu.yield
    }) : () -> ()
    %mul3A_1 = arith.constant 160000 : i32
    %mul3A_2 = arith.muli %arg0, %mul3A_1 : i32
    %mul3A_3 = arith.constant 10000 : i32
    %mul3A_4 = arith.muli %arg1, %mul3A_3 : i32
    %add3A = arith.addi %mul3A_2, %mul3A_4 : i32
    "tpu.region"() ({
      %run_scoped3A = tpu.sem_alloc : memref<!tpu.dma_semaphore, #tpu.memory_space<semaphore_mem>>
      %dma_start3A_40 = tpu.memref_slice %arg3[%add3A] : memref<320000xi32, #tpu.memory_space<hbm>> -> memref<10000xi32, #tpu.memory_space<hbm>>
      %dma_start3A_41 = tpu.memref_slice %arg3[%add3A] : memref<320000xi32, #tpu.memory_space<hbm>> -> memref<10000xi32, #tpu.memory_space<hbm>>
      tpu.enqueue_dma source(%dma_start3A_41 : memref<10000xi32, #tpu.memory_space<hbm>>) target(%arg7 : memref<10000xi32, #tpu.memory_space<vmem>>) target_semaphore(%run_scoped3A : memref<!tpu.dma_semaphore, #tpu.memory_space<semaphore_mem>>)
      %dma_wait3A_42 = tpu.memref_slice %arg3[%add3A] : memref<320000xi32, #tpu.memory_space<hbm>> -> memref<10000xi32, #tpu.memory_space<hbm>>
      %dma_wait3A_43 = tpu.memref_slice %arg3[%add3A] : memref<320000xi32, #tpu.memory_space<hbm>> -> memref<10000xi32, #tpu.memory_space<hbm>>
      tpu.wait_dma2 semaphore(%run_scoped3A : memref<!tpu.dma_semaphore, #tpu.memory_space<semaphore_mem>>) src(%dma_wait3A_43 : memref<10000xi32, #tpu.memory_space<hbm>>) dst(%arg7 : memref<10000xi32, #tpu.memory_space<vmem>>)
      tpu.yield
    }) : () -> ()
    "tpu.region"() ({
      %run_scoped3A = tpu.sem_alloc : memref<!tpu.dma_semaphore, #tpu.memory_space<semaphore_mem>>
      %dma_start3A_40 = tpu.memref_slice %arg4[%add3A] : memref<320000xi32, #tpu.memory_space<hbm>> -> memref<10000xi32, #tpu.memory_space<hbm>>
      %dma_start3A_41 = tpu.memref_slice %arg4[%add3A] : memref<320000xi32, #tpu.memory_space<hbm>> -> memref<10000xi32, #tpu.memory_space<hbm>>
      tpu.enqueue_dma source(%dma_start3A_41 : memref<10000xi32, #tpu.memory_space<hbm>>) target(%arg8 : memref<10000xi32, #tpu.memory_space<vmem>>) target_semaphore(%run_scoped3A : memref<!tpu.dma_semaphore, #tpu.memory_space<semaphore_mem>>)
      %dma_wait3A_42 = tpu.memref_slice %arg4[%add3A] : memref<320000xi32, #tpu.memory_space<hbm>> -> memref<10000xi32, #tpu.memory_space<hbm>>
      %dma_wait3A_43 = tpu.memref_slice %arg4[%add3A] : memref<320000xi32, #tpu.memory_space<hbm>> -> memref<10000xi32, #tpu.memory_space<hbm>>
      tpu.wait_dma2 semaphore(%run_scoped3A : memref<!tpu.dma_semaphore, #tpu.memory_space<semaphore_mem>>) src(%dma_wait3A_43 : memref<10000xi32, #tpu.memory_space<hbm>>) dst(%arg8 : memref<10000xi32, #tpu.memory_space<vmem>>)
      tpu.yield
    }) : () -> ()
    %barrier3A = arith.constant 0 : index
    tpu.barrier barrier_id(%barrier3A)
    %dma_start3A = arith.constant 0 : i32
    %dma_start3A_5 = tpu.memref_slice %arg7[%dma_start3A] : memref<10000xi32, #tpu.memory_space<vmem>> -> memref<88xi32, #tpu.memory_space<vmem>>
    %dma_start3A_6 = arith.constant 0 : i32
    %dma_start3A_7 = arith.constant 0 : i32
    %dma_start3A_8 = tpu.memref_slice %arg2[%dma_start3A_6, %dma_start3A_7] : memref<10000x128xf32, #tpu.memory_space<hbm>> -> memref<10000x128xf32, #tpu.memory_space<hbm>>
    tpu.enqueue_indirect_dma source(%dma_start3A_8 : memref<10000x128xf32, #tpu.memory_space<hbm>>) target(%arg9 : memref<88x128xf32, #tpu.memory_space<vmem>>) offsets(%dma_start3A_5 : memref<88xi32, #tpu.memory_space<vmem>>) semaphore(%arg12 : memref<!tpu.dma_semaphore, #tpu.memory_space<semaphore_mem>>)
    %scan3A = arith.constant 0 : i32
    %scan3A_9 = arith.constant 0 : i32
    %scan3A_10 = arith.constant 56 : i32
    %scan3A_11 = arith.addi %scan3A_9, %scan3A_10 : i32
    %scan3A_12 = arith.constant 1 : i32
    %scan3A_13 = scf.for %scan3A_40 = %scan3A_9 to %scan3A_11 step %scan3A_12 iter_args(%scan3A_41 = %scan3A) -> (i32)  : i32 {
      %mul3A_42 = arith.constant 2 : i32
      %mul3A_43 = arith.muli %mul3A_42, %scan3A_40 : i32
      %mul3A_44 = arith.constant 88 : i32
      %mul3A_45 = arith.muli %mul3A_43, %mul3A_44 : i32
      %add3A_46 = arith.constant 88 : i32
      %add3A_47 = arith.addi %mul3A_45, %add3A_46 : i32
      %add3A_48 = arith.constant 176 : i32
      %add3A_49 = arith.addi %mul3A_45, %add3A_48 : i32
      %dma_start3A_50 = tpu.memref_slice %arg7[%add3A_47] : memref<10000xi32, #tpu.memory_space<vmem>> -> memref<88xi32, #tpu.memory_space<vmem>>
      %dma_start3A_51 = arith.constant 0 : i32
      %dma_start3A_52 = arith.constant 0 : i32
      %dma_start3A_53 = tpu.memref_slice %arg2[%dma_start3A_51, %dma_start3A_52] : memref<10000x128xf32, #tpu.memory_space<hbm>> -> memref<10000x128xf32, #tpu.memory_space<hbm>>
      tpu.enqueue_indirect_dma source(%dma_start3A_53 : memref<10000x128xf32, #tpu.memory_space<hbm>>) target(%arg10 : memref<88x128xf32, #tpu.memory_space<vmem>>) offsets(%dma_start3A_50 : memref<88xi32, #tpu.memory_space<vmem>>) semaphore(%arg13 : memref<!tpu.dma_semaphore, #tpu.memory_space<semaphore_mem>>)
      %dma_wait3A_54 = tpu.memref_slice %arg7[%mul3A_45] : memref<10000xi32, #tpu.memory_space<vmem>> -> memref<88xi32, #tpu.memory_space<vmem>>
      %dma_wait3A_55 = arith.constant 0 : i32
      %dma_wait3A_56 = arith.constant 0 : i32
      %dma_wait3A_57 = tpu.memref_slice %arg2[%dma_wait3A_55, %dma_wait3A_56] : memref<10000x128xf32, #tpu.memory_space<hbm>> -> memref<10000x128xf32, #tpu.memory_space<hbm>>
      tpu.wait_indirect_dma semaphore(%arg12 : memref<!tpu.dma_semaphore, #tpu.memory_space<semaphore_mem>>) src(%dma_wait3A_57 : memref<10000x128xf32, #tpu.memory_space<hbm>>) dst(%arg9 : memref<88x128xf32, #tpu.memory_space<vmem>>)
      "tpu.region"() ({
        %run_scoped3A = tpu.sem_alloc : memref<!tpu.dma_semaphore, #tpu.memory_space<semaphore_mem>>
        %dma_start3A_67 = tpu.memref_slice %arg8[%mul3A_45] : memref<10000xi32, #tpu.memory_space<vmem>> -> memref<88xi32, #tpu.memory_space<vmem>>
        %dma_start3A_68 = arith.constant 0 : i32
        %dma_start3A_69 = arith.constant 0 : i32
        %dma_start3A_70 = tpu.memref_slice %arg11[%dma_start3A_68, %dma_start3A_69] : memref<10240x128xf32, #tpu.memory_space<vmem_shared>> -> memref<10240x128xf32, #tpu.memory_space<vmem_shared>>
        tpu.enqueue_indirect_dma source(%arg9 : memref<88x128xf32, #tpu.memory_space<vmem>>) target(%dma_start3A_70 : memref<10240x128xf32, #tpu.memory_space<vmem_shared>>) offsets(%dma_start3A_67 : memref<88xi32, #tpu.memory_space<vmem>>) semaphore(%run_scoped3A : memref<!tpu.dma_semaphore, #tpu.memory_space<semaphore_mem>>) {add = true}
        %dma_wait3A_71 = tpu.memref_slice %arg8[%mul3A_45] : memref<10000xi32, #tpu.memory_space<vmem>> -> memref<88xi32, #tpu.memory_space<vmem>>
        %dma_wait3A_72 = arith.constant 0 : i32
        %dma_wait3A_73 = arith.constant 0 : i32
        %dma_wait3A_74 = tpu.memref_slice %arg11[%dma_wait3A_72, %dma_wait3A_73] : memref<10240x128xf32, #tpu.memory_space<vmem_shared>> -> memref<10240x128xf32, #tpu.memory_space<vmem_shared>>
        tpu.wait_indirect_dma semaphore(%run_scoped3A : memref<!tpu.dma_semaphore, #tpu.memory_space<semaphore_mem>>) src(%arg9 : memref<88x128xf32, #tpu.memory_space<vmem>>) dst(%dma_wait3A_74 : memref<10240x128xf32, #tpu.memory_space<vmem_shared>>)
        tpu.yield
      }) : () -> ()
      %dma_start3A_58 = tpu.memref_slice %arg7[%add3A_49] : memref<10000xi32, #tpu.memory_space<vmem>> -> memref<88xi32, #tpu.memory_space<vmem>>
      %dma_start3A_59 = arith.constant 0 : i32
      %dma_start3A_60 = arith.constant 0 : i32
      %dma_start3A_61 = tpu.memref_slice %arg2[%dma_start3A_59, %dma_start3A_60] : memref<10000x128xf32, #tpu.memory_space<hbm>> -> memref<10000x128xf32, #tpu.memory_space<hbm>>
      tpu.enqueue_indirect_dma source(%dma_start3A_61 : memref<10000x128xf32, #tpu.memory_space<hbm>>) target(%arg9 : memref<88x128xf32, #tpu.memory_space<vmem>>) offsets(%dma_start3A_58 : memref<88xi32, #tpu.memory_space<vmem>>) semaphore(%arg12 : memref<!tpu.dma_semaphore, #tpu.memory_space<semaphore_mem>>)
      %dma_wait3A_62 = tpu.memref_slice %arg7[%add3A_47] : memref<10000xi32, #tpu.memory_space<vmem>> -> memref<88xi32, #tpu.memory_space<vmem>>
      %dma_wait3A_63 = arith.constant 0 : i32
      %dma_wait3A_64 = arith.constant 0 : i32
      %dma_wait3A_65 = tpu.memref_slice %arg2[%dma_wait3A_63, %dma_wait3A_64] : memref<10000x128xf32, #tpu.memory_space<hbm>> -> memref<10000x128xf32, #tpu.memory_space<hbm>>
      tpu.wait_indirect_dma semaphore(%arg13 : memref<!tpu.dma_semaphore, #tpu.memory_space<semaphore_mem>>) src(%dma_wait3A_65 : memref<10000x128xf32, #tpu.memory_space<hbm>>) dst(%arg10 : memref<88x128xf32, #tpu.memory_space<vmem>>)
      "tpu.region"() ({
        %run_scoped3A = tpu.sem_alloc : memref<!tpu.dma_semaphore, #tpu.memory_space<semaphore_mem>>
        %dma_start3A_67 = tpu.memref_slice %arg8[%add3A_47] : memref<10000xi32, #tpu.memory_space<vmem>> -> memref<88xi32, #tpu.memory_space<vmem>>
        %dma_start3A_68 = arith.constant 0 : i32
        %dma_start3A_69 = arith.constant 0 : i32
        %dma_start3A_70 = tpu.memref_slice %arg11[%dma_start3A_68, %dma_start3A_69] : memref<10240x128xf32, #tpu.memory_space<vmem_shared>> -> memref<10240x128xf32, #tpu.memory_space<vmem_shared>>
        tpu.enqueue_indirect_dma source(%arg10 : memref<88x128xf32, #tpu.memory_space<vmem>>) target(%dma_start3A_70 : memref<10240x128xf32, #tpu.memory_space<vmem_shared>>) offsets(%dma_start3A_67 : memref<88xi32, #tpu.memory_space<vmem>>) semaphore(%run_scoped3A : memref<!tpu.dma_semaphore, #tpu.memory_space<semaphore_mem>>) {add = true}
        %dma_wait3A_71 = tpu.memref_slice %arg8[%add3A_47] : memref<10000xi32, #tpu.memory_space<vmem>> -> memref<88xi32, #tpu.memory_space<vmem>>
        %dma_wait3A_72 = arith.constant 0 : i32
        %dma_wait3A_73 = arith.constant 0 : i32
        %dma_wait3A_74 = tpu.memref_slice %arg11[%dma_wait3A_72, %dma_wait3A_73] : memref<10240x128xf32, #tpu.memory_space<vmem_shared>> -> memref<10240x128xf32, #tpu.memory_space<vmem_shared>>
        tpu.wait_indirect_dma semaphore(%run_scoped3A : memref<!tpu.dma_semaphore, #tpu.memory_space<semaphore_mem>>) src(%arg10 : memref<88x128xf32, #tpu.memory_space<vmem>>) dst(%dma_wait3A_74 : memref<10240x128xf32, #tpu.memory_space<vmem_shared>>)
        tpu.yield
      }) : () -> ()
      %scan3A_66 = arith.constant 0 : i32
      scf.yield %scan3A_66 : i32
    }
    %scan3A_14 = arith.constant 56 : i32
    %dma_start3A_15 = arith.constant 0 : i32
    %dma_start3A_16 = arith.constant 0 : i32
    %dma_start3A_17 = tpu.memref_slice %arg10[%dma_start3A_15, %dma_start3A_16] : memref<88x128xf32, #tpu.memory_space<vmem>> -> memref<56x128xf32, #tpu.memory_space<vmem>>
    %dma_start3A_18 = arith.constant 9944 : i32
    %dma_start3A_19 = tpu.memref_slice %arg7[%dma_start3A_18] : memref<10000xi32, #tpu.memory_space<vmem>> -> memref<56xi32, #tpu.memory_space<vmem>>
    %dma_start3A_20 = arith.constant 0 : i32
    %dma_start3A_21 = arith.constant 0 : i32
    %dma_start3A_22 = tpu.memref_slice %arg2[%dma_start3A_20, %dma_start3A_21] : memref<10000x128xf32, #tpu.memory_space<hbm>> -> memref<10000x128xf32, #tpu.memory_space<hbm>>
    tpu.enqueue_indirect_dma source(%dma_start3A_22 : memref<10000x128xf32, #tpu.memory_space<hbm>>) target(%dma_start3A_17 : memref<56x128xf32, #tpu.memory_space<vmem>>) offsets(%dma_start3A_19 : memref<56xi32, #tpu.memory_space<vmem>>) semaphore(%arg13 : memref<!tpu.dma_semaphore, #tpu.memory_space<semaphore_mem>>)
    %dma_wait3A = arith.constant 9856 : i32
    %dma_wait3A_23 = tpu.memref_slice %arg7[%dma_wait3A] : memref<10000xi32, #tpu.memory_space<vmem>> -> memref<88xi32, #tpu.memory_space<vmem>>
    %dma_wait3A_24 = arith.constant 0 : i32
    %dma_wait3A_25 = arith.constant 0 : i32
    %dma_wait3A_26 = tpu.memref_slice %arg2[%dma_wait3A_24, %dma_wait3A_25] : memref<10000x128xf32, #tpu.memory_space<hbm>> -> memref<10000x128xf32, #tpu.memory_space<hbm>>
    tpu.wait_indirect_dma semaphore(%arg12 : memref<!tpu.dma_semaphore, #tpu.memory_space<semaphore_mem>>) src(%dma_wait3A_26 : memref<10000x128xf32, #tpu.memory_space<hbm>>) dst(%arg9 : memref<88x128xf32, #tpu.memory_space<vmem>>)
    "tpu.region"() ({
      %run_scoped3A = tpu.sem_alloc : memref<!tpu.dma_semaphore, #tpu.memory_space<semaphore_mem>>
      %dma_start3A_40 = arith.constant 9856 : i32
      %dma_start3A_41 = tpu.memref_slice %arg8[%dma_start3A_40] : memref<10000xi32, #tpu.memory_space<vmem>> -> memref<88xi32, #tpu.memory_space<vmem>>
      %dma_start3A_42 = arith.constant 0 : i32
      %dma_start3A_43 = arith.constant 0 : i32
      %dma_start3A_44 = tpu.memref_slice %arg11[%dma_start3A_42, %dma_start3A_43] : memref<10240x128xf32, #tpu.memory_space<vmem_shared>> -> memref<10240x128xf32, #tpu.memory_space<vmem_shared>>
      tpu.enqueue_indirect_dma source(%arg9 : memref<88x128xf32, #tpu.memory_space<vmem>>) target(%dma_start3A_44 : memref<10240x128xf32, #tpu.memory_space<vmem_shared>>) offsets(%dma_start3A_41 : memref<88xi32, #tpu.memory_space<vmem>>) semaphore(%run_scoped3A : memref<!tpu.dma_semaphore, #tpu.memory_space<semaphore_mem>>) {add = true}
      %dma_wait3A_45 = arith.constant 9856 : i32
      %dma_wait3A_46 = tpu.memref_slice %arg8[%dma_wait3A_45] : memref<10000xi32, #tpu.memory_space<vmem>> -> memref<88xi32, #tpu.memory_space<vmem>>
      %dma_wait3A_47 = arith.constant 0 : i32
      %dma_wait3A_48 = arith.constant 0 : i32
      %dma_wait3A_49 = tpu.memref_slice %arg11[%dma_wait3A_47, %dma_wait3A_48] : memref<10240x128xf32, #tpu.memory_space<vmem_shared>> -> memref<10240x128xf32, #tpu.memory_space<vmem_shared>>
      tpu.wait_indirect_dma semaphore(%run_scoped3A : memref<!tpu.dma_semaphore, #tpu.memory_space<semaphore_mem>>) src(%arg9 : memref<88x128xf32, #tpu.memory_space<vmem>>) dst(%dma_wait3A_49 : memref<10240x128xf32, #tpu.memory_space<vmem_shared>>)
      tpu.yield
    }) : () -> ()
    %dma_wait3A_27 = arith.constant 0 : i32
    %dma_wait3A_28 = arith.constant 0 : i32
    %dma_wait3A_29 = tpu.memref_slice %arg10[%dma_wait3A_27, %dma_wait3A_28] : memref<88x128xf32, #tpu.memory_space<vmem>> -> memref<56x128xf32, #tpu.memory_space<vmem>>
    %dma_wait3A_30 = arith.constant 9944 : i32
    %dma_wait3A_31 = tpu.memref_slice %arg7[%dma_wait3A_30] : memref<10000xi32, #tpu.memory_space<vmem>> -> memref<56xi32, #tpu.memory_space<vmem>>
    %dma_wait3A_32 = arith.constant 0 : i32
    %dma_wait3A_33 = arith.constant 0 : i32
    %dma_wait3A_34 = tpu.memref_slice %arg2[%dma_wait3A_32, %dma_wait3A_33] : memref<10000x128xf32, #tpu.memory_space<hbm>> -> memref<10000x128xf32, #tpu.memory_space<hbm>>
    tpu.wait_indirect_dma semaphore(%arg13 : memref<!tpu.dma_semaphore, #tpu.memory_space<semaphore_mem>>) src(%dma_wait3A_34 : memref<10000x128xf32, #tpu.memory_space<hbm>>) dst(%dma_wait3A_29 : memref<56x128xf32, #tpu.memory_space<vmem>>)
    "tpu.region"() ({
      %run_scoped3A = tpu.sem_alloc : memref<!tpu.dma_semaphore, #tpu.memory_space<semaphore_mem>>
      %dma_start3A_40 = arith.constant 0 : i32
      %dma_start3A_41 = arith.constant 0 : i32
      %dma_start3A_42 = tpu.memref_slice %arg10[%dma_start3A_40, %dma_start3A_41] : memref<88x128xf32, #tpu.memory_space<vmem>> -> memref<56x128xf32, #tpu.memory_space<vmem>>
      %dma_start3A_43 = arith.constant 9944 : i32
      %dma_start3A_44 = tpu.memref_slice %arg8[%dma_start3A_43] : memref<10000xi32, #tpu.memory_space<vmem>> -> memref<56xi32, #tpu.memory_space<vmem>>
      %dma_start3A_45 = arith.constant 0 : i32
      %dma_start3A_46 = arith.constant 0 : i32
      %dma_start3A_47 = tpu.memref_slice %arg11[%dma_start3A_45, %dma_start3A_46] : memref<10240x128xf32, #tpu.memory_space<vmem_shared>> -> memref<10240x128xf32, #tpu.memory_space<vmem_shared>>
      tpu.enqueue_indirect_dma source(%dma_start3A_42 : memref<56x128xf32, #tpu.memory_space<vmem>>) target(%dma_start3A_47 : memref<10240x128xf32, #tpu.memory_space<vmem_shared>>) offsets(%dma_start3A_44 : memref<56xi32, #tpu.memory_space<vmem>>) semaphore(%run_scoped3A : memref<!tpu.dma_semaphore, #tpu.memory_space<semaphore_mem>>) {add = true}
      %dma_wait3A_48 = arith.constant 0 : i32
      %dma_wait3A_49 = arith.constant 0 : i32
      %dma_wait3A_50 = tpu.memref_slice %arg10[%dma_wait3A_48, %dma_wait3A_49] : memref<88x128xf32, #tpu.memory_space<vmem>> -> memref<56x128xf32, #tpu.memory_space<vmem>>
      %dma_wait3A_51 = arith.constant 9944 : i32
      %dma_wait3A_52 = tpu.memref_slice %arg8[%dma_wait3A_51] : memref<10000xi32, #tpu.memory_space<vmem>> -> memref<56xi32, #tpu.memory_space<vmem>>
      %dma_wait3A_53 = arith.constant 0 : i32
      %dma_wait3A_54 = arith.constant 0 : i32
      %dma_wait3A_55 = tpu.memref_slice %arg11[%dma_wait3A_53, %dma_wait3A_54] : memref<10240x128xf32, #tpu.memory_space<vmem_shared>> -> memref<10240x128xf32, #tpu.memory_space<vmem_shared>>
      tpu.wait_indirect_dma semaphore(%run_scoped3A : memref<!tpu.dma_semaphore, #tpu.memory_space<semaphore_mem>>) src(%dma_wait3A_50 : memref<56x128xf32, #tpu.memory_space<vmem>>) dst(%dma_wait3A_55 : memref<10240x128xf32, #tpu.memory_space<vmem_shared>>)
      tpu.yield
    }) : () -> ()
    %barrier3A_35 = arith.constant 0 : index
    tpu.barrier barrier_id(%barrier3A_35)
    %mul3A_36 = arith.constant 640 : i32
    %mul3A_37 = arith.muli %arg1, %mul3A_36 : i32
    %mul3A_38 = arith.constant 640 : i32
    %mul3A_39 = arith.muli %arg1, %mul3A_38 : i32
    "tpu.region"() ({
      %run_scoped3A = tpu.sem_alloc : memref<!tpu.dma_semaphore, #tpu.memory_space<semaphore_mem>>
      %dma_start3A_40 = arith.constant 0 : i32
      %dma_start3A_41 = tpu.memref_slice %arg6[%arg0, %mul3A_39, %dma_start3A_40] : memref<2x10240x128xf32, #tpu.memory_space<hbm>> -> memref<1x640x128xf32, #tpu.memory_space<hbm>>
      %dma_start3A_42 = tpu.memref_squeeze %dma_start3A_41 : memref<1x640x128xf32, #tpu.memory_space<hbm>> -> memref<640x128xf32, #tpu.memory_space<hbm>>
      %dma_start3A_43 = arith.constant 0 : i32
      %dma_start3A_44 = tpu.memref_slice %arg11[%mul3A_37, %dma_start3A_43] : memref<10240x128xf32, #tpu.memory_space<vmem_shared>> -> memref<640x128xf32, #tpu.memory_space<vmem_shared>>
      tpu.enqueue_dma source(%dma_start3A_44 : memref<640x128xf32, #tpu.memory_space<vmem_shared>>) target(%dma_start3A_42 : memref<640x128xf32, #tpu.memory_space<hbm>>) target_semaphore(%run_scoped3A : memref<!tpu.dma_semaphore, #tpu.memory_space<semaphore_mem>>)
      %dma_wait3A_45 = arith.constant 0 : i32
      %dma_wait3A_46 = tpu.memref_slice %arg6[%arg0, %mul3A_39, %dma_wait3A_45] : memref<2x10240x128xf32, #tpu.memory_space<hbm>> -> memref<1x640x128xf32, #tpu.memory_space<hbm>>
      %dma_wait3A_47 = tpu.memref_squeeze %dma_wait3A_46 : memref<1x640x128xf32, #tpu.memory_space<hbm>> -> memref<640x128xf32, #tpu.memory_space<hbm>>
      %dma_wait3A_48 = arith.constant 0 : i32
      %dma_wait3A_49 = tpu.memref_slice %arg11[%mul3A_37, %dma_wait3A_48] : memref<10240x128xf32, #tpu.memory_space<vmem_shared>> -> memref<640x128xf32, #tpu.memory_space<vmem_shared>>
      tpu.wait_dma2 semaphore(%run_scoped3A : memref<!tpu.dma_semaphore, #tpu.memory_space<semaphore_mem>>) src(%dma_wait3A_49 : memref<640x128xf32, #tpu.memory_space<vmem_shared>>) dst(%dma_wait3A_47 : memref<640x128xf32, #tpu.memory_space<hbm>>)
      tpu.yield
    }) : () -> ()
    return
  }
}

module attributes {stable_mosaic.version = 14 : i64} {
  func.func @_encoder_body(%arg0: i32, %arg1: memref<1024x128xf32, #tpu.memory_space<vmem>>, %arg2: memref<2x1024x128xf32, #tpu.memory_space<vmem>>, %arg3: memref<128x128xf32, #tpu.memory_space<vmem>>, %arg4: memref<128x128xf32, #tpu.memory_space<vmem>>, %arg5: memref<1x128xf32, #tpu.memory_space<vmem>>, %arg6: memref<128x16xf32, #tpu.memory_space<vmem>>, %arg7: memref<16x1xf32, #tpu.memory_space<vmem>>, %arg8: memref<16x1024xf32, #tpu.memory_space<vmem>>) attributes {dimension_semantics = [#tpu.dimension_semantics<arbitrary>], iteration_bounds = array<i64: 10>, scalar_prefetch = 0 : i64, scratch_operands = 0 : i64, tpu.core_type = #tpu.core_type<tc>, window_params = [{transform_indices = @transform_0, window_bounds = array<i64: 1024, 128>}, {transform_indices = @transform_1, window_bounds = array<i64: 2, 1024, 128>}, {pipeline_mode = #tpu.pipeline_mode<synchronous>, transform_indices = @transform_2, window_bounds = array<i64: 128, 128>}, {pipeline_mode = #tpu.pipeline_mode<synchronous>, transform_indices = @transform_3, window_bounds = array<i64: 128, 128>}, {pipeline_mode = #tpu.pipeline_mode<synchronous>, transform_indices = @transform_4, window_bounds = array<i64: 1, 128>}, {pipeline_mode = #tpu.pipeline_mode<synchronous>, transform_indices = @transform_5, window_bounds = array<i64: 128, 16>}, {pipeline_mode = #tpu.pipeline_mode<synchronous>, transform_indices = @transform_6, window_bounds = array<i64: 16, 1>}, {transform_indices = @transform_7, window_bounds = array<i64: 16, 1024>}]} {
    %get3A = arith.constant 0 : index
    %get3A_0 = arith.constant 0 : index
    %get3A_1 = arith.constant 0 : index
    %get3A_2 = vector.load %arg2[%get3A, %get3A_0, %get3A_1] : memref<2x1024x128xf32, #tpu.memory_space<vmem>>, vector<1x1024x128xf32>
    %get3A_3 = vector.shape_cast %get3A_2 : vector<1x1024x128xf32> to vector<1024x128xf32>
    %get3A_4 = arith.constant 1 : index
    %get3A_5 = arith.constant 0 : index
    %get3A_6 = arith.constant 0 : index
    %get3A_7 = vector.load %arg2[%get3A_4, %get3A_5, %get3A_6] : memref<2x1024x128xf32, #tpu.memory_space<vmem>>, vector<1x1024x128xf32>
    %get3A_8 = vector.shape_cast %get3A_7 : vector<1x1024x128xf32> to vector<1024x128xf32>
    %add3A = arith.addf %get3A_3, %get3A_8 : vector<1024x128xf32>
    %get3A_9 = arith.constant 0 : index
    %get3A_10 = arith.constant 0 : index
    %get3A_11 = vector.load %arg3[%get3A_9, %get3A_10] : memref<128x128xf32, #tpu.memory_space<vmem>>, vector<128x128xf32>
    %dot_general3A = arith.constant dense<0.000000e+00> : vector<1024x128xf32>
    %dot_general3A_12 = tpu.matmul %add3A, %get3A_11, %dot_general3A {dimension_numbers = #tpu.dot_dimension_numbers<[1], [0], [0], [1], [0, 0, 1, 1], [], []>, precision = #tpu.contract_precision<fp32>, transpose_lhs_hint = false} : vector<1024x128xf32>, vector<128x128xf32>, vector<1024x128xf32> -> vector<1024x128xf32>
    %get3A_13 = arith.constant 0 : index
    %get3A_14 = arith.constant 0 : index
    %get3A_15 = vector.load %arg1[%get3A_13, %get3A_14] : memref<1024x128xf32, #tpu.memory_space<vmem>>, vector<1024x128xf32>
    %get3A_16 = arith.constant 0 : index
    %get3A_17 = arith.constant 0 : index
    %get3A_18 = vector.load %arg4[%get3A_16, %get3A_17] : memref<128x128xf32, #tpu.memory_space<vmem>>, vector<128x128xf32>
    %dot_general3A_19 = arith.constant dense<0.000000e+00> : vector<1024x128xf32>
    %dot_general3A_20 = tpu.matmul %get3A_15, %get3A_18, %dot_general3A_19 {dimension_numbers = #tpu.dot_dimension_numbers<[1], [0], [0], [1], [0, 0, 1, 1], [], []>, precision = #tpu.contract_precision<fp32>, transpose_lhs_hint = false} : vector<1024x128xf32>, vector<128x128xf32>, vector<1024x128xf32> -> vector<1024x128xf32>
    %add3A_21 = arith.addf %dot_general3A_12, %dot_general3A_20 : vector<1024x128xf32>
    %get3A_22 = arith.constant 0 : index
    %get3A_23 = arith.constant 0 : index
    %get3A_24 = vector.load %arg5[%get3A_22, %get3A_23] : memref<1x128xf32, #tpu.memory_space<vmem>>, vector<1x128xf32>
    %add3A_25 = vector.broadcast %get3A_24 : vector<1x128xf32> to vector<1024x128xf32>
    %add3A_26 = arith.addf %add3A_21, %add3A_25 : vector<1024x128xf32>
    %max3A = arith.constant 0.000000e+00 : f32
    %max3A_27 = vector.broadcast %max3A : f32 to vector<1024x128xf32>
    %max3A_28 = arith.maximumf %add3A_26, %max3A_27 : vector<1024x128xf32>
    %get3A_29 = arith.constant 0 : index
    %get3A_30 = arith.constant 0 : index
    %get3A_31 = vector.load %arg6[%get3A_29, %get3A_30] : memref<128x16xf32, #tpu.memory_space<vmem>>, vector<128x16xf32>
    %dot_general3A_32 = arith.constant dense<0.000000e+00> : vector<16x1024xf32>
    %dot_general3A_33 = tpu.matmul %get3A_31, %max3A_28, %dot_general3A_32 {dimension_numbers = #tpu.dot_dimension_numbers<[0], [1], [1], [0], [0, 1, 1, 0], [], []>, precision = #tpu.contract_precision<fp32>, transpose_lhs_hint = false} : vector<128x16xf32>, vector<1024x128xf32>, vector<16x1024xf32> -> vector<16x1024xf32>
    %get3A_34 = arith.constant 0 : index
    %get3A_35 = arith.constant 0 : index
    %get3A_36 = vector.load %arg7[%get3A_34, %get3A_35] : memref<16x1xf32, #tpu.memory_space<vmem>>, vector<16x1xf32>
    %add3A_37 = vector.broadcast %get3A_36 : vector<16x1xf32> to vector<16x1024xf32>
    %add3A_38 = arith.addf %dot_general3A_33, %add3A_37 : vector<16x1024xf32>
    %swap3A = arith.constant 0 : index
    %swap3A_39 = arith.constant 0 : index
    %swap3A_40 = vector.load %arg8[%swap3A, %swap3A_39] : memref<16x1024xf32, #tpu.memory_space<vmem>>, vector<16x1024xf32>
    tpu.vector_store %arg8[%swap3A, %swap3A_39], %add3A_38 {strides = array<i32>} : memref<16x1024xf32, #tpu.memory_space<vmem>>, vector<16x1024xf32>,
    return
  }
  func.func @transform_0(%arg0: i32) -> (i32, i32) {
    %c0_i32 = arith.constant 0 : i32
    %c0_i32_0 = arith.constant 0 : i32
    return %arg0, %c0_i32 : i32, i32
  }
  func.func @transform_1(%arg0: i32) -> (i32, i32, i32) {
    %c0_i32 = arith.constant 0 : i32
    %c0_i32_0 = arith.constant 0 : i32
    %c0_i32_1 = arith.constant 0 : i32
    return %c0_i32, %arg0, %c0_i32_0 : i32, i32, i32
  }
  func.func @transform_2(%arg0: i32) -> (i32, i32) {
    %c0_i32 = arith.constant 0 : i32
    %c0_i32_0 = arith.constant 0 : i32
    %c0_i32_1 = arith.constant 0 : i32
    return %c0_i32, %c0_i32_0 : i32, i32
  }
  func.func @transform_3(%arg0: i32) -> (i32, i32) {
    %c0_i32 = arith.constant 0 : i32
    %c0_i32_0 = arith.constant 0 : i32
    %c0_i32_1 = arith.constant 0 : i32
    return %c0_i32, %c0_i32_0 : i32, i32
  }
  func.func @transform_4(%arg0: i32) -> (i32, i32) {
    %c0_i32 = arith.constant 0 : i32
    %c0_i32_0 = arith.constant 0 : i32
    %c0_i32_1 = arith.constant 0 : i32
    return %c0_i32, %c0_i32_0 : i32, i32
  }
  func.func @transform_5(%arg0: i32) -> (i32, i32) {
    %c0_i32 = arith.constant 0 : i32
    %c0_i32_0 = arith.constant 0 : i32
    %c0_i32_1 = arith.constant 0 : i32
    return %c0_i32, %c0_i32_0 : i32, i32
  }
  func.func @transform_6(%arg0: i32) -> (i32, i32) {
    %c0_i32 = arith.constant 0 : i32
    %c0_i32_0 = arith.constant 0 : i32
    %c0_i32_1 = arith.constant 0 : i32
    return %c0_i32, %c0_i32_0 : i32, i32
  }
  func.func @transform_7(%arg0: i32) -> (i32, i32) {
    %c0_i32 = arith.constant 0 : i32
    %c0_i32_0 = arith.constant 0 : i32
    return %c0_i32, %arg0 : i32, i32
  }
}

</mosaic_0001>

<sc_bundles>
// kernel: kernel.5.cloned.1.call-start
scs
__scs_entry_jumppad:
0x0: {  	(pc) =	sbr.rel $0x88, $3  }
0x1: {  	(tag) =	ssettag $0x0;
	lr =	simm.s32 $0x1  }
0x2: {  	[smem:$0x3F8E] =	sst lr;
	_ =	strace $0xD0000000  }
0x3: {  	_ = 	snop  }
0x4: {  	_ = 	snop  }
0x5: {  	_ = 	snop  }
0x6: {  	_ = 	snop  }
0x7: {  	_ = 	snop  }
__scs_overlays_trampoline_lowered:
0x8: {  	[smem:$0x3F9D] =	sst s0  }
0x9: {  	[smem:$0x3F9E] =	sst s1  }
0xa: {  	[smem:$0x3F9F] =	sst s2  }
0xb: {  	[smem:$0x3FA0] =	sst s3  }
0xc: {  	[smem:$0x3FA1] =	sst s4  }
0xd: {  	[smem:$0x3FA2] =	sst s5  }
0xe: {  	[smem:$0x3FA3] =	sst s6  }
0xf: {  	[smem:$0x3FA4] =	sst s7  }
0x10: {  	[smem:$0x3FA5] =	sst s8  }
0x11: {  	[smem:$0x3FA6] =	sst s9;
	s0 =	simm.s32 @!p0 $0x0  }
0x12: {  	s1 =	sld [smem:$0x3F8C];
	s0 =	simm.s32 @p0 $0x1  }
0x13: {  	[smem:$0x3FA7] =	sst s0;
	s0 =	simm.s32 @!p1 $0x0  }
0x14: {  	s2 =	sld [smem:$0x3F8B];
	s0 =	simm.s32 @p1 $0x1  }
0x15: {  	[smem:$0x3FA8] =	sst s0;
	s0 =	simm.s32 @!p2 $0x0  }
0x16: {  	s3 =	sld [smem:$0x3FDB];
	s0 =	simm.s32 @p2 $0x1  }
0x17: {  	s4 =	simm.s32 $0x1BF5;
	[smem:$0x3FAA] =	sst s0  }
0x18: {  	s0 =	sld [smem:$0x3F8D];
	_ =	swait.ge [sflag:s4], $0x0  }
0x19: {  	s7 =	sld [smem:$0x3F8E]  }
0x1a: {  	s8 =	sadd.s32 $0xFFFFE003, lr  }
0x1b: {  	s9 =	sadd.s32 $0xFFFFFEF7, lr;
	s5 =	simm.s32 $0xFFFFFFFF;
	p2 =	slt.u32 s8, $0xFFFFF086  }
0x1c: {  	p1 =	slt.u32 s9, $0xF7A;
	s5 =	simm.s32 @!p2 $0x0  }
0x1d: {  	s5 =	simm.s32 @p1 $0x1;
	p0 =	seq.s32 s7, s2  }
0x1e: {  	s7 =	smul.u32 @!p0 $0xF7A, s2;
	p2 =	seq.s32 @!p0 s5, $0x0  }
0x1f: {  	s9 =	smul.u32 $0xF7A, s1;
	s8 =	simm.s32 @!p0 $0x1BF5;
	p2 =	por !p2, p0  }
0x20: {  	[sflag:s8] =	ssyncset.s32 @!p0 $0xFFFFF086;
	s6 =	sadd.s32 @!p0 s3, s7;
	s7 =	simm.s32 @!p0 $0x108  }
0x21: {  	s3 =	sadd.s32 s3, s9;
	s6 =	sadd.s32 @!p0 $0x88, s6;
	s7 =	simm.s32 @p2 $0x1082  }
0x22: {  	[simem:s7], [sflag:s8] =	dma.local @!p0 [hbm:s6], $0xF7A  }
0x23: {  	s9 =	sor.u32 $0xD0000000, s2;
	s6 =	simm.s32 $0x108;
	_ =	swait.ge @!p0 [sflag:s8], $0x0  }
0x24: {  	s3 =	sadd.s32 $0x88, s3;
	s6 =	simm.s32 @!p1 $0x1082;
	[sflag:s4] =	ssyncset.s32 $0xFFFFF086  }
0x25: {  	[simem:s6], [sflag:s4] =	dma.local [hbm:s3], $0xF7A  }
0x26: {  	[smem:$0x3F8E] =	sst s1;
	(tag) =	ssettag s2;
	_ =	strace s9  }
0x27: {  	s1 =	sld [smem:$0x3F9E]  }
0x28: {  	s2 =	sld [smem:$0x3F9F]  }
0x29: {  	s4 =	sld [smem:$0x3FA1]  }
0x2a: {  	p0 =	seq.s32 s5, $0x0;
	s5 =	sld [smem:$0x3FA2]  }
0x2b: {  	s6 =	sld [smem:$0x3FA3]  }
0x2c: {  	s7 =	sld [smem:$0x3FA4]  }
0x2d: {  	s3 =	simm.s32 $0x108;
	s8 =	sld [smem:$0x3FA5]  }
0x2e: {  	s3 =	simm.s32 @!p0 $0x1082;
	s9 =	sld [smem:$0x3FA6]  }
0x2f: {  	lr =	sadd.s32 s0, s3;
	s0 =	sld [smem:$0x3F9D]  }
0x30: {  	s3 =	sld [smem:$0x3FA0]  }
0x31: {  	[smem:$0x3FA9] =	sst s10  }
0x32: {  	s10 =	sld [smem:$0x3FA7];
	_ =	sdelay $0x3  }
0x33: {  	p0 =	seq.s32 s10, $0x1;
	s10 =	sld [smem:$0x3FA9];
	_ =	sdelay $0x3  }
0x34: {  	[smem:$0x3FA9] =	sst s10  }
0x35: {  	s10 =	sld [smem:$0x3FA8];
	_ =	sdelay $0x3  }
0x36: {  	p1 =	seq.s32 s10, $0x1;
	s10 =	sld [smem:$0x3FA9];
	_ =	sdelay $0x3  }
0x37: {  	[smem:$0x3FA9] =	sst s10  }
0x38: {  	s10 =	sld [smem:$0x3FAA]  }
0x39: {  	_ = 	snop;
	(pc) =	sbr.ind lr, $3  }
0x3a: {  	_ = 	snop  }
0x3b: {  	_ = 	snop  }
0x3c: {  	p2 =	seq.s32 s10, $0x1;
	s10 =	sld [smem:$0x3FA9]  }
0x3d: {  	_ =	shalt  }
0x3e: {  	_ =	shalt  }
0x3f: {  	_ =	shalt  }
0x40: {  	_ =	shalt  }
0x41: {  	_ =	shalt  }
0x42: {  	_ =	shalt  }
0x43: {  	_ =	shalt  }
0x44: {  	_ =	shalt  }
0x45: {  	_ =	shalt  }
0x46: {  	_ =	shalt  }
0x47: {  	_ =	shalt  }
0x48: {  	_ =	shalt  }
0x49: {  	_ =	shalt  }
0x4a: {  	_ =	shalt  }
0x4b: {  	_ =	shalt  }
0x4c: {  	_ =	shalt  }
0x4d: {  	_ =	shalt  }
0x4e: {  	_ =	shalt  }
0x4f: {  	_ =	shalt  }
0x50: {  	_ =	shalt  }
0x51: {  	_ =	shalt  }
0x52: {  	_ =	shalt  }
0x53: {  	_ =	shalt  }
0x54: {  	_ =	shalt  }
0x55: {  	_ =	shalt  }
0x56: {  	_ =	shalt  }
0x57: {  	_ =	shalt  }
0x58: {  	_ =	shalt  }
0x59: {  	_ =	shalt  }
0x5a: {  	_ =	shalt  }
0x5b: {  	_ =	shalt  }
0x5c: {  	_ =	shalt  }
0x5d: {  	_ =	shalt  }
0x5e: {  	_ =	shalt  }
0x5f: {  	_ =	shalt  }
0x60: {  	_ =	shalt  }
0x61: {  	_ =	shalt  }
0x62: {  	_ =	shalt  }
0x63: {  	_ =	shalt  }
0x64: {  	_ =	shalt  }
0x65: {  	_ =	shalt  }
0x66: {  	_ =	shalt  }
0x67: {  	_ =	shalt  }
0x68: {  	_ =	shalt  }
0x69: {  	_ =	shalt  }
0x6a: {  	_ =	shalt  }
0x6b: {  	_ =	shalt  }
0x6c: {  	_ =	shalt  }
0x6d: {  	_ =	shalt  }
0x6e: {  	_ =	shalt  }
0x6f: {  	_ =	shalt  }
0x70: {  	_ =	shalt  }
0x71: {  	_ =	shalt  }
0x72: {  	_ =	shalt  }
0x73: {  	_ =	shalt  }
0x74: {  	_ =	shalt  }
0x75: {  	_ =	shalt  }
0x76: {  	_ =	shalt  }
0x77: {  	_ =	shalt  }
0x78: {  	_ =	shalt  }
0x79: {  	_ =	shalt  }
0x7a: {  	_ =	shalt  }
0x7b: {  	_ =	shalt  }
0x7c: {  	_ =	shalt  }
0x7d: {  	_ =	shalt  }
0x7e: {  	_ =	shalt  }
0x7f: {  	_ =	shalt  }
0x80: {  	_ =	shalt  }
0x81: {  	_ =	shalt  }
0x82: {  	_ =	shalt  }
0x83: {  	_ =	shalt  }
0x84: {  	_ =	shalt  }
0x85: {  	_ =	shalt  }
0x86: {  	_ =	shalt  }
0x87: {  	_ =	shalt  }
.Lfunc_end0:
.L_simem_size_0:
called_computation_lowered:
.L_overlay_start_0:
0x88: {  	s2 =	sld [smem:$0x3FD9]  }
0x89: {  	s3 =	sld [smem:$0x3FFE];
	_ =	sdelay $0x1  }
0x8a: {  	s1 =	srdreg.scid  }
0x8b: {  	s0 =	sand.u32 $0x1, s1  }
0x8c: {  	s14 =	sshll.u32 s0, $0xA;
	s2 =	sadd.s32 s3, s2  }
0x8d: {  	s2 =	sadd.s32 s2, s14  }
0x8e: {  	[smem:$0x3FB5] =	sst s2  }
0x8f: {  	_ = 	snop  }
0x90: {  	s2 =	sld [smem:$0x3FD0];
	_ =	sdelay $0x2  }
0x91: {  	s4 =	simm.s32 $0xA;
	s5 =	simm.s32 $0x10;
	s15 =	sld [smem:$0x3FC9]  }
0x92: {  	[smem:s5], [sflag:s4] =	dma.local [hbm:s2], $0x1  }
0x93: {  	_ =	swait.eq [sflag:s4], $0x1  }
0x94: {  	[sflag:s4] =	ssyncset.done $0x0  }
0x95: {  	[sflag:s4] =	ssyncadd.s32 $0xFFFFFFFF  }
0x96: {  	s16 =	sld [smem:$0x14];
	(tm) =	ssettm $0x1  }
0x97: {  	s17 =	sld [smem:$0x3FFB];
	_ =	sdelay $0x3  }
0x98: {  	_ =	strace s17  }
0x99: {  	s4 =	sld [smem:$0x3FFC];
	_ =	sdelay $0x3  }
0x9a: {  	_ =	strace s4  }
0x9b: {  	s4 =	sld [smem:$0x3FFD];
	_ =	sdelay $0x3  }
0x9c: {  	_ =	strace s4  }
0x9d: {  	_ =	strace $0x8FFFFFFF  }
0x9e: {  	s18 =	sld [smem:$0x3FDB];
	_ =	sdelay $0x1  }
0x9f: {  	s19 =	simm.s32 $_scs_section_size  }
0xa0: {  	s6 =	simm.s32 $_size__tile_overlayer_lowered;
	s7 =	simm.s32 $_tile_overlayer_lowered  }
0xa1: {  	s22 =	simm.s32 $0x1BFF;
	s21 =	sshll.u32 s7, $0x1;
	s4 =	sadd.s32 s19, s18  }
0xa2: {  	s8 =	simm.s32 $0x0;
	s20 =	sshll.u32 s6, $0x1;
	s6 =	sadd.s32 s21, s4  }
0xa3: {  	[timem:s8], [sflag:s22] =	dma.local [hbm:s6], s20  }
0xa4: {  	_ =	swait.ge [sflag:s22], s20  }
0xa5: {  	s5 =	ssub.s32 $0x0, s20;
	[sflag:s22] =	ssyncset.done $0x0  }
0xa6: {  	[sflag:s22] =	ssyncadd.s32 s5;
	_ =	sdelay $0x1  }
0xa7: {  	s23 =	simm.s32 $0x1B8B  }
0xa8: {  	_ =	swait.ge [sflag:s23], $0x1  }
0xa9: {  	[sflag:s23] =	ssyncset.done $0x0  }
0xaa: {  	s25 =	simm.s32 $0x1B8E;
	s24 =	sld [smem:$0x3FFE];
	[sflag:s23] =	ssyncadd.s32 $0xFFFFFFFF  }
0xab: {  	s26 =	simm.s32 $execute0_lowered;
	[smem:$0x3FD2] =	sst s25  }
0xac: {  	s6 =	sshll.u32 s26, $0x1;
	_ =	strace $0x80000046;
	[dreg:$0x1] =	wrdreg $0xFFFFFFFF  }
0xad: {  	s28 =	simm.s32 $_size_execute0_lowered;
	s4 =	sadd.s32 s4, s6;
	[dreg:$0x0] =	wrdreg $0x0  }
0xae: {  	s6 =	sshll.u32 s28, $0x1;
	[dreg:$0x2] =	wrdreg s4  }
0xaf: {  	[dreg:$0x3] =	wrdreg s6  }
0xb0: {  	[dreg:$0x4] =	wrdreg $0xC0  }
0xb1: {  	_ =	task [dreg:s8], $0x5FFFF  }
0xb2: {  	[dreg:$0x1] =	wrdreg $0xFFFFFFFF  }
0xb3: {  	[dreg:$0x0] =	wrdreg $0x60  }
0xb4: {  	[dreg:$0x2] =	wrdreg s15  }
0xb5: {  	[dreg:$0x3] =	wrdreg s24  }
0xb6: {  	[dreg:$0x4] =	wrdreg s16  }
0xb7: {  	[dreg:$0x5] =	wrdreg $0xA7000  }
0xb8: {  	[dreg:$0x6] =	wrdreg $0x9  }
0xb9: {  	_ =	task.clear_ibuf [dreg:s8], $0x7FFFF;
	_ =	strace $0x90000046  }
0xba: {  	s29 =	simm.s32 $0x9;
	_ =	strace $0x80000048  }
0xbb: {  	_ =	swait.ge [sflag:s29], $0x1  }
0xbc: {  	[sflag:s29] =	ssyncadd.s32 $0xFFFFFFFF  }
0xbd: {  	_ =	strace $0x90000048  }
0xbe: {  	_ =	sfence  }
0xbf: {  	s30 =	sld [smem:$0x0];
	_ =	sdelay $0x2  }
0xc0: {  	s31 =	sshll.u32 s1, $0xD;
	s1 =	sshrl.u32 s1, $0x2  }
0xc1: {  	s3 =	sand.u32 $0x4000, s31;
	s1 =	sadd.s32 s1, s30  }
0xc2: {  	s0 =	sor.u32 s3, s0;
	s1 =	sshll.u32 s1, $0x11  }
0xc3: {  	s0 =	sor.u32 s1, s0  }
0xc4: {  	s0 =	sadd.s32 $0x8F2B, s0  }
0xc5: {  	[sflag:s0] =	ssyncadd.remote.s32 $0x1  }
0xc6: {  	_ =	sfence.sel $0xFFFF  }
0xc7: {  	[dreg:$0x0] =	wrdreg $0xFFFFFFFF;
	(pc) =	sbr.abs _section_cstart, $3  }
0xc8: {  	[dreg:$0x1] =	wrdreg $0xFFFFFFFF  }
0xc9: {  	_ =	task.clear_ibuf [dreg:s8], $0x2FFFF;
	_ =	strace $0x9FFFFFFF  }
0xca: {  	(tm) =	ssettm $0x7FFFFFFF  }
0xcb: {  	_ =	shalt  }
tec
execute0_lowered:
.L_overlay_start_1:
0x0: {  	(tag) =	ssettag $0x1  }
0x1: {  	s0 =	rddreg [dreg:$0x0]  }
0x2: {  	s6 =	rddreg [dreg:$0x1]  }
0x3: {  	s3 =	rddreg [dreg:$0x2]  }
0x4: {  	s4 =	rddreg [dreg:$0x3]  }
0x5: {  	s1 =	srdreg.scid;
	s2 =	rddreg [dreg:$0x4];
	s5 =	simm.s32 $0x0  }
0x6: {  	s13 =	simm.s32 $0x2780;
	s14 =	simm.s32 $0x58;
	s15 =	simm.s32 $0x4F00  }
0x7: {  	s16 =	simm.s32 $0x7B00;
	s17 =	simm.s32 $0x1;
	s7 =	sand.u32 $0x1, s1  }
0x8: {  	s18 =	simm.s32 $0x2;
	s1 =	stileid.u32;
	s8 =	smul.u32 $0x27100, s7  }
0x9: {  	s19 =	simm.s32 $0x38;
	s20 =	simm.s32 $0x26D8;
	s9 =	smul.u32 $0x2710, s1  }
0xa: {  	s21 =	simm.s32 $0x4E00;
	s22 =	simm.s32 $0x4E58;
	s10 =	smul.u32 $0x140000, s7  }
0xb: {  	s23 =	simm.s32 $0x0;
	[smem:$0x7FF] =	sst s5;
	s11 =	smul.u32 $0x14000, s1  }
0xc: {  	_ =	strace $0x80000047;
	s28 =	smul.u32 $0x50000, s1;
	s7 =	ssub.s32 $0x2, s7  }
0xd: {  	s31 =	sshll.u32 s1, $0x6;
	s29 =	sshrl.u32 s7, $0x1;
	s8 =	sadd.s32 s9, s8  }
0xe: {  	s26 =	sadd.s32 s11, s10;
	s10 =	sshrl.u32 s28, $0x2;
	s30 =	ssub.s32 s7, s29  }
0xf: {  	s8 =	sshrl.u32 s8, $0x3;
	s9 =	sshrl.u32 s26, $0x3;
	s12 =	sadd.s32 s10, s4  }
0x10: {  	s10 =	smax.u32 s30, $0x1;
	s8 =	sadd.s32 s8, s6;
	s9 =	sadd.s32 s9, s6  }
0x11: {  	s6 =	sor.u32 $0x1C03, s31;
	s11 =	sshrl.u32 s12, $0x3;
	s12 =	simm.s32 $0x3  }
0x12: {  	s7 =	sadd.s32 $0xDA00, s8;
	s8 =	sadd.s32 $0x3C00, s8;
	s9 =	sadd.s32 $0x17800, s9  }
.LBB2_1:
0x13: {  	[spmem:s11], [sflag:s6] =	dma.local [hbm:s3], $0x2800  }
0x14: {  	_ =	swait.ge [sflag:s12], $0x2800  }
0x15: {  	[sflag:s12] =	ssyncset.done $0x0  }
0x16: {  	[sflag:s12] =	ssyncadd.s32 $0xFFFFD800  }
0x17: {  	[tilespmem:s5], [sflag:$0x3] =	stream.linear.gather [hbm4b:s7+s5], $0x2710, $0x38;
	[tilespmem:$0x1E700] =	vst v63  }
0x18: {  	_ =	swait.ge [sflag:s12], $0x2710  }
0x19: {  	[sflag:s12] =	ssyncset.done $0x0  }
0x1a: {  	[sflag:s12] =	ssyncadd.s32 $0xFFFFD8F0  }
0x1b: {  	[tilespmem:s13], [sflag:$0x3] =	stream.linear.gather [hbm4b:s8+s5], $0x2710, $0x38;
	[tilespmem:$0x1E700] =	vst v63  }
0x1c: {  	_ =	swait.ge [sflag:s12], $0x2710  }
0x1d: {  	[sflag:s12] =	ssyncset.done $0x0  }
0x1e: {  	[sflag:s12] =	ssyncadd.s32 $0xFFFFD8F0  }
0x1f: {  	[bflag:$0x0] =	sbarrier.arrive $0xFFFF  }
0x20: {  	[tilespmem:s15], [sflag:$0x1] =	stream.indirect.gather [hbm4b:s0+s14], $0x80, s5, s14, $0xb8;
	[tilespmem:$0x1E700] =	vst v63  }
0x21: {  	s24 =	simm.s32 $0x58  }
0x22: {  	[tilespmem:s16], [sflag:$0x2] =	stream.indirect.gather [hbm4b:s0+s14], $0x80, s24, s14, $0xb8;
	[tilespmem:$0x1E700] =	vst v63  }
0x23: {  	_ =	swait.ge [sflag:s17], $0x2C00  }
0x24: {  	[sflag:s17] =	ssyncset.done $0x0  }
0x25: {  	s29 =	simm.s32 $0x2780;
	[sflag:s17] =	ssyncadd.s32 $0xFFFFD400  }
0x26: {  	[spmem:s4] =	stream.indirect.scatter.add.f32 [tilespmem:s15], [sflag:$0x3], $0x80, s29, s14, $0xb8;
	[tilespmem:$0x1E700] =	vst v63  }
0x27: {  	_ =	swait.ge [sflag:s12], $0x2C00  }
0x28: {  	[sflag:s12] =	ssyncset.done $0x0  }
0x29: {  	s30 =	simm.s32 $0xB0;
	[sflag:s12] =	ssyncadd.s32 $0xFFFFD400  }
0x2a: {  	[tilespmem:s15], [sflag:$0x1] =	stream.indirect.gather [hbm4b:s0+s14], $0x80, s30, s14, $0xb8;
	[tilespmem:$0x1E700] =	vst v63  }
0x2b: {  	_ =	swait.ge [sflag:s18], $0x2C00  }
0x2c: {  	[sflag:s18] =	ssyncset.done $0x0  }
0x2d: {  	s31 =	simm.s32 $0x27D8;
	[sflag:s18] =	ssyncadd.s32 $0xFFFFD400  }
0x2e: {  	[spmem:s4] =	stream.indirect.scatter.add.f32 [tilespmem:s16], [sflag:$0x3], $0x80, s31, s14, $0xb8;
	[tilespmem:$0x1E700] =	vst v63  }
0x2f: {  	_ =	swait.ge [sflag:s12], $0x2C00  }
0x30: {  	s25 =	simm.s32 $0x580;
	s24 =	simm.s32 $0xB0;
	[sflag:s12] =	ssyncset.done $0x0  }
.LBB2_2:
0x31: {  	s26 =	sadd.s32 $0x58, s24  }
0x32: {  	[sflag:s12] =	ssyncadd.s32 $0xFFFFD400;
	s28 =	smov.u32 s25;
	s29 =	sadd.s32 $0x2C0, s25  }
0x33: {  	[tilespmem:s16], [sflag:$0x2] =	stream.indirect.gather [hbm4b:s0+s14], $0x80, s26, s14, $0xb8;
	[tilespmem:$0x1E700] =	vst v63  }
0x34: {  	p0 =	sne.s32 s25, $0x9740;
	_ =	swait.ge [sflag:s17], $0x2C00  }
0x35: {  	[sflag:s17] =	ssyncset.done $0x0  }
0x36: {  	s25 =	sadd.s32 $0x2780, s24;
	[sflag:s17] =	ssyncadd.s32 $0xFFFFD400  }
0x37: {  	[spmem:s4] =	stream.indirect.scatter.add.f32 [tilespmem:s15], [sflag:$0x3], $0x80, s25, s14, $0xb8;
	[tilespmem:$0x1E700] =	vst v63  }
0x38: {  	_ =	swait.ge [sflag:s12], $0x2C00  }
0x39: {  	[sflag:s12] =	ssyncset.done $0x0  }
0x3a: {  	s25 =	sadd.s32 $0xB0, s24;
	[sflag:s12] =	ssyncadd.s32 $0xFFFFD400  }
0x3b: {  	[tilespmem:s15], [sflag:$0x1] =	stream.indirect.gather [hbm4b:s0+s14], $0x80, s25, s14, $0xb8;
	[tilespmem:$0x1E700] =	vst v63  }
0x3c: {  	_ =	swait.ge [sflag:s18], $0x2C00  }
.Ltmp0:
0x3d: {  	[sflag:s18] =	ssyncset.done $0x0;
	(pc) =	sbr.rel @p0 .LBB2_2-.Ltmp0, $4  }
0x3e: {  	s24 =	sadd.s32 $0x27D8, s24;
	[sflag:s18] =	ssyncadd.s32 $0xFFFFD400  }
0x3f: {  	[spmem:s4] =	stream.indirect.scatter.add.f32 [tilespmem:s16], [sflag:$0x3], $0x80, s24, s14, $0xb8;
	[tilespmem:$0x1E700] =	vst v63  }
0x40: {  	_ =	swait.ge [sflag:s12], $0x2C00  }
0x41: {  	s25 =	smov.u32 s29;
	s24 =	sshra.s32 s28, $0x2;
	[sflag:s12] =	ssyncset.done $0x0  }
0x42: {  	s25 =	sadd.s32 $0x58, s24;
	[sflag:s12] =	ssyncadd.s32 $0xFFFFD400  }
0x43: {  	[tilespmem:s16], [sflag:$0x2] =	stream.indirect.gather [hbm4b:s0+s14], $0x80, s25, s14, $0xb8;
	[tilespmem:$0x1E700] =	vst v63  }
0x44: {  	_ =	swait.ge [sflag:s17], $0x2C00  }
0x45: {  	[sflag:s17] =	ssyncset.done $0x0  }
0x46: {  	s29 =	sadd.s32 $0x2780, s24;
	[sflag:s17] =	ssyncadd.s32 $0xFFFFD400  }
0x47: {  	[spmem:s4] =	stream.indirect.scatter.add.f32 [tilespmem:s15], [sflag:$0x3], $0x80, s29, s14, $0xb8;
	[tilespmem:$0x1E700] =	vst v63  }
0x48: {  	_ =	swait.ge [sflag:s12], $0x2C00  }
0x49: {  	[sflag:s12] =	ssyncset.done $0x0  }
0x4a: {  	s30 =	sadd.s32 $0xB0, s24;
	[sflag:s12] =	ssyncadd.s32 $0xFFFFD400  }
0x4b: {  	[tilespmem:s15], [sflag:$0x1] =	stream.indirect.gather [hbm4b:s0+s14], $0x80, s30, s14, $0xb8;
	[tilespmem:$0x1E700] =	vst v63  }
0x4c: {  	_ =	swait.ge [sflag:s18], $0x2C00  }
0x4d: {  	[sflag:s18] =	ssyncset.done $0x0  }
0x4e: {  	s31 =	sadd.s32 $0x27D8, s24;
	[sflag:s18] =	ssyncadd.s32 $0xFFFFD400  }
0x4f: {  	[spmem:s4] =	stream.indirect.scatter.add.f32 [tilespmem:s16], [sflag:$0x3], $0x80, s31, s14, $0xb8;
	[tilespmem:$0x1E700] =	vst v63  }
0x50: {  	_ =	swait.ge [sflag:s12], $0x2C00  }
0x51: {  	[sflag:s12] =	ssyncset.done $0x0  }
0x52: {  	[sflag:s12] =	ssyncadd.s32 $0xFFFFD400  }
0x53: {  	[tilespmem:s16], [sflag:$0x2] =	stream.indirect.gather [hbm4b:s0+s19], $0x80, s20, s19, $0xb8;
	[tilespmem:$0x1E700] =	vst v63  }
0x54: {  	_ =	swait.ge [sflag:s17], $0x2C00  }
0x55: {  	[sflag:s17] =	ssyncset.done $0x0  }
0x56: {  	[sflag:s17] =	ssyncadd.s32 $0xFFFFD400  }
0x57: {  	[spmem:s4] =	stream.indirect.scatter.add.f32 [tilespmem:s15], [sflag:$0x3], $0x80, s21, s14, $0xb8;
	[tilespmem:$0x1E700] =	vst v63  }
0x58: {  	_ =	swait.ge [sflag:s12], $0x2C00  }
0x59: {  	[sflag:s12] =	ssyncset.done $0x0  }
0x5a: {  	[sflag:s12] =	ssyncadd.s32 $0xFFFFD400  }
0x5b: {  	_ =	swait.ge [sflag:s18], $0x1C00  }
0x5c: {  	[sflag:s18] =	ssyncset.done $0x0  }
0x5d: {  	[sflag:s18] =	ssyncadd.s32 $0xFFFFE400  }
0x5e: {  	[spmem:s4] =	stream.indirect.scatter.add.f32 [tilespmem:s16], [sflag:$0x3], $0x80, s22, s19, $0xb8;
	[tilespmem:$0x1E700] =	vst v63  }
0x5f: {  	_ =	swait.ge [sflag:s12], $0x1C00  }
0x60: {  	s23 =	sadd.s32 $0x1, s23;
	[sflag:s12] =	ssyncset.done $0x0  }
0x61: {  	p0 =	sne.s32 s23, s10;
	[sflag:s12] =	ssyncadd.s32 $0xFFFFE400  }
.Ltmp1:
0x62: {  	[bflag:$0x0] =	sbarrier.arrive $0xFFFF;
	(pc) =	sbr.rel @p0 .LBB2_1-.Ltmp1, $4  }
0x63: {  	[hbm:s9], [sflag:s6] =	dma.local [spmem:s11], $0x2800  }
0x64: {  	_ =	swait.ge [sflag:s12], $0x2800  }
0x65: {  	[sflag:s12] =	ssyncset.done $0x0  }
0x66: {  	[sflag:s12] =	ssyncadd.s32 $0xFFFFD800  }
0x67: {  	_ =	sfence.sel $0x180000  }
0x68: {  	[bflag:$0x0] =	sbarrier.arrive $0xFFFF  }
0x69: {  	p0 =	sne.s32 s1, $0x0;
	_ =	strace $0x90000047  }
0x6a: {  	s0 =	sadd.s32 @!p0 $0x100000, s2;
	[bflag:$0x2] =	sbarrier.arrive $0xFFFF  }
0x6b: {  	[sflag:s0] =	ssyncadd.tile.s32 @!p0 $0x1;
	_ =	shalt  }
.Lfunc_end2:
_tile_overlayer_lowered:
.L_overlay_start_2:
0x6c: {  	(tag) =	ssettag $0x2  }
0x6d: {  	s0 =	rddreg [dreg:$0x0];
	s2 =	stileid.u32  }
0x6e: {  	s1 =	rddreg [dreg:$0x1];
	p0 =	sne.s32 s2, $0x0  }
0x6f: {  	s3 =	rddreg [dreg:$0x2];
	[bflag:$0x3] =	sbarrier.arrive $0xFFFF;
	s2 =	simm.s32 @!p0 $0x1C03  }
0x70: {  	[timem:s3], [sflag:s2] =	dma.local @!p0 [hbm:s0], s1  }
0x71: {  	s0 =	simm.s32 @!p0 $0x3  }
0x72: {  	_ =	swait.ge @!p0 [sflag:s0], s1  }
0x73: {  	s1 =	ssub.s32 @!p0 $0x0, s1;
	[sflag:s0] =	ssyncset.done @!p0 $0x0  }
0x74: {  	[sflag:s0] =	ssyncadd.s32 @!p0 s1  }
0x75: {  	[bflag:$0x3] =	sbarrier.arrive $0xFFFF  }
0x76: {  	_ =	shalt  }

// kernel: kernel.8.cloned.1.call-start
scs
__scs_entry_jumppad:
0x0: {  	(pc) =	sbr.rel $0x88, $3  }
0x1: {  	(tag) =	ssettag $0x0;
	lr =	simm.s32 $0x1  }
0x2: {  	[smem:$0x3F8E] =	sst lr;
	_ =	strace $0xD0000000  }
0x3: {  	_ = 	snop  }
0x4: {  	_ = 	snop  }
0x5: {  	_ = 	snop  }
0x6: {  	_ = 	snop  }
0x7: {  	_ = 	snop  }
__scs_overlays_trampoline_lowered:
0x8: {  	[smem:$0x3F9D] =	sst s0  }
0x9: {  	[smem:$0x3F9E] =	sst s1  }
0xa: {  	[smem:$0x3F9F] =	sst s2  }
0xb: {  	[smem:$0x3FA0] =	sst s3  }
0xc: {  	[smem:$0x3FA1] =	sst s4  }
0xd: {  	[smem:$0x3FA2] =	sst s5  }
0xe: {  	[smem:$0x3FA3] =	sst s6  }
0xf: {  	[smem:$0x3FA4] =	sst s7  }
0x10: {  	[smem:$0x3FA5] =	sst s8  }
0x11: {  	[smem:$0x3FA6] =	sst s9;
	s0 =	simm.s32 @!p0 $0x0  }
0x12: {  	s1 =	sld [smem:$0x3F8C];
	s0 =	simm.s32 @p0 $0x1  }
0x13: {  	[smem:$0x3FA7] =	sst s0;
	s0 =	simm.s32 @!p1 $0x0  }
0x14: {  	s2 =	sld [smem:$0x3F8B];
	s0 =	simm.s32 @p1 $0x1  }
0x15: {  	[smem:$0x3FA8] =	sst s0;
	s0 =	simm.s32 @!p2 $0x0  }
0x16: {  	s3 =	sld [smem:$0x3FDB];
	s0 =	simm.s32 @p2 $0x1  }
0x17: {  	s4 =	simm.s32 $0x1BF5;
	[smem:$0x3FAA] =	sst s0  }
0x18: {  	s0 =	sld [smem:$0x3F8D];
	_ =	swait.ge [sflag:s4], $0x0  }
0x19: {  	s7 =	sld [smem:$0x3F8E]  }
0x1a: {  	s8 =	sadd.s32 $0xFFFFE003, lr  }
0x1b: {  	s9 =	sadd.s32 $0xFFFFFEF7, lr;
	s5 =	simm.s32 $0xFFFFFFFF;
	p2 =	slt.u32 s8, $0xFFFFF086  }
0x1c: {  	p1 =	slt.u32 s9, $0xF7A;
	s5 =	simm.s32 @!p2 $0x0  }
0x1d: {  	s5 =	simm.s32 @p1 $0x1;
	p0 =	seq.s32 s7, s2  }
0x1e: {  	s7 =	smul.u32 @!p0 $0xF7A, s2;
	p2 =	seq.s32 @!p0 s5, $0x0  }
0x1f: {  	s9 =	smul.u32 $0xF7A, s1;
	s8 =	simm.s32 @!p0 $0x1BF5;
	p2 =	por !p2, p0  }
0x20: {  	[sflag:s8] =	ssyncset.s32 @!p0 $0xFFFFF086;
	s6 =	sadd.s32 @!p0 s3, s7;
	s7 =	simm.s32 @!p0 $0x108  }
0x21: {  	s3 =	sadd.s32 s3, s9;
	s6 =	sadd.s32 @!p0 $0x88, s6;
	s7 =	simm.s32 @p2 $0x1082  }
0x22: {  	[simem:s7], [sflag:s8] =	dma.local @!p0 [hbm:s6], $0xF7A  }
0x23: {  	s9 =	sor.u32 $0xD0000000, s2;
	s6 =	simm.s32 $0x108;
	_ =	swait.ge @!p0 [sflag:s8], $0x0  }
0x24: {  	s3 =	sadd.s32 $0x88, s3;
	s6 =	simm.s32 @!p1 $0x1082;
	[sflag:s4] =	ssyncset.s32 $0xFFFFF086  }
0x25: {  	[simem:s6], [sflag:s4] =	dma.local [hbm:s3], $0xF7A  }
0x26: {  	[smem:$0x3F8E] =	sst s1;
	(tag) =	ssettag s2;
	_ =	strace s9  }
0x27: {  	s1 =	sld [smem:$0x3F9E]  }
0x28: {  	s2 =	sld [smem:$0x3F9F]  }
0x29: {  	s4 =	sld [smem:$0x3FA1]  }
0x2a: {  	p0 =	seq.s32 s5, $0x0;
	s5 =	sld [smem:$0x3FA2]  }
0x2b: {  	s6 =	sld [smem:$0x3FA3]  }
0x2c: {  	s7 =	sld [smem:$0x3FA4]  }
0x2d: {  	s3 =	simm.s32 $0x108;
	s8 =	sld [smem:$0x3FA5]  }
0x2e: {  	s3 =	simm.s32 @!p0 $0x1082;
	s9 =	sld [smem:$0x3FA6]  }
0x2f: {  	lr =	sadd.s32 s0, s3;
	s0 =	sld [smem:$0x3F9D]  }
0x30: {  	s3 =	sld [smem:$0x3FA0]  }
0x31: {  	[smem:$0x3FA9] =	sst s10  }
0x32: {  	s10 =	sld [smem:$0x3FA7];
	_ =	sdelay $0x3  }
0x33: {  	p0 =	seq.s32 s10, $0x1;
	s10 =	sld [smem:$0x3FA9];
	_ =	sdelay $0x3  }
0x34: {  	[smem:$0x3FA9] =	sst s10  }
0x35: {  	s10 =	sld [smem:$0x3FA8];
	_ =	sdelay $0x3  }
0x36: {  	p1 =	seq.s32 s10, $0x1;
	s10 =	sld [smem:$0x3FA9];
	_ =	sdelay $0x3  }
0x37: {  	[smem:$0x3FA9] =	sst s10  }
0x38: {  	s10 =	sld [smem:$0x3FAA]  }
0x39: {  	_ = 	snop;
	(pc) =	sbr.ind lr, $3  }
0x3a: {  	_ = 	snop  }
0x3b: {  	_ = 	snop  }
0x3c: {  	p2 =	seq.s32 s10, $0x1;
	s10 =	sld [smem:$0x3FA9]  }
0x3d: {  	_ =	shalt  }
0x3e: {  	_ =	shalt  }
0x3f: {  	_ =	shalt  }
0x40: {  	_ =	shalt  }
0x41: {  	_ =	shalt  }
0x42: {  	_ =	shalt  }
0x43: {  	_ =	shalt  }
0x44: {  	_ =	shalt  }
0x45: {  	_ =	shalt  }
0x46: {  	_ =	shalt  }
0x47: {  	_ =	shalt  }
0x48: {  	_ =	shalt  }
0x49: {  	_ =	shalt  }
0x4a: {  	_ =	shalt  }
0x4b: {  	_ =	shalt  }
0x4c: {  	_ =	shalt  }
0x4d: {  	_ =	shalt  }
0x4e: {  	_ =	shalt  }
0x4f: {  	_ =	shalt  }
0x50: {  	_ =	shalt  }
0x51: {  	_ =	shalt  }
0x52: {  	_ =	shalt  }
0x53: {  	_ =	shalt  }
0x54: {  	_ =	shalt  }
0x55: {  	_ =	shalt  }
0x56: {  	_ =	shalt  }
0x57: {  	_ =	shalt  }
0x58: {  	_ =	shalt  }
0x59: {  	_ =	shalt  }
0x5a: {  	_ =	shalt  }
0x5b: {  	_ =	shalt  }
0x5c: {  	_ =	shalt  }
0x5d: {  	_ =	shalt  }
0x5e: {  	_ =	shalt  }
0x5f: {  	_ =	shalt  }
0x60: {  	_ =	shalt  }
0x61: {  	_ =	shalt  }
0x62: {  	_ =	shalt  }
0x63: {  	_ =	shalt  }
0x64: {  	_ =	shalt  }
0x65: {  	_ =	shalt  }
0x66: {  	_ =	shalt  }
0x67: {  	_ =	shalt  }
0x68: {  	_ =	shalt  }
0x69: {  	_ =	shalt  }
0x6a: {  	_ =	shalt  }
0x6b: {  	_ =	shalt  }
0x6c: {  	_ =	shalt  }
0x6d: {  	_ =	shalt  }
0x6e: {  	_ =	shalt  }
0x6f: {  	_ =	shalt  }
0x70: {  	_ =	shalt  }
0x71: {  	_ =	shalt  }
0x72: {  	_ =	shalt  }
0x73: {  	_ =	shalt  }
0x74: {  	_ =	shalt  }
0x75: {  	_ =	shalt  }
0x76: {  	_ =	shalt  }
0x77: {  	_ =	shalt  }
0x78: {  	_ =	shalt  }
0x79: {  	_ =	shalt  }
0x7a: {  	_ =	shalt  }
0x7b: {  	_ =	shalt  }
0x7c: {  	_ =	shalt  }
0x7d: {  	_ =	shalt  }
0x7e: {  	_ =	shalt  }
0x7f: {  	_ =	shalt  }
0x80: {  	_ =	shalt  }
0x81: {  	_ =	shalt  }
0x82: {  	_ =	shalt  }
0x83: {  	_ =	shalt  }
0x84: {  	_ =	shalt  }
0x85: {  	_ =	shalt  }
0x86: {  	_ =	shalt  }
0x87: {  	_ =	shalt  }
.Lfunc_end0:
.L_simem_size_0:
called_computation.1_lowered:
.L_overlay_start_0:
0x88: {  	s2 =	sld [smem:$0x3FD9]  }
0x89: {  	s3 =	sld [smem:$0x3FFE];
	_ =	sdelay $0x1  }
0x8a: {  	s1 =	srdreg.scid  }
0x8b: {  	s0 =	sand.u32 $0x1, s1  }
0x8c: {  	s14 =	sshll.u32 s0, $0xA;
	s2 =	sadd.s32 s3, s2  }
0x8d: {  	s2 =	sadd.s32 s2, s14  }
0x8e: {  	[smem:$0x3FB5] =	sst s2  }
0x8f: {  	_ = 	snop  }
0x90: {  	s2 =	sld [smem:$0x3FD0];
	_ =	sdelay $0x2  }
0x91: {  	s15 =	simm.s32 $0xA;
	s4 =	simm.s32 $0x10  }
0x92: {  	[smem:s4], [sflag:s15] =	dma.local [hbm:s2], $0x1  }
0x93: {  	_ =	swait.eq [sflag:s15], $0x1  }
0x94: {  	s16 =	sld [smem:$0x11];
	[sflag:s15] =	ssyncset.done $0x0  }
0x95: {  	s17 =	sld [smem:$0x12];
	[sflag:s15] =	ssyncadd.s32 $0xFFFFFFFF  }
0x96: {  	s18 =	sld [smem:$0x13];
	(tm) =	ssettm $0x1  }
0x97: {  	s5 =	sld [smem:$0x3FFB];
	_ =	sdelay $0x3  }
0x98: {  	_ =	strace s5  }
0x99: {  	s5 =	sld [smem:$0x3FFC];
	_ =	sdelay $0x3  }
0x9a: {  	_ =	strace s5  }
0x9b: {  	s5 =	sld [smem:$0x3FFD];
	_ =	sdelay $0x3  }
0x9c: {  	_ =	strace s5  }
0x9d: {  	_ =	strace $0x8FFFFFFF  }
0x9e: {  	s19 =	sld [smem:$0x3FDB];
	_ =	sdelay $0x1  }
0x9f: {  	s6 =	simm.s32 $_scs_section_size  }
0xa0: {  	s7 =	simm.s32 $_size__tile_overlayer_lowered;
	s8 =	simm.s32 $_tile_overlayer_lowered  }
0xa1: {  	s22 =	simm.s32 $0x1BFF;
	s21 =	sshll.u32 s8, $0x1;
	s5 =	sadd.s32 s6, s19  }
0xa2: {  	s9 =	simm.s32 $0x0;
	s20 =	sshll.u32 s7, $0x1;
	s7 =	sadd.s32 s21, s5  }
0xa3: {  	[timem:s9], [sflag:s22] =	dma.local [hbm:s7], s20  }
0xa4: {  	_ =	swait.ge [sflag:s22], s20  }
0xa5: {  	s6 =	ssub.s32 $0x0, s20;
	[sflag:s22] =	ssyncset.done $0x0  }
0xa6: {  	[sflag:s22] =	ssyncadd.s32 s6;
	_ =	sdelay $0x1  }
0xa7: {  	s23 =	simm.s32 $0x1B8B  }
0xa8: {  	_ =	swait.ge [sflag:s23], $0x1  }
0xa9: {  	[sflag:s23] =	ssyncset.done $0x0  }
0xaa: {  	s25 =	simm.s32 $0x1B8E;
	s24 =	sld [smem:$0x3FFE];
	[sflag:s23] =	ssyncadd.s32 $0xFFFFFFFF  }
0xab: {  	s26 =	simm.s32 $execute0_lowered;
	[smem:$0x3FD2] =	sst s25  }
0xac: {  	s7 =	sshll.u32 s26, $0x1;
	_ =	strace $0x80000049;
	[dreg:$0x1] =	wrdreg $0xFFFFFFFF  }
0xad: {  	s28 =	simm.s32 $_size_execute0_lowered;
	s5 =	sadd.s32 s5, s7;
	[dreg:$0x0] =	wrdreg $0x0  }
0xae: {  	s7 =	sshll.u32 s28, $0x1;
	[dreg:$0x2] =	wrdreg s5  }
0xaf: {  	[dreg:$0x3] =	wrdreg s7  }
0xb0: {  	[dreg:$0x4] =	wrdreg $0xC0  }
0xb1: {  	_ =	task [dreg:s9], $0x5FFFF  }
0xb2: {  	[dreg:$0x1] =	wrdreg $0xFFFFFFFF  }
0xb3: {  	[dreg:$0x0] =	wrdreg $0x60  }
0xb4: {  	[dreg:$0x2] =	wrdreg s18  }
0xb5: {  	[dreg:$0x3] =	wrdreg s24  }
0xb6: {  	[dreg:$0x4] =	wrdreg s16  }
0xb7: {  	[dreg:$0x5] =	wrdreg s17  }
0xb8: {  	[dreg:$0x6] =	wrdreg $0x9  }
0xb9: {  	_ =	task.clear_ibuf [dreg:s9], $0x7FFFF;
	_ =	strace $0x90000049  }
0xba: {  	s29 =	simm.s32 $0x9;
	_ =	strace $0x8000004B  }
0xbb: {  	_ =	swait.ge [sflag:s29], $0x1  }
0xbc: {  	[sflag:s29] =	ssyncadd.s32 $0xFFFFFFFF  }
0xbd: {  	_ =	strace $0x9000004B  }
0xbe: {  	_ =	sfence  }
0xbf: {  	s30 =	sld [smem:$0x0];
	_ =	sdelay $0x2  }
0xc0: {  	s31 =	sshll.u32 s1, $0xD;
	s1 =	sshrl.u32 s1, $0x2  }
0xc1: {  	s3 =	sand.u32 $0x4000, s31;
	s1 =	sadd.s32 s1, s30  }
0xc2: {  	s0 =	sor.u32 s3, s0;
	s1 =	sshll.u32 s1, $0x11  }
0xc3: {  	s0 =	sor.u32 s1, s0  }
0xc4: {  	s0 =	sadd.s32 $0x8F2B, s0  }
0xc5: {  	[sflag:s0] =	ssyncadd.remote.s32 $0x1  }
0xc6: {  	_ =	sfence.sel $0xFFFF  }
0xc7: {  	[dreg:$0x0] =	wrdreg $0xFFFFFFFF;
	(pc) =	sbr.abs _section_cstart, $3  }
0xc8: {  	[dreg:$0x1] =	wrdreg $0xFFFFFFFF  }
0xc9: {  	_ =	task.clear_ibuf [dreg:s9], $0x2FFFF;
	_ =	strace $0x9FFFFFFF  }
0xca: {  	(tm) =	ssettm $0x7FFFFFFF  }
0xcb: {  	_ =	shalt  }
tec
execute0_lowered:
.L_overlay_start_1:
0x0: {  	(tag) =	ssettag $0x1  }
0x1: {  	s0 =	srdreg.scid  }
0x2: {  	s15 =	stileid.u32;
	s1 =	rddreg [dreg:$0x1]  }
0x3: {  	s3 =	rddreg [dreg:$0x3];
	s0 =	sand.u32 $0x1, s0;
	s2 =	sshll.u32 s15, $0x1  }
0x4: {  	s4 =	sadd.s32 $0x81800, s1;
	s5 =	sadd.s32 $0x67800, s1;
	s2 =	sor.u32 s0, s2  }
0x5: {  	s9 =	sadd.s32 $0x75400, s1;
	s8 =	sadd.s32 $0x3C00, s1;
	s6 =	smul.u32 $0x4E40, s2  }
0x6: {  	s10 =	sadd.s32 $0xDA00, s1;
	s1 =	sadd.s32 $0x13C00, s1;
	s22 =	smul.u32 $0x3100, s2  }
0x7: {  	p2 =	sgt.u32 s15, $0x3;
	s0 =	ssub.s32 $0x2, s0;
	s13 =	smul.u32 $0x620, s2  }
0x8: {  	p3 =	slt.u32 s15, $0xC;
	s7 =	sshrl.u32 s0, $0x1;
	s14 =	smul.u32 $0x4940, s2  }
0x9: {  	s0 =	ssub.s32 s0, s7;
	s6 =	sshrl.u32 s6, $0x3;
	s23 =	sadd.s32 $0xFFFCF000, s22  }
0xa: {  	s24 =	sadd.s32 $0xFFFE7800, s22;
	s31 =	sadd.s32 s9, s13;
	s13 =	sshrl.u32 s22, $0x3  }
0xb: {  	s16 =	sadd.s32 $0xFFFDB600, s14;
	s0 =	smax.u32 s0, $0x1;
	[dreg:$0xd] =	wrdreg s31  }
0xc: {  	s18 =	sadd.s32 s4, s6;
	s19 =	sadd.s32 $0x4E40, s6;
	s31 =	rddreg [dreg:$0x2]  }
0xd: {  	s20 =	sadd.s32 s8, s6;
	s21 =	sadd.s32 $0x4E4, s6;
	[dreg:$0x5] =	wrdreg s18  }
0xe: {  	s6 =	sadd.s32 $0x5324, s6;
	s11 =	sadd.s32 s4, s19;
	[dreg:$0x7] =	wrdreg s20  }
0xf: {  	s17 =	sshrl.u32 s16, $0x3;
	s7 =	sadd.s32 s8, s19;
	[dreg:$0x6] =	wrdreg s11  }
0x10: {  	s12 =	sadd.s32 s4, s21;
	s4 =	sadd.s32 s4, s6;
	[dreg:$0x8] =	wrdreg s7  }
0x11: {  	s19 =	sadd.s32 s5, s17;
	s20 =	sshrl.u32 s14, $0x3;
	[dreg:$0x9] =	wrdreg s12  }
0x12: {  	[dreg:$0xa] =	wrdreg s4;
	s7 =	sadd.s32 s8, s21;
	s4 =	sshrl.u32 s23, $0x3  }
0x13: {  	s12 =	sshrl.u32 s24, $0x3;
	s8 =	sadd.s32 s8, s6;
	s6 =	sadd.s32 s9, s13  }
0x14: {  	[dreg:$0x10] =	wrdreg s19;
	s21 =	sadd.s32 $0xFFFDDAA0, s14;
	s24 =	smul.u32 $0x1880, s2  }
0x15: {  	s22 =	sadd.s32 s3, s20;
	s2 =	smul.u32 $0x310, s2;
	s11 =	sand.u32 $0xC, s15  }
0x16: {  	s25 =	sadd.s32 s9, s4;
	s26 =	sadd.s32 s9, s12;
	[dreg:$0x13] =	wrdreg s22  }
0x17: {  	s4 =	sadd.s32 s10, s4;
	s18 =	sadd.s32 s10, s12;
	[dreg:$0xb] =	wrdreg s25  }
0x18: {  	s10 =	sadd.s32 s5, s20;
	s9 =	sadd.s32 $0x494, s20;
	[dreg:$0xc] =	wrdreg s26  }
0x19: {  	s22 =	simm.s32 $0x0;
	p0 =	seq.s32 s11, $0x8;
	[dreg:$0xe] =	wrdreg s4  }
0x1a: {  	p1 =	sne.s32 s11, $0x4;
	[dreg:$0xf] =	wrdreg s18;
	s4 =	sadd.s32 s3, s17  }
0x1b: {  	s12 =	sadd.s32 $0x3100, s6;
	[dreg:$0x12] =	wrdreg s4;
	s4 =	sshrl.u32 s21, $0x3  }
0x1c: {  	[smem:$0x7FF] =	sst s22;
	s25 =	sadd.s32 $0xFFFDB400, s24;
	s23 =	sadd.s32 s5, s4  }
0x1d: {  	s26 =	sadd.s32 $0xFFFF3C00, s24;
	s5 =	sadd.s32 s5, s9;
	[dreg:$0x14] =	wrdreg s23  }
0x1e: {  	s21 =	sadd.s32 $0x4940, s10;
	s4 =	sadd.s32 s3, s4;
	[dreg:$0x15] =	wrdreg s5  }
0x1f: {  	s3 =	sadd.s32 s3, s9;
	[dreg:$0x16] =	wrdreg s4;
	s5 =	sadd.s32 $0xFFFE7800, s24  }
0x20: {  	[dreg:$0x17] =	wrdreg s3;
	s4 =	sshrl.u32 s26, $0x3;
	s5 =	sshrl.u32 s5, $0x3  }
0x21: {  	s26 =	sadd.s32 s31, s5;
	s30 =	sadd.s32 s1, s5;
	s5 =	rddreg [dreg:$0x0]  }
0x22: {  	s3 =	sshrl.u32 s25, $0x3;
	_ =	strace $0x8000004A;
	[dreg:$0x18] =	wrdreg s12  }
0x23: {  	s24 =	sadd.s32 s31, s2;
	s23 =	sadd.s32 s31, s4;
	[smem:$0x7FC] =	sst s21  }
0x24: {  	s25 =	sadd.s32 s31, s3;
	[dreg:$0x11] =	wrdreg s10;
	s31 =	sadd.s32 $0x4DD4, s10  }
0x25: {  	s29 =	sadd.s32 s1, s3;
	s13 =	sadd.s32 $0x1E00, s5;
	[smem:$0x7FD] =	sst s31  }
0x26: {  	s12 =	simm.s32 $0x1;
	s14 =	sadd.s32 $0x2300, s5;
	[dreg:$0x19] =	wrdreg s13  }
0x27: {  	s9 =	sadd.s32 $0x500, s5;
	s15 =	sadd.s32 $0x2800, s5;
	[dreg:$0x1a] =	wrdreg s14  }
0x28: {  	s16 =	sadd.s32 $0x2D00, s5;
	s17 =	sadd.s32 $0xA00, s5;
	[dreg:$0x1b] =	wrdreg s15  }
0x29: {  	s18 =	sadd.s32 $0xF00, s5;
	s19 =	sadd.s32 $0x1400, s5;
	[dreg:$0x1c] =	wrdreg s16  }
0x2a: {  	s20 =	sadd.s32 $0x1900, s5;
	s21 =	sadd.s32 $0x3200, s5;
	[dreg:$0x1d] =	wrdreg s17  }
.Ltmp0:
0x2b: {  	s28 =	sadd.s32 $0x3700, s5;
	[dreg:$0x1e] =	wrdreg s18;
	(pc) =	sbr.rel .LBB2_1-.Ltmp0, $4  }
0x2c: {  	s10 =	sadd.s32 $0x3C00, s5;
	s11 =	sadd.s32 $0x4100, s5;
	[dreg:$0x1f] =	wrdreg s19  }
0x2d: {  	[smem:$0x7FB] =	sst s20;
	s13 =	simm.s32 $0x2710;
	s14 =	simm.s32 $0x9C80  }
0x2e: {  	s16 =	simm.s32 $0xC3A0;
	s17 =	simm.s32 $0x16080;
	s18 =	simm.s32 $0x187A0  }
0x2f: {  	s19 =	simm.s32 $0x4E20;
	s20 =	simm.s32 $0x7530;
	s15 =	simm.s32 $0x0  }
.LBB2_20:
0x30: {  	v2 =	vld [tilespmem:s5+$0xB500];
	v0 =	vadd.f32 v0, v1;
	_ =	sdelay $0x1  }
0x31: {  	v63 =	vld [tilespmem:s5+$0xCD80];
	s3 =	sadd.s32 $0x10, s31;
	[tilespmem:s1+$0x17900] =	vst v0  }
0x32: {  	v0 =	vld [tilespmem:s3+$0x0];
	_ =	sdelay $0x1  }
0x33: {  	v3 =	vld [tilespmem:s5+$0xE600];
	v4 =	vadd.s32 $0x4E20, v2;
	_ =	sdelay $0x2  }
0x34: {  	v5 =	vadd.s32 $0x4E20, v63;
	_ =	sdelay $0x1  }
0x35: {  	v6 =	vadd.s32 $0x4E20, v3;
	v4 =	vld.idx.msk [tilespmem:v4+s22+$0x0], $0xffff  }
0x36: {  	v7 =	vld.idx.msk [tilespmem:v0+s22+$0x0], $0xffff;
	_ =	sdelay $0x1  }
0x37: {  	v5 =	vld.idx.msk [tilespmem:v5+s22+$0x0], $0xffff;
	_ =	sdelay $0x1  }
0x38: {  	v6 =	vld.idx.msk [tilespmem:v6+s22+$0x0], $0xffff  }
0x39: {  	v4 =	vadd.f32 v4, v7;
	_ =	sdelay $0x1  }
0x3a: {  	v0 =	vadd.s32 $0x2710, v0;
	v4 =	vadd.f32 v5, v4  }
0x3b: {  	v2 =	vadd.s32 $0x7530, v2  }
0x3c: {  	v4 =	vadd.f32 v6, v4  }
0x3d: {  	s6 =	sadd.s32 $0x10, s2;
	v1 =	vadd.s32 $0x7530, v63  }
0x3e: {  	[tilespmem:s6+$0x0] =	vst v4  }
0x3f: {  	v3 =	vadd.s32 $0x7530, v3;
	v0 =	vld.idx.msk [tilespmem:v0+s22+$0x0], $0xffff  }
0x40: {  	v2 =	vld.idx.msk [tilespmem:v2+s22+$0x0], $0xffff;
	_ =	sdelay $0x1  }
0x41: {  	v1 =	vld.idx.msk [tilespmem:v1+s22+$0x0], $0xffff;
	_ =	sdelay $0x1  }
0x42: {  	v3 =	vld.idx.msk [tilespmem:v3+s22+$0x0], $0xffff  }
0x43: {  	v0 =	vadd.f32 v2, v0;
	_ =	sdelay $0x1  }
0x44: {  	v0 =	vadd.f32 v1, v0;
	_ =	sdelay $0x1  }
0x45: {  	v0 =	vadd.f32 v3, v0;
	_ =	sdelay $0x1  }
0x46: {  	[tilespmem:s5+$0x17900] =	vst v0  }
0x47: {  	[hbm4b:s29+s22] =	stream.linear.scatter [tilespmem:s17], [sflag:$0x1], $0x1880, $0x38;
	[tilespmem:$0x1C280] =	vst v63  }
0x48: {  	_ =	swait.ge [sflag:s12], $0x1880  }
0x49: {  	[sflag:s12] =	ssyncset.done $0x0  }
0x4a: {  	s31 =	simm.s32 $0x17900;
	[sflag:s12] =	ssyncadd.s32 $0xFFFFE780  }
0x4b: {  	[hbm4b:s30+s22] =	stream.linear.scatter [tilespmem:s31], [sflag:$0x1], $0x1880, $0x38;
	[tilespmem:$0x1C280] =	vst v63  }
0x4c: {  	_ =	swait.ge [sflag:s12], $0x1880  }
0x4d: {  	[sflag:s12] =	ssyncset.done $0x0  }
0x4e: {  	[sflag:s12] =	ssyncadd.s32 $0xFFFFE780  }
.LBB2_21:
0x4f: {  	s15 =	sadd.s32 $0x1, s15  }
0x50: {  	p4 =	sne.s32 s15, s0  }
.Ltmp1:
0x51: {  	_ = 	snop;
	(pc) =	sbr.rel @!p4 .LBB2_22-.Ltmp1, $1  }
0x52: {  	_ =	sdelay $0x3  }
.LBB2_1:
.Ltmp2:
0x53: {  	(pc) =	sbr.rel @p2 .LBB2_7-.Ltmp2, $1  }
0x54: {  	_ =	sdelay $0x3  }
0x55: {  	s1 =	simm.s32 $0x0;
	s2 =	rddreg [dreg:$0x0]  }
0x56: {  	[tilespmem:s1], [sflag:$0x1] =	stream.linear.gather [hbm4b:s2+s1], $0x2710, $0x38;
	[tilespmem:$0x1C280] =	vst v63  }
0x57: {  	_ =	swait.ge [sflag:s12], $0x2710  }
0x58: {  	[sflag:s12] =	ssyncset.done $0x0  }
0x59: {  	[sflag:s12] =	ssyncadd.s32 $0xFFFFD8F0  }
0x5a: {  	[tilespmem:s13], [sflag:$0x1] =	stream.linear.gather [hbm4b:s9+s1], $0x2710, $0x38;
	[tilespmem:$0x1C280] =	vst v63  }
0x5b: {  	_ =	swait.ge [sflag:s12], $0x2710  }
0x5c: {  	[sflag:s12] =	ssyncset.done $0x0  }
0x5d: {  	s6 =	rddreg [dreg:$0x5];
	[sflag:s12] =	ssyncadd.s32 $0xFFFFD8F0  }
0x5e: {  	[tilespmem:s14], [sflag:$0x1] =	stream.linear.gather [hbm4b:s6+s1], $0x2720, $0x38;
	[tilespmem:$0x1C280] =	vst v63  }
0x5f: {  	_ =	swait.ge [sflag:s12], $0x2720  }
0x60: {  	[sflag:s12] =	ssyncset.done $0x0  }
0x61: {  	s31 =	rddreg [dreg:$0x6];
	[sflag:s12] =	ssyncadd.s32 $0xFFFFD8E0  }
0x62: {  	[tilespmem:s16], [sflag:$0x1] =	stream.linear.gather [hbm4b:s31+s1], $0x2720, $0x38;
	[tilespmem:$0x1C280] =	vst v63  }
0x63: {  	_ =	swait.ge [sflag:s12], $0x2720  }
0x64: {  	[sflag:s12] =	ssyncset.done $0x0  }
0x65: {  	s1 =	simm.s32 $0x0;
	[sflag:s12] =	ssyncadd.s32 $0xFFFFD8E0  }
0x66: {  	v0 =	vld [tilespmem:s1+$0x9C80]  }
0x67: {  	v1 =	vld [tilespmem:s1+$0xC3A0];
	_ =	sdelay $0x6  }
0x68: {  	v2 =	vld.idx.msk [tilespmem:v0+s22+$0x0], $0xffff  }
0x69: {  	v3 =	vld.idx.msk [tilespmem:v1+s22+$0x0], $0xffff;
	_ =	sdelay $0x2  }
0x6a: {  	v0 =	vadd.s32 $0x2710, v0  }
0x6b: {  	v1 =	vadd.s32 $0x2710, v1  }
0x6c: {  	v2 =	vadd.f32 v3, v2;
	_ =	sdelay $0x1  }
0x6d: {  	[tilespmem:s1+$0x16080] =	vst v2  }
0x6e: {  	v2 =	vld.idx.msk [tilespmem:v0+s22+$0x0], $0xffff  }
0x6f: {  	s3 =	simm.s32 $0x10;
	v3 =	vld.idx.msk [tilespmem:v1+s22+$0x0], $0xffff  }
0x70: {  	v0 =	vld [tilespmem:s3+$0x9C80]  }
0x71: {  	s2 =	simm.s32 $0x80;
	v1 =	vld [tilespmem:s3+$0xC3A0]  }
.LBB2_3:
0x72: {  	_ =	sdelay $0x2  }
0x73: {  	p4 =	sne.s32 s2, $0x9C40;
	s4 =	smov.u32 s2;
	s2 =	sadd.s32 $0x40, s2;
	v2 =	vadd.f32 v3, v2  }
0x74: {  	_ = 	snop  }
0x75: {  	[tilespmem:s1+$0x187A0] =	vst v2;
	s1 =	smov.u32 s3  }
0x76: {  	v2 =	vld.idx.msk [tilespmem:v0+s22+$0x0], $0xffff  }
0x77: {  	v3 =	vld.idx.msk [tilespmem:v1+s22+$0x0], $0xffff;
	_ =	sdelay $0x3  }
0x78: {  	v0 =	vadd.s32 $0x2710, v0;
	v1 =	vadd.s32 $0x2710, v1;
	_ =	sdelay $0x1  }
0x79: {  	v2 =	vadd.f32 v3, v2;
	_ =	sdelay $0x1  }
.Ltmp3:
0x7a: {  	[tilespmem:s1+$0x16080] =	vst v2;
	(pc) =	sbr.rel @p4 .LBB2_3-.Ltmp3, $4  }
0x7b: {  	v2 =	vld.idx.msk [tilespmem:v0+s22+$0x0], $0xffff  }
0x7c: {  	s3 =	sshra.s32 s4, $0x2;
	v3 =	vld.idx.msk [tilespmem:v1+s22+$0x0], $0xffff  }
0x7d: {  	v0 =	vld [tilespmem:s3+$0x9C80]  }
0x7e: {  	v1 =	vld [tilespmem:s3+$0xC3A0]  }
0x7f: {  	_ =	sdelay $0x3  }
0x80: {  	v2 =	vadd.f32 v3, v2;
	_ =	sdelay $0x1  }
0x81: {  	[tilespmem:s1+$0x187A0] =	vst v2  }
0x82: {  	v2 =	vld.idx.msk [tilespmem:v0+s22+$0x0], $0xffff  }
0x83: {  	v3 =	vld.idx.msk [tilespmem:v1+s22+$0x0], $0xffff;
	_ =	sdelay $0x2  }
0x84: {  	v0 =	vadd.s32 $0x2710, v0  }
0x85: {  	v1 =	vadd.s32 $0x2710, v1  }
0x86: {  	v2 =	vadd.f32 v3, v2;
	_ =	sdelay $0x1  }
0x87: {  	[tilespmem:s3+$0x16080] =	vst v2  }
0x88: {  	v0 =	vld.idx.msk [tilespmem:v0+s22+$0x0], $0xffff  }
0x89: {  	v1 =	vld.idx.msk [tilespmem:v1+s22+$0x0], $0xffff;
	_ =	sdelay $0x4  }
0x8a: {  	v0 =	vadd.f32 v1, v0;
	_ =	sdelay $0x1  }
0x8b: {  	s4 =	simm.s32 $0x0;
	s2 =	rddreg [dreg:$0x7];
	[tilespmem:s3+$0x187A0] =	vst v0  }
0x8c: {  	[hbm4b:s2+s4] =	stream.linear.scatter [tilespmem:s17], [sflag:$0x1], $0x2720, $0x38;
	[tilespmem:$0x1C280] =	vst v63  }
0x8d: {  	_ =	swait.ge [sflag:s12], $0x2720  }
0x8e: {  	[sflag:s12] =	ssyncset.done $0x0  }
0x8f: {  	s5 =	rddreg [dreg:$0x8];
	[sflag:s12] =	ssyncadd.s32 $0xFFFFD8E0  }
0x90: {  	[hbm4b:s5+s4] =	stream.linear.scatter [tilespmem:s18], [sflag:$0x1], $0x2720, $0x38;
	[tilespmem:$0x1C280] =	vst v63  }
0x91: {  	_ =	swait.ge [sflag:s12], $0x2720  }
0x92: {  	[sflag:s12] =	ssyncset.done $0x0  }
0x93: {  	s6 =	rddreg [dreg:$0x9];
	[sflag:s12] =	ssyncadd.s32 $0xFFFFD8E0  }
0x94: {  	[tilespmem:s14], [sflag:$0x1] =	stream.linear.gather [hbm4b:s6+s4], $0x2720, $0x38;
	[tilespmem:$0x1C280] =	vst v63  }
0x95: {  	_ =	swait.ge [sflag:s12], $0x2720  }
0x96: {  	[sflag:s12] =	ssyncset.done $0x0  }
0x97: {  	s31 =	rddreg [dreg:$0xa];
	[sflag:s12] =	ssyncadd.s32 $0xFFFFD8E0  }
0x98: {  	[tilespmem:s16], [sflag:$0x1] =	stream.linear.gather [hbm4b:s31+s4], $0x2720, $0x38;
	[tilespmem:$0x1C280] =	vst v63  }
0x99: {  	_ =	swait.ge [sflag:s12], $0x2720  }
0x9a: {  	[sflag:s12] =	ssyncset.done $0x0  }
0x9b: {  	s1 =	simm.s32 $0x0;
	[sflag:s12] =	ssyncadd.s32 $0xFFFFD8E0  }
0x9c: {  	v0 =	vld [tilespmem:s1+$0x9C80]  }
0x9d: {  	v1 =	vld [tilespmem:s1+$0xC3A0];
	_ =	sdelay $0x6  }
0x9e: {  	v2 =	vld.idx.msk [tilespmem:v0+s22+$0x0], $0xffff  }
0x9f: {  	v3 =	vld.idx.msk [tilespmem:v1+s22+$0x0], $0xffff;
	_ =	sdelay $0x2  }
0xa0: {  	v0 =	vadd.s32 $0x2710, v0  }
0xa1: {  	v1 =	vadd.s32 $0x2710, v1  }
0xa2: {  	v2 =	vadd.f32 v3, v2;
	_ =	sdelay $0x1  }
0xa3: {  	[tilespmem:s1+$0x16080] =	vst v2  }
0xa4: {  	v2 =	vld.idx.msk [tilespmem:v0+s22+$0x0], $0xffff  }
0xa5: {  	s3 =	simm.s32 $0x10;
	v3 =	vld.idx.msk [tilespmem:v1+s22+$0x0], $0xffff  }
0xa6: {  	v0 =	vld [tilespmem:s3+$0x9C80]  }
0xa7: {  	s2 =	simm.s32 $0x80;
	v1 =	vld [tilespmem:s3+$0xC3A0]  }
.LBB2_5:
0xa8: {  	_ =	sdelay $0x2  }
0xa9: {  	p4 =	sne.s32 s2, $0x9C40;
	s4 =	smov.u32 s2;
	s2 =	sadd.s32 $0x40, s2;
	v2 =	vadd.f32 v3, v2  }
0xaa: {  	_ = 	snop  }
0xab: {  	[tilespmem:s1+$0x187A0] =	vst v2;
	s1 =	smov.u32 s3  }
0xac: {  	v2 =	vld.idx.msk [tilespmem:v0+s22+$0x0], $0xffff  }
0xad: {  	v3 =	vld.idx.msk [tilespmem:v1+s22+$0x0], $0xffff;
	_ =	sdelay $0x3  }
0xae: {  	v0 =	vadd.s32 $0x2710, v0;
	v1 =	vadd.s32 $0x2710, v1;
	_ =	sdelay $0x1  }
0xaf: {  	v2 =	vadd.f32 v3, v2;
	_ =	sdelay $0x1  }
.Ltmp4:
0xb0: {  	[tilespmem:s1+$0x16080] =	vst v2;
	(pc) =	sbr.rel @p4 .LBB2_5-.Ltmp4, $4  }
0xb1: {  	v2 =	vld.idx.msk [tilespmem:v0+s22+$0x0], $0xffff  }
0xb2: {  	s3 =	sshra.s32 s4, $0x2;
	v3 =	vld.idx.msk [tilespmem:v1+s22+$0x0], $0xffff  }
0xb3: {  	v0 =	vld [tilespmem:s3+$0x9C80]  }
0xb4: {  	v1 =	vld [tilespmem:s3+$0xC3A0]  }
0xb5: {  	_ =	sdelay $0x3  }
0xb6: {  	v2 =	vadd.f32 v3, v2;
	_ =	sdelay $0x1  }
0xb7: {  	[tilespmem:s1+$0x187A0] =	vst v2  }
0xb8: {  	v2 =	vld.idx.msk [tilespmem:v0+s22+$0x0], $0xffff  }
0xb9: {  	v61 =	vld.idx.msk [tilespmem:v1+s22+$0x0], $0xffff;
	_ =	sdelay $0x2  }
0xba: {  	v62 =	vadd.s32 $0x2710, v0  }
0xbb: {  	v63 =	vadd.s32 $0x2710, v1  }
0xbc: {  	v2 =	vadd.f32 v61, v2;
	_ =	sdelay $0x1  }
0xbd: {  	[tilespmem:s3+$0x16080] =	vst v2  }
0xbe: {  	v0 =	vld.idx.msk [tilespmem:v62+s22+$0x0], $0xffff  }
0xbf: {  	v1 =	vld.idx.msk [tilespmem:v63+s22+$0x0], $0xffff;
	_ =	sdelay $0x4  }
0xc0: {  	v0 =	vadd.f32 v1, v0;
	_ =	sdelay $0x1  }
0xc1: {  	[tilespmem:s3+$0x187A0] =	vst v0  }
0xc2: {  	[hbm4b:s7+s22] =	stream.linear.scatter [tilespmem:s17], [sflag:$0x1], $0x2720, $0x38;
	[tilespmem:$0x1C280] =	vst v63  }
0xc3: {  	_ =	swait.ge [sflag:s12], $0x2720  }
0xc4: {  	[sflag:s12] =	ssyncset.done $0x0  }
0xc5: {  	[sflag:s12] =	ssyncadd.s32 $0xFFFFD8E0  }
0xc6: {  	[hbm4b:s8+s22] =	stream.linear.scatter [tilespmem:s18], [sflag:$0x1], $0x2720, $0x38;
	[tilespmem:$0x1C280] =	vst v63  }
0xc7: {  	_ =	swait.ge [sflag:s12], $0x2720  }
0xc8: {  	[sflag:s12] =	ssyncset.done $0x0  }
0xc9: {  	[sflag:s12] =	ssyncadd.s32 $0xFFFFD8E0  }
.LBB2_7:
.Ltmp5:
0xca: {  	(pc) =	sbr.rel @p0 .LBB2_14-.Ltmp5, $1  }
0xcb: {  	_ =	sdelay $0x3  }
.Ltmp6:
0xcc: {  	(pc) =	sbr.rel @p1 .LBB2_17-.Ltmp6, $1  }
0xcd: {  	_ =	sdelay $0x3  }
0xce: {  	s1 =	simm.s32 $0x0;
	s2 =	rddreg [dreg:$0x1d]  }
0xcf: {  	[tilespmem:s1], [sflag:$0x1] =	stream.linear.gather [hbm4b:s2+s1], $0x2710, $0x38;
	[tilespmem:$0x1C280] =	vst v63  }
0xd0: {  	_ =	swait.ge [sflag:s12], $0x2710  }
0xd1: {  	[sflag:s12] =	ssyncset.done $0x0  }
0xd2: {  	s6 =	rddreg [dreg:$0x1e];
	[sflag:s12] =	ssyncadd.s32 $0xFFFFD8F0  }
0xd3: {  	[tilespmem:s13], [sflag:$0x1] =	stream.linear.gather [hbm4b:s6+s1], $0x2710, $0x38;
	[tilespmem:$0x1C280] =	vst v63  }
0xd4: {  	_ =	swait.ge [sflag:s12], $0x2710  }
0xd5: {  	[sflag:s12] =	ssyncset.done $0x0  }
0xd6: {  	s31 =	rddreg [dreg:$0x1f];
	[sflag:s12] =	ssyncadd.s32 $0xFFFFD8F0  }
0xd7: {  	[tilespmem:s19], [sflag:$0x1] =	stream.linear.gather [hbm4b:s31+s1], $0x2710, $0x38;
	[tilespmem:$0x1C280] =	vst v63  }
0xd8: {  	_ =	swait.ge [sflag:s12], $0x2710  }
0xd9: {  	s3 =	sld [smem:$0x7FB]  }
0xda: {  	[sflag:s12] =	ssyncset.done $0x0  }
0xdb: {  	[sflag:s12] =	ssyncadd.s32 $0xFFFFD8F0  }
0xdc: {  	[tilespmem:s20], [sflag:$0x1] =	stream.linear.gather [hbm4b:s3+s1], $0x2710, $0x38;
	[tilespmem:$0x1C280] =	vst v63  }
0xdd: {  	_ =	swait.ge [sflag:s12], $0x2710  }
0xde: {  	[sflag:s12] =	ssyncset.done $0x0  }
0xdf: {  	s4 =	rddreg [dreg:$0x10];
	[sflag:s12] =	ssyncadd.s32 $0xFFFFD8F0  }
0xe0: {  	[tilespmem:s14], [sflag:$0x1] =	stream.linear.gather [hbm4b:s4+s1], $0x24A0, $0x38;
	[tilespmem:$0x1C280] =	vst v63  }
0xe1: {  	_ =	swait.ge [sflag:s12], $0x24A0  }
0xe2: {  	[sflag:s12] =	ssyncset.done $0x0  }
0xe3: {  	s3 =	simm.s32 $0xC120;
	s5 =	rddreg [dreg:$0x11];
	[sflag:s12] =	ssyncadd.s32 $0xFFFFDB60  }
0xe4: {  	[tilespmem:s3], [sflag:$0x1] =	stream.linear.gather [hbm4b:s5+s1], $0x24A0, $0x38;
	[tilespmem:$0x1C280] =	vst v63  }
0xe5: {  	_ =	swait.ge [sflag:s12], $0x24A0  }
0xe6: {  	s6 =	sld [smem:$0x7FC]  }
0xe7: {  	[sflag:s12] =	ssyncset.done $0x0  }
0xe8: {  	s31 =	simm.s32 $0xE5C0;
	[sflag:s12] =	ssyncadd.s32 $0xFFFFDB60  }
0xe9: {  	[tilespmem:s31], [sflag:$0x1] =	stream.linear.gather [hbm4b:s6+s1], $0x24A0, $0x38;
	[tilespmem:$0x1C280] =	vst v63  }
0xea: {  	_ =	swait.ge [sflag:s12], $0x24A0  }
0xeb: {  	[sflag:s12] =	ssyncset.done $0x0  }
0xec: {  	s1 =	simm.s32 $0x0;
	[sflag:s12] =	ssyncadd.s32 $0xFFFFDB60  }
0xed: {  	v0 =	vld [tilespmem:s1+$0xC120]  }
0xee: {  	v1 =	vld [tilespmem:s1+$0x9C80];
	_ =	sdelay $0x2  }
0xef: {  	v2 =	vld [tilespmem:s1+$0xE5C0]  }
0xf0: {  	v3 =	vadd.s32 $0x4E20, v0;
	_ =	sdelay $0x3  }
0xf1: {  	v4 =	vld.idx.msk [tilespmem:v1+s22+$0x0], $0xffff  }
0xf2: {  	v3 =	vld.idx.msk [tilespmem:v3+s22+$0x0], $0xffff;
	_ =	sdelay $0x1  }
0xf3: {  	v5 =	vld.idx.msk [tilespmem:v2+s22+$0x0], $0xffff;
	_ =	sdelay $0x2  }
0xf4: {  	v1 =	vadd.s32 $0x2710, v1;
	v3 =	vadd.f32 v3, v4  }
0xf5: {  	v0 =	vadd.s32 $0x7530, v0  }
0xf6: {  	v2 =	vadd.s32 $0x2710, v2;
	v3 =	vadd.f32 v5, v3;
	_ =	sdelay $0x1  }
0xf7: {  	[tilespmem:s1+$0x16080] =	vst v3  }
0xf8: {  	v1 =	vld.idx.msk [tilespmem:v1+s22+$0x0], $0xffff  }
0xf9: {  	v3 =	vld.idx.msk [tilespmem:v0+s22+$0x0], $0xffff  }
0xfa: {  	s3 =	simm.s32 $0x10;
	v4 =	vld.idx.msk [tilespmem:v2+s22+$0x0], $0xffff  }
0xfb: {  	v0 =	vld [tilespmem:s3+$0xC120]  }
0xfc: {  	v2 =	vld [tilespmem:s3+$0x9C80];
	_ =	sdelay $0x2  }
0xfd: {  	v5 =	vadd.f32 v3, v1;
	v1 =	vld [tilespmem:s3+$0xE5C0]  }
0xfe: {  	v3 =	vadd.s32 $0x4E20, v0  }
0xff: {  	s2 =	simm.s32 $0x80;
	v4 =	vadd.f32 v4, v5  }
.LBB2_10:
0x100: {  	p4 =	sne.s32 s2, $0x9240;
	s4 =	smov.u32 s2;
	s2 =	sadd.s32 $0x40, s2  }
0x101: {  	[tilespmem:s1+$0x18520] =	vst v4;
	s1 =	smov.u32 s3  }
0x102: {  	v4 =	vld.idx.msk [tilespmem:v2+s22+$0x0], $0xffff  }
0x103: {  	v3 =	vld.idx.msk [tilespmem:v3+s22+$0x0], $0xffff;
	_ =	sdelay $0x1  }
0x104: {  	v5 =	vld.idx.msk [tilespmem:v1+s22+$0x0], $0xffff;
	_ =	sdelay $0x3  }
0x105: {  	v0 =	vadd.s32 $0x7530, v0;
	v2 =	vadd.s32 $0x2710, v2;
	v3 =	vadd.f32 v3, v4;
	_ =	sdelay $0x1  }
0x106: {  	v1 =	vadd.s32 $0x2710, v1;
	v3 =	vadd.f32 v5, v3;
	_ =	sdelay $0x1  }
0x107: {  	[tilespmem:s1+$0x16080] =	vst v3  }
0x108: {  	v3 =	vld.idx.msk [tilespmem:v2+s22+$0x0], $0xffff  }
0x109: {  	v4 =	vld.idx.msk [tilespmem:v0+s22+$0x0], $0xffff  }
0x10a: {  	s3 =	sshra.s32 s4, $0x2;
	v5 =	vld.idx.msk [tilespmem:v1+s22+$0x0], $0xffff  }
0x10b: {  	v0 =	vld [tilespmem:s3+$0xC120]  }
0x10c: {  	v2 =	vld [tilespmem:s3+$0x9C80]  }
.Ltmp7:
0x10d: {  	(pc) =	sbr.rel @p4 .LBB2_10-.Ltmp7, $4  }
0x10e: {  	_ = 	snop  }
0x10f: {  	v4 =	vadd.f32 v4, v3;
	v1 =	vld [tilespmem:s3+$0xE5C0]  }
0x110: {  	v3 =	vadd.s32 $0x4E20, v0  }
0x111: {  	v4 =	vadd.f32 v5, v4  }
0x112: {  	_ =	sdelay $0x2  }
0x113: {  	[tilespmem:s1+$0x18520] =	vst v4  }
0x114: {  	v4 =	vld.idx.msk [tilespmem:v2+s22+$0x0], $0xffff  }
0x115: {  	v3 =	vld.idx.msk [tilespmem:v3+s22+$0x0], $0xffff;
	_ =	sdelay $0x1  }
0x116: {  	v5 =	vld.idx.msk [tilespmem:v1+s22+$0x0], $0xffff;
	_ =	sdelay $0x2  }
0x117: {  	v2 =	vadd.s32 $0x2710, v2;
	v3 =	vadd.f32 v3, v4  }
0x118: {  	v0 =	vadd.s32 $0x7530, v0  }
0x119: {  	v3 =	vadd.f32 v5, v3  }
0x11a: {  	v1 =	vadd.s32 $0x2710, v1  }
0x11b: {  	[tilespmem:s3+$0x16080] =	vst v3  }
0x11c: {  	v2 =	vld.idx.msk [tilespmem:v2+s22+$0x0], $0xffff  }
0x11d: {  	v0 =	vld.idx.msk [tilespmem:v0+s22+$0x0], $0xffff;
	_ =	sdelay $0x1  }
0x11e: {  	v1 =	vld.idx.msk [tilespmem:v1+s22+$0x0], $0xffff;
	_ =	sdelay $0x2  }
0x11f: {  	v0 =	vadd.f32 v0, v2;
	_ =	sdelay $0x1  }
0x120: {  	v0 =	vadd.f32 v1, v0;
	_ =	sdelay $0x1  }
0x121: {  	s2 =	rddreg [dreg:$0x12];
	s1 =	simm.s32 $0x0;
	[tilespmem:s3+$0x18520] =	vst v0  }
0x122: {  	[hbm4b:s2+s1] =	stream.linear.scatter [tilespmem:s17], [sflag:$0x1], $0x24A0, $0x38;
	[tilespmem:$0x1C280] =	vst v63  }
0x123: {  	_ =	swait.ge [sflag:s12], $0x24A0  }
0x124: {  	[sflag:s12] =	ssyncset.done $0x0  }
0x125: {  	s31 =	simm.s32 $0x18520;
	s6 =	rddreg [dreg:$0x13];
	[sflag:s12] =	ssyncadd.s32 $0xFFFFDB60  }
0x126: {  	[hbm4b:s6+s1] =	stream.linear.scatter [tilespmem:s31], [sflag:$0x1], $0x24A0, $0x38;
	[tilespmem:$0x1C280] =	vst v63  }
0x127: {  	_ =	swait.ge [sflag:s12], $0x24A0  }
0x128: {  	[sflag:s12] =	ssyncset.done $0x0  }
0x129: {  	s3 =	rddreg [dreg:$0x14];
	[sflag:s12] =	ssyncadd.s32 $0xFFFFDB60  }
0x12a: {  	[tilespmem:s14], [sflag:$0x1] =	stream.linear.gather [hbm4b:s3+s1], $0x24A0, $0x38;
	[tilespmem:$0x1C280] =	vst v63  }
0x12b: {  	_ =	swait.ge [sflag:s12], $0x24A0  }
0x12c: {  	[sflag:s12] =	ssyncset.done $0x0  }
0x12d: {  	s5 =	simm.s32 $0xC120;
	s4 =	rddreg [dreg:$0x15];
	[sflag:s12] =	ssyncadd.s32 $0xFFFFDB60  }
0x12e: {  	[tilespmem:s5], [sflag:$0x1] =	stream.linear.gather [hbm4b:s4+s1], $0x24A0, $0x38;
	[tilespmem:$0x1C280] =	vst v63  }
0x12f: {  	_ =	swait.ge [sflag:s12], $0x24A0  }
0x130: {  	s6 =	sld [smem:$0x7FD]  }
0x131: {  	[sflag:s12] =	ssyncset.done $0x0  }
0x132: {  	s31 =	simm.s32 $0xE5C0;
	[sflag:s12] =	ssyncadd.s32 $0xFFFFDB60  }
0x133: {  	[tilespmem:s31], [sflag:$0x1] =	stream.linear.gather [hbm4b:s6+s1], $0x24A0, $0x38;
	[tilespmem:$0x1C280] =	vst v63  }
0x134: {  	_ =	swait.ge [sflag:s12], $0x24A0  }
0x135: {  	[sflag:s12] =	ssyncset.done $0x0  }
0x136: {  	s1 =	simm.s32 $0x0;
	[sflag:s12] =	ssyncadd.s32 $0xFFFFDB60  }
0x137: {  	v0 =	vld [tilespmem:s1+$0xC120]  }
0x138: {  	v1 =	vld [tilespmem:s1+$0x9C80];
	_ =	sdelay $0x2  }
0x139: {  	v2 =	vld [tilespmem:s1+$0xE5C0]  }
0x13a: {  	v3 =	vadd.s32 $0x4E20, v0;
	_ =	sdelay $0x3  }
0x13b: {  	v4 =	vld.idx.msk [tilespmem:v1+s22+$0x0], $0xffff  }
0x13c: {  	v3 =	vld.idx.msk [tilespmem:v3+s22+$0x0], $0xffff;
	_ =	sdelay $0x1  }
0x13d: {  	v5 =	vld.idx.msk [tilespmem:v2+s22+$0x0], $0xffff;
	_ =	sdelay $0x2  }
0x13e: {  	v1 =	vadd.s32 $0x2710, v1;
	v3 =	vadd.f32 v3, v4  }
0x13f: {  	v0 =	vadd.s32 $0x7530, v0  }
0x140: {  	v2 =	vadd.s32 $0x2710, v2;
	v3 =	vadd.f32 v5, v3;
	_ =	sdelay $0x1  }
0x141: {  	[tilespmem:s1+$0x16080] =	vst v3  }
0x142: {  	v1 =	vld.idx.msk [tilespmem:v1+s22+$0x0], $0xffff  }
0x143: {  	v3 =	vld.idx.msk [tilespmem:v0+s22+$0x0], $0xffff  }
0x144: {  	s3 =	simm.s32 $0x10;
	v4 =	vld.idx.msk [tilespmem:v2+s22+$0x0], $0xffff  }
0x145: {  	v0 =	vld [tilespmem:s3+$0xC120]  }
0x146: {  	v2 =	vld [tilespmem:s3+$0x9C80];
	_ =	sdelay $0x2  }
0x147: {  	v5 =	vadd.f32 v3, v1;
	v1 =	vld [tilespmem:s3+$0xE5C0]  }
0x148: {  	v3 =	vadd.s32 $0x4E20, v0  }
0x149: {  	s2 =	simm.s32 $0x80;
	v4 =	vadd.f32 v4, v5  }
.LBB2_12:
0x14a: {  	p4 =	sne.s32 s2, $0x9240;
	s4 =	smov.u32 s2;
	s2 =	sadd.s32 $0x40, s2  }
0x14b: {  	[tilespmem:s1+$0x18520] =	vst v4;
	s1 =	smov.u32 s3  }
0x14c: {  	v4 =	vld.idx.msk [tilespmem:v2+s22+$0x0], $0xffff  }
0x14d: {  	v3 =	vld.idx.msk [tilespmem:v3+s22+$0x0], $0xffff;
	_ =	sdelay $0x1  }
0x14e: {  	v5 =	vld.idx.msk [tilespmem:v1+s22+$0x0], $0xffff;
	_ =	sdelay $0x3  }
0x14f: {  	v0 =	vadd.s32 $0x7530, v0;
	v2 =	vadd.s32 $0x2710, v2;
	v3 =	vadd.f32 v3, v4;
	_ =	sdelay $0x1  }
0x150: {  	v1 =	vadd.s32 $0x2710, v1;
	v3 =	vadd.f32 v5, v3;
	_ =	sdelay $0x1  }
0x151: {  	[tilespmem:s1+$0x16080] =	vst v3  }
0x152: {  	v3 =	vld.idx.msk [tilespmem:v2+s22+$0x0], $0xffff  }
0x153: {  	v4 =	vld.idx.msk [tilespmem:v0+s22+$0x0], $0xffff  }
0x154: {  	s3 =	sshra.s32 s4, $0x2;
	v5 =	vld.idx.msk [tilespmem:v1+s22+$0x0], $0xffff  }
0x155: {  	v0 =	vld [tilespmem:s3+$0xC120]  }
0x156: {  	v2 =	vld [tilespmem:s3+$0x9C80]  }
.Ltmp8:
0x157: {  	(pc) =	sbr.rel @p4 .LBB2_12-.Ltmp8, $4  }
0x158: {  	_ = 	snop  }
0x159: {  	v4 =	vadd.f32 v4, v3;
	v1 =	vld [tilespmem:s3+$0xE5C0]  }
0x15a: {  	v3 =	vadd.s32 $0x4E20, v0  }
0x15b: {  	v4 =	vadd.f32 v5, v4  }
0x15c: {  	_ =	sdelay $0x2  }
0x15d: {  	[tilespmem:s1+$0x18520] =	vst v4  }
0x15e: {  	v4 =	vld.idx.msk [tilespmem:v2+s22+$0x0], $0xffff  }
0x15f: {  	v3 =	vld.idx.msk [tilespmem:v3+s22+$0x0], $0xffff;
	_ =	sdelay $0x1  }
0x160: {  	v5 =	vld.idx.msk [tilespmem:v1+s22+$0x0], $0xffff;
	_ =	sdelay $0x2  }
0x161: {  	v62 =	vadd.s32 $0x2710, v2;
	v3 =	vadd.f32 v3, v4  }
0x162: {  	v0 =	vadd.s32 $0x7530, v0  }
0x163: {  	v3 =	vadd.f32 v5, v3  }
0x164: {  	v63 =	vadd.s32 $0x2710, v1  }
0x165: {  	[tilespmem:s3+$0x16080] =	vst v3  }
0x166: {  	v2 =	vld.idx.msk [tilespmem:v62+s22+$0x0], $0xffff  }
0x167: {  	v0 =	vld.idx.msk [tilespmem:v0+s22+$0x0], $0xffff;
	_ =	sdelay $0x1  }
0x168: {  	v1 =	vld.idx.msk [tilespmem:v63+s22+$0x0], $0xffff;
	_ =	sdelay $0x2  }
0x169: {  	v0 =	vadd.f32 v0, v2;
	_ =	sdelay $0x1  }
0x16a: {  	v0 =	vadd.f32 v1, v0;
	_ =	sdelay $0x1  }
0x16b: {  	s6 =	rddreg [dreg:$0x16];
	[tilespmem:s3+$0x18520] =	vst v0  }
0x16c: {  	[hbm4b:s6+s22] =	stream.linear.scatter [tilespmem:s17], [sflag:$0x1], $0x24A0, $0x38;
	[tilespmem:$0x1C280] =	vst v63  }
0x16d: {  	_ =	swait.ge [sflag:s12], $0x24A0  }
0x16e: {  	s2 =	simm.s32 $0x18520;
	[sflag:s12] =	ssyncset.done $0x0  }
.Ltmp9:
0x16f: {  	s31 =	rddreg [dreg:$0x17];
	[sflag:s12] =	ssyncadd.s32 $0xFFFFDB60;
	(pc) =	sbr.rel .LBB2_17-.Ltmp9, $4  }
0x170: {  	[hbm4b:s31+s22] =	stream.linear.scatter [tilespmem:s2], [sflag:$0x1], $0x24A0, $0x38;
	[tilespmem:$0x1C280] =	vst v63  }
0x171: {  	_ =	swait.ge [sflag:s12], $0x24A0  }
0x172: {  	[sflag:s12] =	ssyncset.done $0x0  }
0x173: {  	[sflag:s12] =	ssyncadd.s32 $0xFFFFDB60  }
.LBB2_14:
0x174: {  	s1 =	simm.s32 $0x0;
	s2 =	rddreg [dreg:$0x19]  }
0x175: {  	[tilespmem:s1], [sflag:$0x1] =	stream.linear.gather [hbm4b:s2+s1], $0x2710, $0x38;
	[tilespmem:$0x1C280] =	vst v63  }
0x176: {  	_ =	swait.ge [sflag:s12], $0x2710  }
0x177: {  	[sflag:s12] =	ssyncset.done $0x0  }
0x178: {  	s4 =	rddreg [dreg:$0x1a];
	[sflag:s12] =	ssyncadd.s32 $0xFFFFD8F0  }
0x179: {  	[tilespmem:s13], [sflag:$0x1] =	stream.linear.gather [hbm4b:s4+s1], $0x2710, $0x38;
	[tilespmem:$0x1C280] =	vst v63  }
0x17a: {  	_ =	swait.ge [sflag:s12], $0x2710  }
0x17b: {  	[sflag:s12] =	ssyncset.done $0x0  }
0x17c: {  	s5 =	rddreg [dreg:$0x1b];
	[sflag:s12] =	ssyncadd.s32 $0xFFFFD8F0  }
0x17d: {  	[tilespmem:s19], [sflag:$0x1] =	stream.linear.gather [hbm4b:s5+s1], $0x2710, $0x38;
	[tilespmem:$0x1C280] =	vst v63  }
0x17e: {  	_ =	swait.ge [sflag:s12], $0x2710  }
0x17f: {  	[sflag:s12] =	ssyncset.done $0x0  }
0x180: {  	s6 =	rddreg [dreg:$0x1c];
	[sflag:s12] =	ssyncadd.s32 $0xFFFFD8F0  }
0x181: {  	[tilespmem:s20], [sflag:$0x1] =	stream.linear.gather [hbm4b:s6+s1], $0x2710, $0x38;
	[tilespmem:$0x1C280] =	vst v63  }
0x182: {  	_ =	swait.ge [sflag:s12], $0x2710  }
0x183: {  	[sflag:s12] =	ssyncset.done $0x0  }
0x184: {  	s31 =	simm.s32 $0x9C80;
	s3 =	rddreg [dreg:$0xb];
	[sflag:s12] =	ssyncadd.s32 $0xFFFFD8F0  }
0x185: {  	[tilespmem:s31], [sflag:$0x1] =	stream.linear.gather [hbm4b:s3+s1], $0x3100, $0x38;
	[tilespmem:$0x1C280] =	vst v63  }
0x186: {  	_ =	swait.ge [sflag:s12], $0x3100  }
0x187: {  	[sflag:s12] =	ssyncset.done $0x0  }
0x188: {  	s3 =	simm.s32 $0xCD80;
	s4 =	rddreg [dreg:$0xc];
	[sflag:s12] =	ssyncadd.s32 $0xFFFFCF00  }
0x189: {  	[tilespmem:s3], [sflag:$0x1] =	stream.linear.gather [hbm4b:s4+s1], $0x3100, $0x38;
	[tilespmem:$0x1C280] =	vst v63  }
0x18a: {  	_ =	swait.ge [sflag:s12], $0x3100  }
0x18b: {  	[sflag:s12] =	ssyncset.done $0x0  }
0x18c: {  	s6 =	simm.s32 $0xFE80;
	s5 =	rddreg [dreg:$0xd];
	[sflag:s12] =	ssyncadd.s32 $0xFFFFCF00  }
0x18d: {  	[tilespmem:s6], [sflag:$0x1] =	stream.linear.gather [hbm4b:s5+s1], $0x3100, $0x38;
	[tilespmem:$0x1C280] =	vst v63  }
0x18e: {  	_ =	swait.ge [sflag:s12], $0x3100  }
0x18f: {  	[sflag:s12] =	ssyncset.done $0x0  }
0x190: {  	s5 =	simm.s32 $0x12F80;
	s4 =	rddreg [dreg:$0x18];
	[sflag:s12] =	ssyncadd.s32 $0xFFFFCF00  }
0x191: {  	[tilespmem:s5], [sflag:$0x1] =	stream.linear.gather [hbm4b:s4+s1], $0x3100, $0x38;
	[tilespmem:$0x1C280] =	vst v63  }
0x192: {  	_ =	swait.ge [sflag:s12], $0x3100  }
0x193: {  	[sflag:s12] =	ssyncset.done $0x0  }
0x194: {  	s1 =	sand.u32 $0x3FF0, s1;
	[sflag:s12] =	ssyncadd.s32 $0xFFFFCF00  }
0x195: {  	v0 =	vld [tilespmem:s1+$0xCD80]  }
0x196: {  	v2 =	vld [tilespmem:s31+$0x0]  }
0x197: {  	v1 =	vld [tilespmem:s1+$0xFE80];
	_ =	sdelay $0x2  }
0x198: {  	v3 =	vadd.s32 $0x4E20, v0  }
0x199: {  	v4 =	vld [tilespmem:s1+$0x12F80]  }
0x19a: {  	v5 =	vadd.s32 $0x4E20, v1;
	_ =	sdelay $0x1  }
0x19b: {  	v6 =	vld.idx.msk [tilespmem:v2+s22+$0x0], $0xffff  }
0x19c: {  	v3 =	vld.idx.msk [tilespmem:v3+s22+$0x0], $0xffff;
	_ =	sdelay $0x1  }
0x19d: {  	v5 =	vld.idx.msk [tilespmem:v5+s22+$0x0], $0xffff;
	_ =	sdelay $0x1  }
0x19e: {  	v7 =	vld.idx.msk [tilespmem:v4+s22+$0x0], $0xffff  }
0x19f: {  	v3 =	vadd.f32 v3, v6;
	_ =	sdelay $0x1  }
0x1a0: {  	v2 =	vadd.s32 $0x2710, v2;
	v3 =	vadd.f32 v5, v3  }
0x1a1: {  	v0 =	vadd.s32 $0x7530, v0  }
0x1a2: {  	v3 =	vadd.f32 v7, v3  }
0x1a3: {  	s2 =	simm.s32 $0x16080  }
0x1a4: {  	v1 =	vadd.s32 $0x7530, v1;
	[tilespmem:s2+$0x0] =	vst v3  }
0x1a5: {  	v2 =	vld.idx.msk [tilespmem:v2+s22+$0x0], $0xffff  }
0x1a6: {  	v3 =	vadd.s32 $0x2710, v4;
	v0 =	vld.idx.msk [tilespmem:v0+s22+$0x0], $0xffff;
	_ =	sdelay $0x2  }
0x1a7: {  	v1 =	vld.idx.msk [tilespmem:v1+s22+$0x0], $0xffff;
	_ =	sdelay $0x1  }
0x1a8: {  	v2 =	vadd.f32 v0, v2;
	v0 =	vld.idx.msk [tilespmem:v3+s22+$0x0], $0xffff;
	_ =	sdelay $0x1  }
0x1a9: {  	s6 =	simm.s32 $0x10  }
0x1aa: {  	s3 =	sand.u32 $0x3FF0, s6;
	s4 =	simm.s32 $0x20;
	v1 =	vadd.f32 v1, v2  }
.LBB2_15:
0x1ab: {  	s31 =	sadd.s32 $0x10, s31  }
0x1ac: {  	v2 =	vld [tilespmem:s3+$0xCD80];
	v0 =	vadd.f32 v0, v1;
	s2 =	sadd.s32 $0x10, s2;
	s5 =	smov.u32 s4;
	s6 =	sadd.s32 $0x10, s4  }
0x1ad: {  	p4 =	sne.s32 s4, $0x30F0  }
0x1ae: {  	v1 =	vld [tilespmem:s3+$0xFE80];
	[tilespmem:s1+$0x19180] =	vst v0;
	s1 =	smov.u32 s3  }
0x1af: {  	v0 =	vld [tilespmem:s31+$0x0];
	_ =	sdelay $0x1  }
0x1b0: {  	v3 =	vadd.s32 $0x4E20, v2;
	_ =	sdelay $0x1  }
0x1b1: {  	v4 =	vld [tilespmem:s1+$0x12F80];
	v5 =	vadd.s32 $0x4E20, v1;
	_ =	sdelay $0x2  }
0x1b2: {  	v3 =	vld.idx.msk [tilespmem:v3+s22+$0x0], $0xffff  }
0x1b3: {  	v6 =	vld.idx.msk [tilespmem:v0+s22+$0x0], $0xffff;
	_ =	sdelay $0x1  }
0x1b4: {  	v5 =	vld.idx.msk [tilespmem:v5+s22+$0x0], $0xffff;
	_ =	sdelay $0x1  }
0x1b5: {  	v7 =	vld.idx.msk [tilespmem:v4+s22+$0x0], $0xffff;
	_ =	sdelay $0x1  }
0x1b6: {  	v3 =	vadd.f32 v3, v6;
	_ =	sdelay $0x1  }
0x1b7: {  	v2 =	vadd.s32 $0x7530, v2;
	v0 =	vadd.s32 $0x2710, v0;
	v3 =	vadd.f32 v5, v3;
	_ =	sdelay $0x1  }
0x1b8: {  	v4 =	vadd.s32 $0x2710, v4;
	v3 =	vadd.f32 v7, v3  }
0x1b9: {  	v1 =	vadd.s32 $0x7530, v1  }
0x1ba: {  	[tilespmem:s2+$0x0] =	vst v3  }
0x1bb: {  	v3 =	vld.idx.msk [tilespmem:v0+s22+$0x0], $0xffff  }
0x1bc: {  	v2 =	vld.idx.msk [tilespmem:v2+s22+$0x0], $0xffff  }
0x1bd: {  	v0 =	vld.idx.msk [tilespmem:v4+s22+$0x0], $0xffff  }
0x1be: {  	v1 =	vld.idx.msk [tilespmem:v1+s22+$0x0], $0xffff;
	_ =	sdelay $0x2  }
.Ltmp10:
0x1bf: {  	(pc) =	sbr.rel @p4 .LBB2_15-.Ltmp10, $3  }
0x1c0: {  	v2 =	vadd.f32 v2, v3;
	_ =	sdelay $0x1  }
0x1c1: {  	v1 =	vadd.f32 v1, v2  }
0x1c2: {  	s4 =	smov.u32 s6;
	s3 =	sand.u32 $0x3FF0, s5  }
0x1c3: {  	v2 =	vld [tilespmem:s3+$0xCD80];
	v0 =	vadd.f32 v0, v1;
	_ =	sdelay $0x1  }
0x1c4: {  	v62 =	vld [tilespmem:s3+$0xFE80];
	s4 =	sadd.s32 $0x10, s31;
	[tilespmem:s1+$0x19180] =	vst v0  }
0x1c5: {  	v0 =	vld [tilespmem:s4+$0x0];
	_ =	sdelay $0x1  }
0x1c6: {  	v3 =	vadd.s32 $0x4E20, v2;
	_ =	sdelay $0x1  }
0x1c7: {  	v4 =	vld [tilespmem:s3+$0x12F80]  }
0x1c8: {  	v5 =	vadd.s32 $0x4E20, v62;
	_ =	sdelay $0x1  }
0x1c9: {  	v3 =	vld.idx.msk [tilespmem:v3+s22+$0x0], $0xffff  }
0x1ca: {  	v6 =	vld.idx.msk [tilespmem:v0+s22+$0x0], $0xffff;
	_ =	sdelay $0x1  }
0x1cb: {  	v5 =	vld.idx.msk [tilespmem:v5+s22+$0x0], $0xffff;
	_ =	sdelay $0x1  }
0x1cc: {  	v7 =	vld.idx.msk [tilespmem:v4+s22+$0x0], $0xffff  }
0x1cd: {  	v3 =	vadd.f32 v3, v6;
	_ =	sdelay $0x1  }
0x1ce: {  	v0 =	vadd.s32 $0x2710, v0;
	v3 =	vadd.f32 v5, v3  }
0x1cf: {  	v2 =	vadd.s32 $0x7530, v2  }
0x1d0: {  	v3 =	vadd.f32 v7, v3  }
0x1d1: {  	s4 =	sadd.s32 $0x10, s2;
	v1 =	vadd.s32 $0x7530, v62  }
0x1d2: {  	[tilespmem:s4+$0x0] =	vst v3  }
0x1d3: {  	v63 =	vadd.s32 $0x2710, v4;
	v0 =	vld.idx.msk [tilespmem:v0+s22+$0x0], $0xffff  }
0x1d4: {  	v2 =	vld.idx.msk [tilespmem:v2+s22+$0x0], $0xffff;
	_ =	sdelay $0x1  }
0x1d5: {  	v1 =	vld.idx.msk [tilespmem:v1+s22+$0x0], $0xffff;
	_ =	sdelay $0x1  }
0x1d6: {  	v3 =	vld.idx.msk [tilespmem:v63+s22+$0x0], $0xffff  }
0x1d7: {  	v0 =	vadd.f32 v2, v0;
	_ =	sdelay $0x1  }
0x1d8: {  	v0 =	vadd.f32 v1, v0;
	_ =	sdelay $0x1  }
0x1d9: {  	v0 =	vadd.f32 v3, v0;
	_ =	sdelay $0x1  }
0x1da: {  	s5 =	rddreg [dreg:$0xe];
	[tilespmem:s3+$0x19180] =	vst v0  }
0x1db: {  	[hbm4b:s5+s22] =	stream.linear.scatter [tilespmem:s17], [sflag:$0x1], $0x3100, $0x38;
	[tilespmem:$0x1C280] =	vst v63  }
0x1dc: {  	_ =	swait.ge [sflag:s12], $0x3100  }
0x1dd: {  	[sflag:s12] =	ssyncset.done $0x0  }
0x1de: {  	s31 =	simm.s32 $0x19180;
	s6 =	rddreg [dreg:$0xf];
	[sflag:s12] =	ssyncadd.s32 $0xFFFFCF00  }
0x1df: {  	[hbm4b:s6+s22] =	stream.linear.scatter [tilespmem:s31], [sflag:$0x1], $0x3100, $0x38;
	[tilespmem:$0x1C280] =	vst v63  }
0x1e0: {  	_ =	swait.ge [sflag:s12], $0x3100  }
0x1e1: {  	[sflag:s12] =	ssyncset.done $0x0  }
0x1e2: {  	[sflag:s12] =	ssyncadd.s32 $0xFFFFCF00  }
.LBB2_17:
.Ltmp11:
0x1e3: {  	(pc) =	sbr.rel @p3 .LBB2_21-.Ltmp11, $1  }
0x1e4: {  	_ =	sdelay $0x3  }
0x1e5: {  	s1 =	simm.s32 $0x0  }
0x1e6: {  	[tilespmem:s1], [sflag:$0x1] =	stream.linear.gather [hbm4b:s21+s1], $0x2710, $0x38;
	[tilespmem:$0x1C280] =	vst v63  }
0x1e7: {  	_ =	swait.ge [sflag:s12], $0x2710  }
0x1e8: {  	[sflag:s12] =	ssyncset.done $0x0  }
0x1e9: {  	[sflag:s12] =	ssyncadd.s32 $0xFFFFD8F0  }
0x1ea: {  	[tilespmem:s13], [sflag:$0x1] =	stream.linear.gather [hbm4b:s28+s1], $0x2710, $0x38;
	[tilespmem:$0x1C280] =	vst v63  }
0x1eb: {  	_ =	swait.ge [sflag:s12], $0x2710  }
0x1ec: {  	[sflag:s12] =	ssyncset.done $0x0  }
0x1ed: {  	[sflag:s12] =	ssyncadd.s32 $0xFFFFD8F0  }
0x1ee: {  	[tilespmem:s19], [sflag:$0x1] =	stream.linear.gather [hbm4b:s10+s1], $0x2710, $0x38;
	[tilespmem:$0x1C280] =	vst v63  }
0x1ef: {  	_ =	swait.ge [sflag:s12], $0x2710  }
0x1f0: {  	[sflag:s12] =	ssyncset.done $0x0  }
0x1f1: {  	[sflag:s12] =	ssyncadd.s32 $0xFFFFD8F0  }
0x1f2: {  	[tilespmem:s20], [sflag:$0x1] =	stream.linear.gather [hbm4b:s11+s1], $0x2710, $0x38;
	[tilespmem:$0x1C280] =	vst v63  }
0x1f3: {  	_ =	swait.ge [sflag:s12], $0x2710  }
0x1f4: {  	[sflag:s12] =	ssyncset.done $0x0  }
0x1f5: {  	s31 =	simm.s32 $0x9C80;
	[sflag:s12] =	ssyncadd.s32 $0xFFFFD8F0  }
0x1f6: {  	[tilespmem:s31], [sflag:$0x1] =	stream.linear.gather [hbm4b:s25+s1], $0x1880, $0x38;
	[tilespmem:$0x1C280] =	vst v63  }
0x1f7: {  	_ =	swait.ge [sflag:s12], $0x1880  }
0x1f8: {  	[sflag:s12] =	ssyncset.done $0x0  }
0x1f9: {  	s2 =	simm.s32 $0xB500;
	[sflag:s12] =	ssyncadd.s32 $0xFFFFE780  }
0x1fa: {  	[tilespmem:s2], [sflag:$0x1] =	stream.linear.gather [hbm4b:s26+s1], $0x1880, $0x38;
	[tilespmem:$0x1C280] =	vst v63  }
0x1fb: {  	_ =	swait.ge [sflag:s12], $0x1880  }
0x1fc: {  	[sflag:s12] =	ssyncset.done $0x0  }
0x1fd: {  	s5 =	simm.s32 $0xCD80;
	[sflag:s12] =	ssyncadd.s32 $0xFFFFE780  }
0x1fe: {  	[tilespmem:s5], [sflag:$0x1] =	stream.linear.gather [hbm4b:s23+s1], $0x1880, $0x38;
	[tilespmem:$0x1C280] =	vst v63  }
0x1ff: {  	_ =	swait.ge [sflag:s12], $0x1880  }
0x200: {  	[sflag:s12] =	ssyncset.done $0x0  }
0x201: {  	s6 =	simm.s32 $0xE600;
	[sflag:s12] =	ssyncadd.s32 $0xFFFFE780  }
0x202: {  	[tilespmem:s6], [sflag:$0x1] =	stream.linear.gather [hbm4b:s24+s1], $0x1880, $0x38;
	[tilespmem:$0x1C280] =	vst v63  }
0x203: {  	_ =	swait.ge [sflag:s12], $0x1880  }
0x204: {  	[sflag:s12] =	ssyncset.done $0x0  }
0x205: {  	s1 =	sand.u32 $0x1FF0, s1;
	[sflag:s12] =	ssyncadd.s32 $0xFFFFE780  }
0x206: {  	v0 =	vld [tilespmem:s1+$0xB500]  }
0x207: {  	v2 =	vld [tilespmem:s31+$0x0]  }
0x208: {  	v1 =	vld [tilespmem:s1+$0xCD80];
	_ =	sdelay $0x1  }
0x209: {  	v3 =	vld [tilespmem:s1+$0xE600]  }
0x20a: {  	v4 =	vadd.s32 $0x4E20, v0;
	_ =	sdelay $0x1  }
0x20b: {  	v5 =	vadd.s32 $0x4E20, v1;
	_ =	sdelay $0x1  }
0x20c: {  	v6 =	vadd.s32 $0x4E20, v3;
	v7 =	vld.idx.msk [tilespmem:v2+s22+$0x0], $0xffff  }
0x20d: {  	v4 =	vld.idx.msk [tilespmem:v4+s22+$0x0], $0xffff;
	_ =	sdelay $0x1  }
0x20e: {  	v5 =	vld.idx.msk [tilespmem:v5+s22+$0x0], $0xffff;
	_ =	sdelay $0x1  }
0x20f: {  	v6 =	vld.idx.msk [tilespmem:v6+s22+$0x0], $0xffff  }
0x210: {  	v4 =	vadd.f32 v4, v7;
	_ =	sdelay $0x1  }
0x211: {  	v2 =	vadd.s32 $0x2710, v2;
	v4 =	vadd.f32 v5, v4  }
0x212: {  	v0 =	vadd.s32 $0x7530, v0  }
0x213: {  	v4 =	vadd.f32 v6, v4  }
0x214: {  	s2 =	simm.s32 $0x16080  }
0x215: {  	v1 =	vadd.s32 $0x7530, v1;
	[tilespmem:s2+$0x0] =	vst v4  }
0x216: {  	v2 =	vld.idx.msk [tilespmem:v2+s22+$0x0], $0xffff  }
0x217: {  	v3 =	vadd.s32 $0x7530, v3;
	v0 =	vld.idx.msk [tilespmem:v0+s22+$0x0], $0xffff;
	_ =	sdelay $0x2  }
0x218: {  	v1 =	vld.idx.msk [tilespmem:v1+s22+$0x0], $0xffff;
	_ =	sdelay $0x1  }
0x219: {  	v2 =	vadd.f32 v0, v2;
	v0 =	vld.idx.msk [tilespmem:v3+s22+$0x0], $0xffff;
	_ =	sdelay $0x1  }
0x21a: {  	s3 =	simm.s32 $0x10  }
0x21b: {  	s4 =	simm.s32 $0x20;
	s5 =	sand.u32 $0x1FF0, s3;
	v1 =	vadd.f32 v1, v2  }
.LBB2_19:
0x21c: {  	s31 =	sadd.s32 $0x10, s31  }
0x21d: {  	v2 =	vld [tilespmem:s5+$0xB500];
	v0 =	vadd.f32 v0, v1;
	s2 =	sadd.s32 $0x10, s2;
	s3 =	smov.u32 s4;
	s6 =	sadd.s32 $0x10, s4  }
0x21e: {  	p4 =	sne.s32 s4, $0x1870  }
0x21f: {  	v1 =	vld [tilespmem:s5+$0xCD80];
	[tilespmem:s1+$0x17900] =	vst v0;
	s1 =	smov.u32 s5  }
0x220: {  	v0 =	vld [tilespmem:s31+$0x0];
	_ =	sdelay $0x1  }
0x221: {  	v3 =	vld [tilespmem:s1+$0xE600];
	v4 =	vadd.s32 $0x4E20, v2;
	_ =	sdelay $0x1  }
0x222: {  	v5 =	vadd.s32 $0x4E20, v1;
	_ =	sdelay $0x2  }
0x223: {  	v4 =	vld.idx.msk [tilespmem:v4+s22+$0x0], $0xffff;
	v6 =	vadd.s32 $0x4E20, v3  }
0x224: {  	v7 =	vld.idx.msk [tilespmem:v0+s22+$0x0], $0xffff;
	_ =	sdelay $0x1  }
0x225: {  	v5 =	vld.idx.msk [tilespmem:v5+s22+$0x0], $0xffff;
	_ =	sdelay $0x1  }
0x226: {  	v6 =	vld.idx.msk [tilespmem:v6+s22+$0x0], $0xffff;
	_ =	sdelay $0x1  }
0x227: {  	v4 =	vadd.f32 v4, v7;
	_ =	sdelay $0x1  }
0x228: {  	v2 =	vadd.s32 $0x7530, v2;
	v0 =	vadd.s32 $0x2710, v0;
	v4 =	vadd.f32 v5, v4;
	_ =	sdelay $0x1  }
0x229: {  	v3 =	vadd.s32 $0x7530, v3;
	v4 =	vadd.f32 v6, v4  }
0x22a: {  	v1 =	vadd.s32 $0x7530, v1  }
0x22b: {  	[tilespmem:s2+$0x0] =	vst v4  }
0x22c: {  	v4 =	vld.idx.msk [tilespmem:v0+s22+$0x0], $0xffff  }
0x22d: {  	v2 =	vld.idx.msk [tilespmem:v2+s22+$0x0], $0xffff  }
0x22e: {  	v0 =	vld.idx.msk [tilespmem:v3+s22+$0x0], $0xffff  }
0x22f: {  	v1 =	vld.idx.msk [tilespmem:v1+s22+$0x0], $0xffff;
	_ =	sdelay $0x2  }
.Ltmp12:
0x230: {  	(pc) =	sbr.rel @p4 .LBB2_19-.Ltmp12, $3  }
0x231: {  	v2 =	vadd.f32 v2, v4;
	_ =	sdelay $0x1  }
0x232: {  	v1 =	vadd.f32 v1, v2  }
0x233: {  	s4 =	smov.u32 s6;
	s5 =	sand.u32 $0x1FF0, s3  }
.Ltmp13:
0x234: {  	_ = 	snop;
	(pc) =	sbr.rel .LBB2_20-.Ltmp13, $1  }
0x235: {  	_ =	sdelay $0x3  }
.LBB2_22:
0x236: {  	_ =	sfence.sel $0x180000  }
0x237: {  	[bflag:$0x0] =	sbarrier.arrive $0xFFFF  }
0x238: {  	_ =	strace $0x9000004A  }
0x239: {  	s0 =	stileid.u32;
	[bflag:$0x2] =	sbarrier.arrive $0xFFFF  }
0x23a: {  	p0 =	sne.s32 s0, $0x0;
	s0 =	rddreg [dreg:$0x4]  }
0x23b: {  	s0 =	sadd.s32 @!p0 $0x100000, s0  }
0x23c: {  	[sflag:s0] =	ssyncadd.tile.s32 @!p0 $0x1;
	_ =	shalt  }
.Lfunc_end2:
_tile_overlayer_lowered:
.L_overlay_start_2:
0x23d: {  	(tag) =	ssettag $0x2  }
0x23e: {  	s0 =	rddreg [dreg:$0x0];
	s2 =	stileid.u32  }
0x23f: {  	s1 =	rddreg [dreg:$0x1];
	p0 =	sne.s32 s2, $0x0  }
0x240: {  	s3 =	rddreg [dreg:$0x2];
	[bflag:$0x3] =	sbarrier.arrive $0xFFFF;
	s2 =	simm.s32 @!p0 $0x1C01  }
0x241: {  	[timem:s3], [sflag:s2] =	dma.local @!p0 [hbm:s0], s1  }
0x242: {  	s0 =	simm.s32 @!p0 $0x1  }
0x243: {  	_ =	swait.ge @!p0 [sflag:s0], s1  }
0x244: {  	s1 =	ssub.s32 @!p0 $0x0, s1;
	[sflag:s0] =	ssyncset.done @!p0 $0x0  }
0x245: {  	[sflag:s0] =	ssyncadd.s32 @!p0 s1  }
0x246: {  	[bflag:$0x3] =	sbarrier.arrive $0xFFFF  }
0x247: {  	_ =	shalt  }

</sc_bundles>
